<compile_context>
chip_gen: v7x
topology: tpu7x:2x2x1
jax: 0.10.2.dev20260603
libtpu: 0.0.44.dev20260713+nightly
codegen_flags: <defaults>
</compile_context>

<pallas_src>
import functools

import jax
import jax.numpy as jnp
from jax import lax
from jax.experimental import pallas as pl
from jax.experimental.pallas import tpu as pltpu
from jax.experimental.pallas import tpu_sc as plsc

N = 10000
E = 320000
D = 128
G = 64
NW = 32
EPW = E // NW
CH = 128
EPWP = 10240
NCH = EPWP // CH
EPAD = NW * EPWP - E
NPAD = 10240
RPT = NPAD // 16
NB = 2
BR = N // NB



def _degree_body(comb, deg_out, idx_v, ones_v, zero_v, deg_sh, ssem):
    cid = lax.axis_index("c")
    sid = lax.axis_index("s")
    wid = sid * 2 + cid
    for i in range(8):
        ones_v[pl.ds(i * 16, 16)] = jnp.full((16,), 1.0, jnp.float32)
    for i in range(40):
        zero_v[pl.ds(i * 16, 16)] = jnp.zeros((16,), jnp.float32)
    pltpu.sync_copy(zero_v, deg_sh.at[pl.ds(sid * 640, 640)])
    pltpu.sync_copy(comb.at[wid], idx_v)
    plsc.subcore_barrier()

    def step(j, carry):
        @pl.when(j >= 8)
        def _drain():
            pltpu.make_async_copy(ones_v, deg_sh.at[idx_v.at[j - 8, 1]],
                                  ssem.at[lax.rem(j, 8)]).wait()

        pltpu.async_copy(ones_v, deg_sh.at[idx_v.at[j, 1]],
                         ssem.at[lax.rem(j, 8)], add=True)
        return carry

    lax.fori_loop(0, NCH, step, 0)
    for t in range(8):
        pltpu.make_async_copy(ones_v, deg_sh.at[idx_v.at[NCH - 8 + t, 1]],
                              ssem.at[(NCH - 8 + t) % 8]).wait()
    plsc.subcore_barrier()
    pltpu.sync_copy(deg_sh.at[pl.ds(sid * 640, 640)],
                    deg_out.at[cid, pl.ds(sid * 640, 640)])


_degree = functools.partial(
    pl.kernel,
    out_type=jax.ShapeDtypeStruct((2, NPAD), jnp.float32),
    mesh=plsc.VectorSubcoreMesh(core_axis_name="c", subcore_axis_name="s"),
    scratch_types=[
        pltpu.VMEM((NCH, 2, CH), jnp.int32),
        pltpu.VMEM((CH,), jnp.float32),
        pltpu.VMEM((640,), jnp.float32),
        pltpu.VMEM_SHARED((NPAD,), jnp.float32),
        pltpu.SemaphoreType.DMA((8,)),
    ],
)(_degree_body)


def _scatter_body(hs, comb, out, idx_v, rows_v, acc_sh, gsem, isem, ssem,
                  fsem):
    cid = lax.axis_index("c")
    sid = lax.axis_index("s")
    wid = sid * 2 + cid

    def zrow(r, carry):
        for c in range(8):
            rows_v[0, r, pl.ds(c * 16, 16)] = jnp.zeros((16,), jnp.float32)
        return carry

    lax.fori_loop(0, CH, zrow, 0)
    for k in range(5):
        pltpu.async_copy(rows_v.at[0],
                         acc_sh.at[pl.ds(sid * RPT + k * CH, CH)], fsem.at[k])
    pltpu.sync_copy(comb.at[wid, 0], idx_v.at[0])
    for k in range(5):
        pltpu.make_async_copy(rows_v.at[0],
                              acc_sh.at[pl.ds(sid * RPT + k * CH, CH)],
                              fsem.at[k]).wait()
    plsc.subcore_barrier()
    pltpu.async_copy(hs.at[idx_v.at[0, 0]], rows_v.at[0], gsem.at[0])
    pltpu.async_copy(comb.at[wid, 1], idx_v.at[1], isem.at[1])

    def step(j, carry):
        p = lax.rem(j, 2)
        pn = 1 - p
        q = lax.rem(j, 3)
        qn = lax.rem(j + 1, 3)

        @pl.when((j + 1 < NCH) & (j >= 1))
        def _row_free():
            pltpu.make_async_copy(rows_v.at[pn],
                                  acc_sh.at[idx_v.at[lax.rem(j + 2, 3), 1]],
                                  ssem.at[pn]).wait()

        @pl.when(j + 1 < NCH)
        def _next_gather():
            pltpu.make_async_copy(comb.at[wid, j + 1], idx_v.at[qn],
                                  isem.at[qn]).wait()
            pltpu.async_copy(hs.at[idx_v.at[qn, 0]], rows_v.at[pn],
                             gsem.at[pn])

        pltpu.make_async_copy(hs.at[idx_v.at[q, 0]], rows_v.at[p],
                              gsem.at[p]).wait()
        pltpu.async_copy(rows_v.at[p], acc_sh.at[idx_v.at[q, 1]],
                         ssem.at[p], add=True)

        @pl.when(j + 2 < NCH)
        def _next_idx():
            pltpu.async_copy(comb.at[wid, j + 2], idx_v.at[lax.rem(j + 2, 3)],
                             isem.at[lax.rem(j + 2, 3)])

        return carry

    lax.fori_loop(0, NCH, step, 0)
    pltpu.make_async_copy(rows_v.at[(NCH - 2) % 2],
                          acc_sh.at[idx_v.at[(NCH - 2) % 3, 1]],
                          ssem.at[(NCH - 2) % 2]).wait()
    pltpu.make_async_copy(rows_v.at[(NCH - 1) % 2],
                          acc_sh.at[idx_v.at[(NCH - 1) % 3, 1]],
                          ssem.at[(NCH - 1) % 2]).wait()
    plsc.subcore_barrier()
    for k in range(5):
        r0 = sid * RPT + k * 128
        pltpu.async_copy(acc_sh.at[pl.ds(r0, 128)],
                         out.at[cid, pl.ds(r0, 128)], fsem.at[k])
    for k in range(5):
        r0 = sid * RPT + k * 128
        pltpu.make_async_copy(acc_sh.at[pl.ds(r0, 128)],
                              out.at[cid, pl.ds(r0, 128)], fsem.at[k]).wait()


_scatter = functools.partial(
    pl.kernel,
    out_type=jax.ShapeDtypeStruct((2, NPAD, D), jnp.float32),
    mesh=plsc.VectorSubcoreMesh(core_axis_name="c", subcore_axis_name="s"),
    scratch_types=[
        pltpu.VMEM((3, 2, CH), jnp.int32),
        pltpu.VMEM((2, CH, D), jnp.float32),
        pltpu.VMEM_SHARED((NPAD, D), jnp.float32),
        pltpu.SemaphoreType.DMA((2,)),
        pltpu.SemaphoreType.DMA((3,)),
        pltpu.SemaphoreType.DMA((2,)),
        pltpu.SemaphoreType.DMA((5,)),
    ],
)(_scatter_body)



def _tc_a_body(x_ref, w1_ref, deg_ref, hs_ref):
    dgp = deg_ref[...]
    dinv = lax.rsqrt(dgp[0] + dgp[1] + 1.0)
    hs_ref[...] = jnp.dot(x_ref[...], w1_ref[...],
                          preferred_element_type=jnp.float32) * dinv


def _tc_a(x, w1, deg3):
    return pl.pallas_call(
        _tc_a_body,
        grid=(NB,),
        in_specs=[
            pl.BlockSpec((BR, D), lambda i: (i, 0)),
            pl.BlockSpec((D, D), lambda i: (0, 0)),
            pl.BlockSpec((2, BR, 1), lambda i: (0, i, 0)),
        ],
        out_specs=pl.BlockSpec((BR, D), lambda i: (i, 0)),
        out_shape=jax.ShapeDtypeStruct((N, D), jnp.float32),
    )(x, w1, deg3)


def _tc_b_body(s1_ref, hs1_ref, deg_ref, b1_ref, w2_ref, hs2_ref):
    dgp = deg_ref[...]
    dinv = lax.rsqrt(dgp[0] + dgp[1] + 1.0)
    s = s1_ref[...]
    o1 = (s[0] + s[1] + hs1_ref[...]) * dinv + b1_ref[...]
    r = jnp.maximum(o1, 0.0)
    hs2_ref[...] = jnp.dot(r, w2_ref[...],
                           preferred_element_type=jnp.float32) * dinv


def _tc_b(s1, hs1, deg3, b1, w2):
    return pl.pallas_call(
        _tc_b_body,
        grid=(NB,),
        in_specs=[
            pl.BlockSpec((2, BR, D), lambda i: (0, i, 0)),
            pl.BlockSpec((BR, D), lambda i: (i, 0)),
            pl.BlockSpec((2, BR, 1), lambda i: (0, i, 0)),
            pl.BlockSpec((1, D), lambda i: (0, 0)),
            pl.BlockSpec((D, D), lambda i: (0, 0)),
        ],
        out_specs=pl.BlockSpec((BR, D), lambda i: (i, 0)),
        out_shape=jax.ShapeDtypeStruct((N, D), jnp.float32),
    )(s1, hs1, deg3, b1, w2)


def _tc_c_body(s2_ref, hs2_ref, deg_ref, b2_ref, batch_ref, lw_ref, lb_ref,
               out_ref, acc_s, acc_c):
    i = pl.program_id(0)

    @pl.when(i == 0)
    def _init():
        acc_s[...] = jnp.zeros((G, D), jnp.float32)
        acc_c[...] = jnp.zeros((G, D), jnp.float32)

    dgp = deg_ref[...]
    dinv = lax.rsqrt(dgp[0] + dgp[1] + 1.0)
    s = s2_ref[...]
    o2 = (s[0] + s[1] + hs2_ref[...]) * dinv + b2_ref[...]
    bb = batch_ref[0]
    gids = lax.broadcasted_iota(jnp.int32, (G, BR), 0)
    mb = (gids == bb).astype(jnp.float32)
    acc_s[...] += jnp.dot(mb, o2, preferred_element_type=jnp.float32)
    acc_c[...] += jnp.broadcast_to(
        jnp.sum(mb, axis=1, keepdims=True), (G, D))

    @pl.when(i == NB - 1)
    def _fin():
        hg = acc_s[...] / jnp.maximum(acc_c[...], 1.0)
        out_ref[...] = jnp.dot(hg, lw_ref[...],
                               preferred_element_type=jnp.float32) + lb_ref[...]


def _tc_c(s2, hs2, deg3, b2, batch_r, lin_w, lin_b):
    return pl.pallas_call(
        _tc_c_body,
        grid=(NB,),
        in_specs=[
            pl.BlockSpec((2, BR, D), lambda i: (0, i, 0)),
            pl.BlockSpec((BR, D), lambda i: (i, 0)),
            pl.BlockSpec((2, BR, 1), lambda i: (0, i, 0)),
            pl.BlockSpec((1, D), lambda i: (0, 0)),
            pl.BlockSpec((1, 1, BR), lambda i: (i, 0, 0)),
            pl.BlockSpec((D, 10), lambda i: (0, 0)),
            pl.BlockSpec((1, 10), lambda i: (0, 0)),
        ],
        out_specs=pl.BlockSpec((G, 10), lambda i: (0, 0)),
        out_shape=jax.ShapeDtypeStruct((G, 10), jnp.float32),
        scratch_shapes=[
            pltpu.VMEM((G, D), jnp.float32),
            pltpu.VMEM((G, D), jnp.float32),
        ],
        compiler_params=pltpu.CompilerParams(
            dimension_semantics=("arbitrary",)),
    )(s2, hs2, deg3, b2, batch_r, lin_w, lin_b)



def kernel(x, edge_index, batch, W1, b1, W2, b2, lin_W, lin_b):
    pad_src = jnp.arange(EPAD, dtype=jnp.int32) % N
    pad_dst = N + (jnp.arange(EPAD, dtype=jnp.int32) % (NPAD - N))
    src_p = jnp.concatenate([edge_index[0], pad_src]).reshape(NW, NCH, CH)
    dst_p = jnp.concatenate([edge_index[1], pad_dst]).reshape(NW, NCH, CH)
    comb = jnp.stack([src_p, dst_p], axis=2)
    degp = _degree(comb)
    deg3 = degp[:, :N].reshape(2, N, 1)
    hs1 = _tc_a(x, W1, deg3)
    s1 = _scatter(hs1, comb)
    hs2 = _tc_b(s1, hs1, deg3, b1.reshape(1, D), W2)
    s2 = _scatter(hs2, comb)
    out = _tc_c(s2, hs2, deg3, b2.reshape(1, D),
                batch.reshape(NB, 1, BR), lin_W, lin_b.reshape(1, 10))
    return out

# --- scband reference (transcript-rebuilt; emitter-appended) ---
"""Pipeline reference for scband-graph-model-52046413693133 (READ-ONLY COPY).

The authoritative reference and input builder live on the scoring server;
editing this copy changes nothing except your own understanding.
"""

import jax, jax.numpy as jnp
import numpy as np

N_NODES = 10000
N_EDGES = 320000
IN_DIM = 128
HIDDEN = 128
OUT_DIM = 10
N_GRAPHS = 64


def setup_inputs(seed: int = 0) -> dict:
    key = jax.random.key(seed)
    ks = jax.random.split(key, 10)
    x = jax.random.normal(ks[0], (N_NODES, IN_DIM), dtype=jnp.float32)
    edge_index = jax.random.randint(ks[1], (2, N_EDGES), 0, N_NODES, dtype=jnp.int32)
    batch = jnp.sort(jax.random.randint(ks[2], (N_NODES,), 0, N_GRAPHS, dtype=jnp.int32))
    W1 = jax.random.normal(ks[3], (IN_DIM, HIDDEN), dtype=jnp.float32) * (1.0 / np.sqrt(IN_DIM))
    b1 = jnp.zeros((HIDDEN,), dtype=jnp.float32)
    W2 = jax.random.normal(ks[4], (HIDDEN, HIDDEN), dtype=jnp.float32) * (1.0 / np.sqrt(HIDDEN))
    b2 = jnp.zeros((HIDDEN,), dtype=jnp.float32)
    lin_W = jax.random.normal(ks[5], (HIDDEN, OUT_DIM), dtype=jnp.float32) * (1.0 / np.sqrt(HIDDEN))
    lin_b = jnp.zeros((OUT_DIM,), dtype=jnp.float32)
    return {"x": x, "edge_index": edge_index, "batch": batch,
            "W1": W1, "b1": b1, "W2": W2, "b2": b2,
            "lin_W": lin_W, "lin_b": lin_b}


def _gcn_conv(x, edge_index, W, b):
    # GCNConv with added self-loops and symmetric normalization
    loop = jnp.arange(N_NODES, dtype=edge_index.dtype)
    src = jnp.concatenate([edge_index[0], loop])
    dst = jnp.concatenate([edge_index[1], loop])
    deg = jnp.zeros((N_NODES,), dtype=jnp.float32).at[dst].add(1.0)
    deg_inv_sqrt = jnp.where(deg > 0, jax.lax.rsqrt(jnp.maximum(deg, 1e-12)), 0.0)
    norm = deg_inv_sqrt[src] * deg_inv_sqrt[dst]
    h = x @ W
    msgs = h[src] * norm[:, None]
    out = jnp.zeros_like(h).at[dst].add(msgs)
    return out + b


def reference(x, edge_index, batch, W1, b1, W2, b2, lin_W, lin_b):
    h = jax.nn.relu(_gcn_conv(x, edge_index, W1, b1))
    h = _gcn_conv(h, edge_index, W2, b2)
    # global_mean_pool over graph ids in `batch`
    sums = jax.ops.segment_sum(h, batch, num_segments=N_GRAPHS)
    cnts = jax.ops.segment_sum(jnp.ones((N_NODES,), dtype=jnp.float32), batch, num_segments=N_GRAPHS)
    hg = sums / jnp.maximum(cnts, 1.0)[:, None]
    return hg @ lin_W + lin_b

if __name__ == "__main__":
    import jax
    _d = setup_inputs()
    print(jax.jit(kernel)(*tuple(_d.values())))

</pallas_src>

<mosaic_0001>
#map = affine_map<(d0, d1) -> (0, 0)>
#map1 = affine_map<(d0, d1) -> (0, 0, 0, 0)>
#map2 = affine_map<(d0, d1) -> (0, 0, 0)>
module attributes {stable_mosaic.version = 14 : i64} {
  func.func @_scatter_body(%arg0: i32, %arg1: i32, %arg2: memref<10000x128xf32, #tpu.memory_space<hbm>>, %arg3: memref<32x80x2x128xi32, #tpu.memory_space<hbm>>, %arg4: memref<2x10240x128xf32, #tpu.memory_space<hbm>>, %arg5: memref<3x2x128xi32, #tpu.memory_space<vmem>>, %arg6: memref<2x128x128xf32, #tpu.memory_space<vmem>>, %arg7: memref<10240x128xf32, #tpu.memory_space<vmem_shared>>, %arg8: memref<2x!tpu.dma_semaphore, #tpu.memory_space<semaphore_mem>>, %arg9: memref<3x!tpu.dma_semaphore, #tpu.memory_space<semaphore_mem>>, %arg10: memref<2x!tpu.dma_semaphore, #tpu.memory_space<semaphore_mem>>, %arg11: memref<5x!tpu.dma_semaphore, #tpu.memory_space<semaphore_mem>>) attributes {dimension_semantics = [#tpu.dimension_semantics<core_parallel>, #tpu.dimension_semantics<subcore_parallel>], iteration_bounds = array<i64: 2, 16>, scalar_prefetch = 0 : i64, scratch_operands = 7 : i64, tpu.core_type = #tpu.core_type<sc_vector_subcore>, window_params = [{transform_indices = #map}, {transform_indices = #map1}, {transform_indices = #map2}]} {
    %mul3A = arith.constant 2 : i32
    %mul3A_0 = arith.muli %arg1, %mul3A : i32
    %add3A = arith.addi %mul3A_0, %arg0 : i32
    %scan3A = arith.constant 0 : i32
    %scan3A_1 = arith.constant 0 : i32
    %scan3A_2 = arith.constant 128 : i32
    %scan3A_3 = arith.addi %scan3A_1, %scan3A_2 : i32
    %scan3A_4 = arith.constant 1 : i32
    scf.for %scan3A_401 = %scan3A_1 to %scan3A_3 step %scan3A_4  : i32 {
      %broadcast_in_dim3A = arith.constant 0.000000e+00 : f32
      %broadcast_in_dim3A_402 = vector.broadcast %broadcast_in_dim3A : f32 to vector<16xf32>
      %swap3A = arith.constant 0 : i32
      %swap3A_403 = arith.index_cast %swap3A : i32 to index
      %swap3A_404 = arith.index_cast %scan3A_401 : i32 to index
      %swap3A_405 = arith.constant 0 : index
      %swap3A_406 = tpu.vector_load %arg6[%swap3A_403, %swap3A_404, %swap3A_405] {strides = array<i32>} : memref<2x128x128xf32, #tpu.memory_space<vmem>>, vector<1x1x16xf32>,
      %swap3A_407 = vector.shape_cast %swap3A_406 : vector<1x1x16xf32> to vector<16xf32>
      %swap3A_408 = vector.shape_cast %broadcast_in_dim3A_402 : vector<16xf32> to vector<1x1x16xf32>
      tpu.vector_store %arg6[%swap3A_403, %swap3A_404, %swap3A_405], %swap3A_408 {strides = array<i32>} : memref<2x128x128xf32, #tpu.memory_space<vmem>>, vector<1x1x16xf32>,
      %broadcast_in_dim3A_409 = arith.constant 0.000000e+00 : f32
      %broadcast_in_dim3A_410 = vector.broadcast %broadcast_in_dim3A_409 : f32 to vector<16xf32>
      %swap3A_411 = arith.constant 0 : i32
      %swap3A_412 = arith.index_cast %swap3A_411 : i32 to index
      %swap3A_413 = arith.index_cast %scan3A_401 : i32 to index
      %swap3A_414 = arith.constant 16 : index
      %swap3A_415 = tpu.vector_load %arg6[%swap3A_412, %swap3A_413, %swap3A_414] {strides = array<i32>} : memref<2x128x128xf32, #tpu.memory_space<vmem>>, vector<1x1x16xf32>,
      %swap3A_416 = vector.shape_cast %swap3A_415 : vector<1x1x16xf32> to vector<16xf32>
      %swap3A_417 = vector.shape_cast %broadcast_in_dim3A_410 : vector<16xf32> to vector<1x1x16xf32>
      tpu.vector_store %arg6[%swap3A_412, %swap3A_413, %swap3A_414], %swap3A_417 {strides = array<i32>} : memref<2x128x128xf32, #tpu.memory_space<vmem>>, vector<1x1x16xf32>,
      %broadcast_in_dim3A_418 = arith.constant 0.000000e+00 : f32
      %broadcast_in_dim3A_419 = vector.broadcast %broadcast_in_dim3A_418 : f32 to vector<16xf32>
      %swap3A_420 = arith.constant 0 : i32
      %swap3A_421 = arith.index_cast %swap3A_420 : i32 to index
      %swap3A_422 = arith.index_cast %scan3A_401 : i32 to index
      %swap3A_423 = arith.constant 32 : index
      %swap3A_424 = tpu.vector_load %arg6[%swap3A_421, %swap3A_422, %swap3A_423] {strides = array<i32>} : memref<2x128x128xf32, #tpu.memory_space<vmem>>, vector<1x1x16xf32>,
      %swap3A_425 = vector.shape_cast %swap3A_424 : vector<1x1x16xf32> to vector<16xf32>
      %swap3A_426 = vector.shape_cast %broadcast_in_dim3A_419 : vector<16xf32> to vector<1x1x16xf32>
      tpu.vector_store %arg6[%swap3A_421, %swap3A_422, %swap3A_423], %swap3A_426 {strides = array<i32>} : memref<2x128x128xf32, #tpu.memory_space<vmem>>, vector<1x1x16xf32>,
      %broadcast_in_dim3A_427 = arith.constant 0.000000e+00 : f32
      %broadcast_in_dim3A_428 = vector.broadcast %broadcast_in_dim3A_427 : f32 to vector<16xf32>
      %swap3A_429 = arith.constant 0 : i32
      %swap3A_430 = arith.index_cast %swap3A_429 : i32 to index
      %swap3A_431 = arith.index_cast %scan3A_401 : i32 to index
      %swap3A_432 = arith.constant 48 : index
      %swap3A_433 = tpu.vector_load %arg6[%swap3A_430, %swap3A_431, %swap3A_432] {strides = array<i32>} : memref<2x128x128xf32, #tpu.memory_space<vmem>>, vector<1x1x16xf32>,
      %swap3A_434 = vector.shape_cast %swap3A_433 : vector<1x1x16xf32> to vector<16xf32>
      %swap3A_435 = vector.shape_cast %broadcast_in_dim3A_428 : vector<16xf32> to vector<1x1x16xf32>
      tpu.vector_store %arg6[%swap3A_430, %swap3A_431, %swap3A_432], %swap3A_435 {strides = array<i32>} : memref<2x128x128xf32, #tpu.memory_space<vmem>>, vector<1x1x16xf32>,
      %broadcast_in_dim3A_436 = arith.constant 0.000000e+00 : f32
      %broadcast_in_dim3A_437 = vector.broadcast %broadcast_in_dim3A_436 : f32 to vector<16xf32>
      %swap3A_438 = arith.constant 0 : i32
      %swap3A_439 = arith.index_cast %swap3A_438 : i32 to index
      %swap3A_440 = arith.index_cast %scan3A_401 : i32 to index
      %swap3A_441 = arith.constant 64 : index
      %swap3A_442 = tpu.vector_load %arg6[%swap3A_439, %swap3A_440, %swap3A_441] {strides = array<i32>} : memref<2x128x128xf32, #tpu.memory_space<vmem>>, vector<1x1x16xf32>,
      %swap3A_443 = vector.shape_cast %swap3A_442 : vector<1x1x16xf32> to vector<16xf32>
      %swap3A_444 = vector.shape_cast %broadcast_in_dim3A_437 : vector<16xf32> to vector<1x1x16xf32>
      tpu.vector_store %arg6[%swap3A_439, %swap3A_440, %swap3A_441], %swap3A_444 {strides = array<i32>} : memref<2x128x128xf32, #tpu.memory_space<vmem>>, vector<1x1x16xf32>,
      %broadcast_in_dim3A_445 = arith.constant 0.000000e+00 : f32
      %broadcast_in_dim3A_446 = vector.broadcast %broadcast_in_dim3A_445 : f32 to vector<16xf32>
      %swap3A_447 = arith.constant 0 : i32
      %swap3A_448 = arith.index_cast %swap3A_447 : i32 to index
      %swap3A_449 = arith.index_cast %scan3A_401 : i32 to index
      %swap3A_450 = arith.constant 80 : index
      %swap3A_451 = tpu.vector_load %arg6[%swap3A_448, %swap3A_449, %swap3A_450] {strides = array<i32>} : memref<2x128x128xf32, #tpu.memory_space<vmem>>, vector<1x1x16xf32>,
      %swap3A_452 = vector.shape_cast %swap3A_451 : vector<1x1x16xf32> to vector<16xf32>
      %swap3A_453 = vector.shape_cast %broadcast_in_dim3A_446 : vector<16xf32> to vector<1x1x16xf32>
      tpu.vector_store %arg6[%swap3A_448, %swap3A_449, %swap3A_450], %swap3A_453 {strides = array<i32>} : memref<2x128x128xf32, #tpu.memory_space<vmem>>, vector<1x1x16xf32>,
      %broadcast_in_dim3A_454 = arith.constant 0.000000e+00 : f32
      %broadcast_in_dim3A_455 = vector.broadcast %broadcast_in_dim3A_454 : f32 to vector<16xf32>
      %swap3A_456 = arith.constant 0 : i32
      %swap3A_457 = arith.index_cast %swap3A_456 : i32 to index
      %swap3A_458 = arith.index_cast %scan3A_401 : i32 to index
      %swap3A_459 = arith.constant 96 : index
      %swap3A_460 = tpu.vector_load %arg6[%swap3A_457, %swap3A_458, %swap3A_459] {strides = array<i32>} : memref<2x128x128xf32, #tpu.memory_space<vmem>>, vector<1x1x16xf32>,
      %swap3A_461 = vector.shape_cast %swap3A_460 : vector<1x1x16xf32> to vector<16xf32>
      %swap3A_462 = vector.shape_cast %broadcast_in_dim3A_455 : vector<16xf32> to vector<1x1x16xf32>
      tpu.vector_store %arg6[%swap3A_457, %swap3A_458, %swap3A_459], %swap3A_462 {strides = array<i32>} : memref<2x128x128xf32, #tpu.memory_space<vmem>>, vector<1x1x16xf32>,
      %broadcast_in_dim3A_463 = arith.constant 0.000000e+00 : f32
      %broadcast_in_dim3A_464 = vector.broadcast %broadcast_in_dim3A_463 : f32 to vector<16xf32>
      %swap3A_465 = arith.constant 0 : i32
      %swap3A_466 = arith.index_cast %swap3A_465 : i32 to index
      %swap3A_467 = arith.index_cast %scan3A_401 : i32 to index
      %swap3A_468 = arith.constant 112 : index
      %swap3A_469 = tpu.vector_load %arg6[%swap3A_466, %swap3A_467, %swap3A_468] {strides = array<i32>} : memref<2x128x128xf32, #tpu.memory_space<vmem>>, vector<1x1x16xf32>,
      %swap3A_470 = vector.shape_cast %swap3A_469 : vector<1x1x16xf32> to vector<16xf32>
      %swap3A_471 = vector.shape_cast %broadcast_in_dim3A_464 : vector<16xf32> to vector<1x1x16xf32>
      tpu.vector_store %arg6[%swap3A_466, %swap3A_467, %swap3A_468], %swap3A_471 {strides = array<i32>} : memref<2x128x128xf32, #tpu.memory_space<vmem>>, vector<1x1x16xf32>,
    }
    %scan3A_5 = arith.constant 128 : i32
    %mul3A_6 = arith.constant 640 : i32
    %mul3A_7 = arith.muli %arg1, %mul3A_6 : i32
    %add3A_8 = arith.constant 0 : i32
    %add3A_9 = arith.addi %mul3A_7, %add3A_8 : i32
    %dma_start3A = arith.constant 0 : i32
    %dma_start3A_10 = arith.constant 0 : i32
    %dma_start3A_11 = arith.constant 0 : i32
    %dma_start3A_12 = arith.constant 0 : i32
    %dma_start3A_13 = tpu.memref_slice %arg6[%dma_start3A, %dma_start3A_11, %dma_start3A_12] : memref<2x128x128xf32, #tpu.memory_space<vmem>> -> memref<1x128x128xf32, #tpu.memory_space<vmem>>
    %dma_start3A_14 = tpu.memref_squeeze %dma_start3A_13 : memref<1x128x128xf32, #tpu.memory_space<vmem>> -> memref<128x128xf32, #tpu.memory_space<vmem>>
    %dma_start3A_15 = arith.constant 0 : i32
    %dma_start3A_16 = tpu.memref_slice %arg7[%add3A_9, %dma_start3A_15] : memref<10240x128xf32, #tpu.memory_space<vmem_shared>> -> memref<128x128xf32, #tpu.memory_space<vmem_shared>>
    %dma_start3A_17 = tpu.memref_slice %arg11[%dma_start3A_10] : memref<5x!tpu.dma_semaphore, #tpu.memory_space<semaphore_mem>> -> memref<1x!tpu.dma_semaphore, #tpu.memory_space<semaphore_mem>>
    %dma_start3A_18 = tpu.memref_squeeze %dma_start3A_17 : memref<1x!tpu.dma_semaphore, #tpu.memory_space<semaphore_mem>> -> memref<!tpu.dma_semaphore, #tpu.memory_space<semaphore_mem>>
    %dma_start3A_19 = arith.constant 0 : i32
    %dma_start3A_20 = tpu.memref_slice %arg7[%add3A_9, %dma_start3A_19] : memref<10240x128xf32, #tpu.memory_space<vmem_shared>> -> memref<128x128xf32, #tpu.memory_space<vmem_shared>>
    %dma_start3A_21 = arith.constant 0 : i32
    %dma_start3A_22 = arith.constant 0 : i32
    %dma_start3A_23 = tpu.memref_slice %arg6[%dma_start3A, %dma_start3A_21, %dma_start3A_22] : memref<2x128x128xf32, #tpu.memory_space<vmem>> -> memref<1x128x128xf32, #tpu.memory_space<vmem>>
    %dma_start3A_24 = tpu.memref_squeeze %dma_start3A_23 : memref<1x128x128xf32, #tpu.memory_space<vmem>> -> memref<128x128xf32, #tpu.memory_space<vmem>>
    tpu.enqueue_dma source(%dma_start3A_24 : memref<128x128xf32, #tpu.memory_space<vmem>>) target(%dma_start3A_20 : memref<128x128xf32, #tpu.memory_space<vmem_shared>>) target_semaphore(%dma_start3A_18 : memref<!tpu.dma_semaphore, #tpu.memory_space<semaphore_mem>>)
    %mul3A_25 = arith.constant 640 : i32
    %mul3A_26 = arith.muli %arg1, %mul3A_25 : i32
    %add3A_27 = arith.constant 128 : i32
    %add3A_28 = arith.addi %mul3A_26, %add3A_27 : i32
    %dma_start3A_29 = arith.constant 0 : i32
    %dma_start3A_30 = arith.constant 1 : i32
    %dma_start3A_31 = arith.constant 0 : i32
    %dma_start3A_32 = arith.constant 0 : i32
    %dma_start3A_33 = tpu.memref_slice %arg6[%dma_start3A_29, %dma_start3A_31, %dma_start3A_32] : memref<2x128x128xf32, #tpu.memory_space<vmem>> -> memref<1x128x128xf32, #tpu.memory_space<vmem>>
    %dma_start3A_34 = tpu.memref_squeeze %dma_start3A_33 : memref<1x128x128xf32, #tpu.memory_space<vmem>> -> memref<128x128xf32, #tpu.memory_space<vmem>>
    %dma_start3A_35 = arith.constant 0 : i32
    %dma_start3A_36 = tpu.memref_slice %arg7[%add3A_28, %dma_start3A_35] : memref<10240x128xf32, #tpu.memory_space<vmem_shared>> -> memref<128x128xf32, #tpu.memory_space<vmem_shared>>
    %dma_start3A_37 = tpu.memref_slice %arg11[%dma_start3A_30] : memref<5x!tpu.dma_semaphore, #tpu.memory_space<semaphore_mem>> -> memref<1x!tpu.dma_semaphore, #tpu.memory_space<semaphore_mem>>
    %dma_start3A_38 = tpu.memref_squeeze %dma_start3A_37 : memref<1x!tpu.dma_semaphore, #tpu.memory_space<semaphore_mem>> -> memref<!tpu.dma_semaphore, #tpu.memory_space<semaphore_mem>>
    %dma_start3A_39 = arith.constant 0 : i32
    %dma_start3A_40 = tpu.memref_slice %arg7[%add3A_28, %dma_start3A_39] : memref<10240x128xf32, #tpu.memory_space<vmem_shared>> -> memref<128x128xf32, #tpu.memory_space<vmem_shared>>
    %dma_start3A_41 = arith.constant 0 : i32
    %dma_start3A_42 = arith.constant 0 : i32
    %dma_start3A_43 = tpu.memref_slice %arg6[%dma_start3A_29, %dma_start3A_41, %dma_start3A_42] : memref<2x128x128xf32, #tpu.memory_space<vmem>> -> memref<1x128x128xf32, #tpu.memory_space<vmem>>
    %dma_start3A_44 = tpu.memref_squeeze %dma_start3A_43 : memref<1x128x128xf32, #tpu.memory_space<vmem>> -> memref<128x128xf32, #tpu.memory_space<vmem>>
    tpu.enqueue_dma source(%dma_start3A_44 : memref<128x128xf32, #tpu.memory_space<vmem>>) target(%dma_start3A_40 : memref<128x128xf32, #tpu.memory_space<vmem_shared>>) target_semaphore(%dma_start3A_38 : memref<!tpu.dma_semaphore, #tpu.memory_space<semaphore_mem>>)
    %mul3A_45 = arith.constant 640 : i32
    %mul3A_46 = arith.muli %arg1, %mul3A_45 : i32
    %add3A_47 = arith.constant 256 : i32
    %add3A_48 = arith.addi %mul3A_46, %add3A_47 : i32
    %dma_start3A_49 = arith.constant 0 : i32
    %dma_start3A_50 = arith.constant 2 : i32
    %dma_start3A_51 = arith.constant 0 : i32
    %dma_start3A_52 = arith.constant 0 : i32
    %dma_start3A_53 = tpu.memref_slice %arg6[%dma_start3A_49, %dma_start3A_51, %dma_start3A_52] : memref<2x128x128xf32, #tpu.memory_space<vmem>> -> memref<1x128x128xf32, #tpu.memory_space<vmem>>
    %dma_start3A_54 = tpu.memref_squeeze %dma_start3A_53 : memref<1x128x128xf32, #tpu.memory_space<vmem>> -> memref<128x128xf32, #tpu.memory_space<vmem>>
    %dma_start3A_55 = arith.constant 0 : i32
    %dma_start3A_56 = tpu.memref_slice %arg7[%add3A_48, %dma_start3A_55] : memref<10240x128xf32, #tpu.memory_space<vmem_shared>> -> memref<128x128xf32, #tpu.memory_space<vmem_shared>>
    %dma_start3A_57 = tpu.memref_slice %arg11[%dma_start3A_50] : memref<5x!tpu.dma_semaphore, #tpu.memory_space<semaphore_mem>> -> memref<1x!tpu.dma_semaphore, #tpu.memory_space<semaphore_mem>>
    %dma_start3A_58 = tpu.memref_squeeze %dma_start3A_57 : memref<1x!tpu.dma_semaphore, #tpu.memory_space<semaphore_mem>> -> memref<!tpu.dma_semaphore, #tpu.memory_space<semaphore_mem>>
    %dma_start3A_59 = arith.constant 0 : i32
    %dma_start3A_60 = tpu.memref_slice %arg7[%add3A_48, %dma_start3A_59] : memref<10240x128xf32, #tpu.memory_space<vmem_shared>> -> memref<128x128xf32, #tpu.memory_space<vmem_shared>>
    %dma_start3A_61 = arith.constant 0 : i32
    %dma_start3A_62 = arith.constant 0 : i32
    %dma_start3A_63 = tpu.memref_slice %arg6[%dma_start3A_49, %dma_start3A_61, %dma_start3A_62] : memref<2x128x128xf32, #tpu.memory_space<vmem>> -> memref<1x128x128xf32, #tpu.memory_space<vmem>>
    %dma_start3A_64 = tpu.memref_squeeze %dma_start3A_63 : memref<1x128x128xf32, #tpu.memory_space<vmem>> -> memref<128x128xf32, #tpu.memory_space<vmem>>
    tpu.enqueue_dma source(%dma_start3A_64 : memref<128x128xf32, #tpu.memory_space<vmem>>) target(%dma_start3A_60 : memref<128x128xf32, #tpu.memory_space<vmem_shared>>) target_semaphore(%dma_start3A_58 : memref<!tpu.dma_semaphore, #tpu.memory_space<semaphore_mem>>)
    %mul3A_65 = arith.constant 640 : i32
    %mul3A_66 = arith.muli %arg1, %mul3A_65 : i32
    %add3A_67 = arith.constant 384 : i32
    %add3A_68 = arith.addi %mul3A_66, %add3A_67 : i32
    %dma_start3A_69 = arith.constant 0 : i32
    %dma_start3A_70 = arith.constant 3 : i32
    %dma_start3A_71 = arith.constant 0 : i32
    %dma_start3A_72 = arith.constant 0 : i32
    %dma_start3A_73 = tpu.memref_slice %arg6[%dma_start3A_69, %dma_start3A_71, %dma_start3A_72] : memref<2x128x128xf32, #tpu.memory_space<vmem>> -> memref<1x128x128xf32, #tpu.memory_space<vmem>>
    %dma_start3A_74 = tpu.memref_squeeze %dma_start3A_73 : memref<1x128x128xf32, #tpu.memory_space<vmem>> -> memref<128x128xf32, #tpu.memory_space<vmem>>
    %dma_start3A_75 = arith.constant 0 : i32
    %dma_start3A_76 = tpu.memref_slice %arg7[%add3A_68, %dma_start3A_75] : memref<10240x128xf32, #tpu.memory_space<vmem_shared>> -> memref<128x128xf32, #tpu.memory_space<vmem_shared>>
    %dma_start3A_77 = tpu.memref_slice %arg11[%dma_start3A_70] : memref<5x!tpu.dma_semaphore, #tpu.memory_space<semaphore_mem>> -> memref<1x!tpu.dma_semaphore, #tpu.memory_space<semaphore_mem>>
    %dma_start3A_78 = tpu.memref_squeeze %dma_start3A_77 : memref<1x!tpu.dma_semaphore, #tpu.memory_space<semaphore_mem>> -> memref<!tpu.dma_semaphore, #tpu.memory_space<semaphore_mem>>
    %dma_start3A_79 = arith.constant 0 : i32
    %dma_start3A_80 = tpu.memref_slice %arg7[%add3A_68, %dma_start3A_79] : memref<10240x128xf32, #tpu.memory_space<vmem_shared>> -> memref<128x128xf32, #tpu.memory_space<vmem_shared>>
    %dma_start3A_81 = arith.constant 0 : i32
    %dma_start3A_82 = arith.constant 0 : i32
    %dma_start3A_83 = tpu.memref_slice %arg6[%dma_start3A_69, %dma_start3A_81, %dma_start3A_82] : memref<2x128x128xf32, #tpu.memory_space<vmem>> -> memref<1x128x128xf32, #tpu.memory_space<vmem>>
    %dma_start3A_84 = tpu.memref_squeeze %dma_start3A_83 : memref<1x128x128xf32, #tpu.memory_space<vmem>> -> memref<128x128xf32, #tpu.memory_space<vmem>>
    tpu.enqueue_dma source(%dma_start3A_84 : memref<128x128xf32, #tpu.memory_space<vmem>>) target(%dma_start3A_80 : memref<128x128xf32, #tpu.memory_space<vmem_shared>>) target_semaphore(%dma_start3A_78 : memref<!tpu.dma_semaphore, #tpu.memory_space<semaphore_mem>>)
    %mul3A_85 = arith.constant 640 : i32
    %mul3A_86 = arith.muli %arg1, %mul3A_85 : i32
    %add3A_87 = arith.constant 512 : i32
    %add3A_88 = arith.addi %mul3A_86, %add3A_87 : i32
    %dma_start3A_89 = arith.constant 0 : i32
    %dma_start3A_90 = arith.constant 4 : i32
    %dma_start3A_91 = arith.constant 0 : i32
    %dma_start3A_92 = arith.constant 0 : i32
    %dma_start3A_93 = tpu.memref_slice %arg6[%dma_start3A_89, %dma_start3A_91, %dma_start3A_92] : memref<2x128x128xf32, #tpu.memory_space<vmem>> -> memref<1x128x128xf32, #tpu.memory_space<vmem>>
    %dma_start3A_94 = tpu.memref_squeeze %dma_start3A_93 : memref<1x128x128xf32, #tpu.memory_space<vmem>> -> memref<128x128xf32, #tpu.memory_space<vmem>>
    %dma_start3A_95 = arith.constant 0 : i32
    %dma_start3A_96 = tpu.memref_slice %arg7[%add3A_88, %dma_start3A_95] : memref<10240x128xf32, #tpu.memory_space<vmem_shared>> -> memref<128x128xf32, #tpu.memory_space<vmem_shared>>
    %dma_start3A_97 = tpu.memref_slice %arg11[%dma_start3A_90] : memref<5x!tpu.dma_semaphore, #tpu.memory_space<semaphore_mem>> -> memref<1x!tpu.dma_semaphore, #tpu.memory_space<semaphore_mem>>
    %dma_start3A_98 = tpu.memref_squeeze %dma_start3A_97 : memref<1x!tpu.dma_semaphore, #tpu.memory_space<semaphore_mem>> -> memref<!tpu.dma_semaphore, #tpu.memory_space<semaphore_mem>>
    %dma_start3A_99 = arith.constant 0 : i32
    %dma_start3A_100 = tpu.memref_slice %arg7[%add3A_88, %dma_start3A_99] : memref<10240x128xf32, #tpu.memory_space<vmem_shared>> -> memref<128x128xf32, #tpu.memory_space<vmem_shared>>
    %dma_start3A_101 = arith.constant 0 : i32
    %dma_start3A_102 = arith.constant 0 : i32
    %dma_start3A_103 = tpu.memref_slice %arg6[%dma_start3A_89, %dma_start3A_101, %dma_start3A_102] : memref<2x128x128xf32, #tpu.memory_space<vmem>> -> memref<1x128x128xf32, #tpu.memory_space<vmem>>
    %dma_start3A_104 = tpu.memref_squeeze %dma_start3A_103 : memref<1x128x128xf32, #tpu.memory_space<vmem>> -> memref<128x128xf32, #tpu.memory_space<vmem>>
    tpu.enqueue_dma source(%dma_start3A_104 : memref<128x128xf32, #tpu.memory_space<vmem>>) target(%dma_start3A_100 : memref<128x128xf32, #tpu.memory_space<vmem_shared>>) target_semaphore(%dma_start3A_98 : memref<!tpu.dma_semaphore, #tpu.memory_space<semaphore_mem>>)
    %run_scoped3A = arith.constant 0 : i32
    %run_scoped3A_105 = arith.constant 0 : i32
    "tpu.region"() ({
      %run_scoped3A_401 = tpu.sem_alloc : memref<!tpu.dma_semaphore, #tpu.memory_space<semaphore_mem>>
      %dma_start3A_402 = arith.constant 0 : i32
      %dma_start3A_403 = arith.constant 0 : i32
      %dma_start3A_404 = tpu.memref_slice %arg5[%run_scoped3A_105, %dma_start3A_402, %dma_start3A_403] : memref<3x2x128xi32, #tpu.memory_space<vmem>> -> memref<1x2x128xi32, #tpu.memory_space<vmem>>
      %dma_start3A_405 = tpu.memref_squeeze %dma_start3A_404 : memref<1x2x128xi32, #tpu.memory_space<vmem>> -> memref<2x128xi32, #tpu.memory_space<vmem>>
      %dma_start3A_406 = arith.constant 0 : i32
      %dma_start3A_407 = arith.constant 0 : i32
      %dma_start3A_408 = tpu.memref_slice %arg3[%add3A, %run_scoped3A, %dma_start3A_406, %dma_start3A_407] : memref<32x80x2x128xi32, #tpu.memory_space<hbm>> -> memref<1x1x2x128xi32, #tpu.memory_space<hbm>>
      %dma_start3A_409 = tpu.memref_squeeze %dma_start3A_408 : memref<1x1x2x128xi32, #tpu.memory_space<hbm>> -> memref<2x128xi32, #tpu.memory_space<hbm>>
      %dma_start3A_410 = arith.constant 0 : i32
      %dma_start3A_411 = arith.constant 0 : i32
      %dma_start3A_412 = tpu.memref_slice %arg5[%run_scoped3A_105, %dma_start3A_410, %dma_start3A_411] : memref<3x2x128xi32, #tpu.memory_space<vmem>> -> memref<1x2x128xi32, #tpu.memory_space<vmem>>
      %dma_start3A_413 = tpu.memref_squeeze %dma_start3A_412 : memref<1x2x128xi32, #tpu.memory_space<vmem>> -> memref<2x128xi32, #tpu.memory_space<vmem>>
      %dma_start3A_414 = arith.constant 0 : i32
      %dma_start3A_415 = arith.constant 0 : i32
      %dma_start3A_416 = tpu.memref_slice %arg3[%add3A, %run_scoped3A, %dma_start3A_414, %dma_start3A_415] : memref<32x80x2x128xi32, #tpu.memory_space<hbm>> -> memref<1x1x2x128xi32, #tpu.memory_space<hbm>>
      %dma_start3A_417 = tpu.memref_squeeze %dma_start3A_416 : memref<1x1x2x128xi32, #tpu.memory_space<hbm>> -> memref<2x128xi32, #tpu.memory_space<hbm>>
      tpu.enqueue_dma source(%dma_start3A_417 : memref<2x128xi32, #tpu.memory_space<hbm>>) target(%dma_start3A_413 : memref<2x128xi32, #tpu.memory_space<vmem>>) target_semaphore(%run_scoped3A_401 : memref<!tpu.dma_semaphore, #tpu.memory_space<semaphore_mem>>)
      %dma_wait3A_418 = arith.constant 0 : i32
      %dma_wait3A_419 = arith.constant 0 : i32
      %dma_wait3A_420 = tpu.memref_slice %arg5[%run_scoped3A_105, %dma_wait3A_418, %dma_wait3A_419] : memref<3x2x128xi32, #tpu.memory_space<vmem>> -> memref<1x2x128xi32, #tpu.memory_space<vmem>>
      %dma_wait3A_421 = tpu.memref_squeeze %dma_wait3A_420 : memref<1x2x128xi32, #tpu.memory_space<vmem>> -> memref<2x128xi32, #tpu.memory_space<vmem>>
      %dma_wait3A_422 = arith.constant 0 : i32
      %dma_wait3A_423 = arith.constant 0 : i32
      %dma_wait3A_424 = tpu.memref_slice %arg3[%add3A, %run_scoped3A, %dma_wait3A_422, %dma_wait3A_423] : memref<32x80x2x128xi32, #tpu.memory_space<hbm>> -> memref<1x1x2x128xi32, #tpu.memory_space<hbm>>
      %dma_wait3A_425 = tpu.memref_squeeze %dma_wait3A_424 : memref<1x1x2x128xi32, #tpu.memory_space<hbm>> -> memref<2x128xi32, #tpu.memory_space<hbm>>
      %dma_wait3A_426 = arith.constant 0 : i32
      %dma_wait3A_427 = arith.constant 0 : i32
      %dma_wait3A_428 = tpu.memref_slice %arg5[%run_scoped3A_105, %dma_wait3A_426, %dma_wait3A_427] : memref<3x2x128xi32, #tpu.memory_space<vmem>> -> memref<1x2x128xi32, #tpu.memory_space<vmem>>
      %dma_wait3A_429 = tpu.memref_squeeze %dma_wait3A_428 : memref<1x2x128xi32, #tpu.memory_space<vmem>> -> memref<2x128xi32, #tpu.memory_space<vmem>>
      %dma_wait3A_430 = arith.constant 0 : i32
      %dma_wait3A_431 = arith.constant 0 : i32
      %dma_wait3A_432 = tpu.memref_slice %arg3[%add3A, %run_scoped3A, %dma_wait3A_430, %dma_wait3A_431] : memref<32x80x2x128xi32, #tpu.memory_space<hbm>> -> memref<1x1x2x128xi32, #tpu.memory_space<hbm>>
      %dma_wait3A_433 = tpu.memref_squeeze %dma_wait3A_432 : memref<1x1x2x128xi32, #tpu.memory_space<hbm>> -> memref<2x128xi32, #tpu.memory_space<hbm>>
      tpu.wait_dma2 semaphore(%run_scoped3A_401 : memref<!tpu.dma_semaphore, #tpu.memory_space<semaphore_mem>>) src(%dma_wait3A_433 : memref<2x128xi32, #tpu.memory_space<hbm>>) dst(%dma_wait3A_429 : memref<2x128xi32, #tpu.memory_space<vmem>>)
      tpu.yield
    }) : () -> ()
    %mul3A_106 = arith.constant 640 : i32
    %mul3A_107 = arith.muli %arg1, %mul3A_106 : i32
    %add3A_108 = arith.constant 0 : i32
    %add3A_109 = arith.addi %mul3A_107, %add3A_108 : i32
    %dma_wait3A = arith.constant 0 : i32
    %dma_wait3A_110 = arith.constant 0 : i32
    %dma_wait3A_111 = arith.constant 0 : i32
    %dma_wait3A_112 = arith.constant 0 : i32
    %dma_wait3A_113 = tpu.memref_slice %arg6[%dma_wait3A, %dma_wait3A_111, %dma_wait3A_112] : memref<2x128x128xf32, #tpu.memory_space<vmem>> -> memref<1x128x128xf32, #tpu.memory_space<vmem>>
    %dma_wait3A_114 = tpu.memref_squeeze %dma_wait3A_113 : memref<1x128x128xf32, #tpu.memory_space<vmem>> -> memref<128x128xf32, #tpu.memory_space<vmem>>
    %dma_wait3A_115 = arith.constant 0 : i32
    %dma_wait3A_116 = tpu.memref_slice %arg7[%add3A_109, %dma_wait3A_115] : memref<10240x128xf32, #tpu.memory_space<vmem_shared>> -> memref<128x128xf32, #tpu.memory_space<vmem_shared>>
    %dma_wait3A_117 = tpu.memref_slice %arg11[%dma_wait3A_110] : memref<5x!tpu.dma_semaphore, #tpu.memory_space<semaphore_mem>> -> memref<1x!tpu.dma_semaphore, #tpu.memory_space<semaphore_mem>>
    %dma_wait3A_118 = tpu.memref_squeeze %dma_wait3A_117 : memref<1x!tpu.dma_semaphore, #tpu.memory_space<semaphore_mem>> -> memref<!tpu.dma_semaphore, #tpu.memory_space<semaphore_mem>>
    %dma_wait3A_119 = arith.constant 0 : i32
    %dma_wait3A_120 = tpu.memref_slice %arg7[%add3A_109, %dma_wait3A_119] : memref<10240x128xf32, #tpu.memory_space<vmem_shared>> -> memref<128x128xf32, #tpu.memory_space<vmem_shared>>
    %dma_wait3A_121 = arith.constant 0 : i32
    %dma_wait3A_122 = arith.constant 0 : i32
    %dma_wait3A_123 = tpu.memref_slice %arg6[%dma_wait3A, %dma_wait3A_121, %dma_wait3A_122] : memref<2x128x128xf32, #tpu.memory_space<vmem>> -> memref<1x128x128xf32, #tpu.memory_space<vmem>>
    %dma_wait3A_124 = tpu.memref_squeeze %dma_wait3A_123 : memref<1x128x128xf32, #tpu.memory_space<vmem>> -> memref<128x128xf32, #tpu.memory_space<vmem>>
    tpu.wait_dma2 semaphore(%dma_wait3A_118 : memref<!tpu.dma_semaphore, #tpu.memory_space<semaphore_mem>>) src(%dma_wait3A_124 : memref<128x128xf32, #tpu.memory_space<vmem>>) dst(%dma_wait3A_120 : memref<128x128xf32, #tpu.memory_space<vmem_shared>>)
    %mul3A_125 = arith.constant 640 : i32
    %mul3A_126 = arith.muli %arg1, %mul3A_125 : i32
    %add3A_127 = arith.constant 128 : i32
    %add3A_128 = arith.addi %mul3A_126, %add3A_127 : i32
    %dma_wait3A_129 = arith.constant 0 : i32
    %dma_wait3A_130 = arith.constant 1 : i32
    %dma_wait3A_131 = arith.constant 0 : i32
    %dma_wait3A_132 = arith.constant 0 : i32
    %dma_wait3A_133 = tpu.memref_slice %arg6[%dma_wait3A_129, %dma_wait3A_131, %dma_wait3A_132] : memref<2x128x128xf32, #tpu.memory_space<vmem>> -> memref<1x128x128xf32, #tpu.memory_space<vmem>>
    %dma_wait3A_134 = tpu.memref_squeeze %dma_wait3A_133 : memref<1x128x128xf32, #tpu.memory_space<vmem>> -> memref<128x128xf32, #tpu.memory_space<vmem>>
    %dma_wait3A_135 = arith.constant 0 : i32
    %dma_wait3A_136 = tpu.memref_slice %arg7[%add3A_128, %dma_wait3A_135] : memref<10240x128xf32, #tpu.memory_space<vmem_shared>> -> memref<128x128xf32, #tpu.memory_space<vmem_shared>>
    %dma_wait3A_137 = tpu.memref_slice %arg11[%dma_wait3A_130] : memref<5x!tpu.dma_semaphore, #tpu.memory_space<semaphore_mem>> -> memref<1x!tpu.dma_semaphore, #tpu.memory_space<semaphore_mem>>
    %dma_wait3A_138 = tpu.memref_squeeze %dma_wait3A_137 : memref<1x!tpu.dma_semaphore, #tpu.memory_space<semaphore_mem>> -> memref<!tpu.dma_semaphore, #tpu.memory_space<semaphore_mem>>
    %dma_wait3A_139 = arith.constant 0 : i32
    %dma_wait3A_140 = tpu.memref_slice %arg7[%add3A_128, %dma_wait3A_139] : memref<10240x128xf32, #tpu.memory_space<vmem_shared>> -> memref<128x128xf32, #tpu.memory_space<vmem_shared>>
    %dma_wait3A_141 = arith.constant 0 : i32
    %dma_wait3A_142 = arith.constant 0 : i32
    %dma_wait3A_143 = tpu.memref_slice %arg6[%dma_wait3A_129, %dma_wait3A_141, %dma_wait3A_142] : memref<2x128x128xf32, #tpu.memory_space<vmem>> -> memref<1x128x128xf32, #tpu.memory_space<vmem>>
    %dma_wait3A_144 = tpu.memref_squeeze %dma_wait3A_143 : memref<1x128x128xf32, #tpu.memory_space<vmem>> -> memref<128x128xf32, #tpu.memory_space<vmem>>
    tpu.wait_dma2 semaphore(%dma_wait3A_138 : memref<!tpu.dma_semaphore, #tpu.memory_space<semaphore_mem>>) src(%dma_wait3A_144 : memref<128x128xf32, #tpu.memory_space<vmem>>) dst(%dma_wait3A_140 : memref<128x128xf32, #tpu.memory_space<vmem_shared>>)
    %mul3A_145 = arith.constant 640 : i32
    %mul3A_146 = arith.muli %arg1, %mul3A_145 : i32
    %add3A_147 = arith.constant 256 : i32
    %add3A_148 = arith.addi %mul3A_146, %add3A_147 : i32
    %dma_wait3A_149 = arith.constant 0 : i32
    %dma_wait3A_150 = arith.constant 2 : i32
    %dma_wait3A_151 = arith.constant 0 : i32
    %dma_wait3A_152 = arith.constant 0 : i32
    %dma_wait3A_153 = tpu.memref_slice %arg6[%dma_wait3A_149, %dma_wait3A_151, %dma_wait3A_152] : memref<2x128x128xf32, #tpu.memory_space<vmem>> -> memref<1x128x128xf32, #tpu.memory_space<vmem>>
    %dma_wait3A_154 = tpu.memref_squeeze %dma_wait3A_153 : memref<1x128x128xf32, #tpu.memory_space<vmem>> -> memref<128x128xf32, #tpu.memory_space<vmem>>
    %dma_wait3A_155 = arith.constant 0 : i32
    %dma_wait3A_156 = tpu.memref_slice %arg7[%add3A_148, %dma_wait3A_155] : memref<10240x128xf32, #tpu.memory_space<vmem_shared>> -> memref<128x128xf32, #tpu.memory_space<vmem_shared>>
    %dma_wait3A_157 = tpu.memref_slice %arg11[%dma_wait3A_150] : memref<5x!tpu.dma_semaphore, #tpu.memory_space<semaphore_mem>> -> memref<1x!tpu.dma_semaphore, #tpu.memory_space<semaphore_mem>>
    %dma_wait3A_158 = tpu.memref_squeeze %dma_wait3A_157 : memref<1x!tpu.dma_semaphore, #tpu.memory_space<semaphore_mem>> -> memref<!tpu.dma_semaphore, #tpu.memory_space<semaphore_mem>>
    %dma_wait3A_159 = arith.constant 0 : i32
    %dma_wait3A_160 = tpu.memref_slice %arg7[%add3A_148, %dma_wait3A_159] : memref<10240x128xf32, #tpu.memory_space<vmem_shared>> -> memref<128x128xf32, #tpu.memory_space<vmem_shared>>
    %dma_wait3A_161 = arith.constant 0 : i32
    %dma_wait3A_162 = arith.constant 0 : i32
    %dma_wait3A_163 = tpu.memref_slice %arg6[%dma_wait3A_149, %dma_wait3A_161, %dma_wait3A_162] : memref<2x128x128xf32, #tpu.memory_space<vmem>> -> memref<1x128x128xf32, #tpu.memory_space<vmem>>
    %dma_wait3A_164 = tpu.memref_squeeze %dma_wait3A_163 : memref<1x128x128xf32, #tpu.memory_space<vmem>> -> memref<128x128xf32, #tpu.memory_space<vmem>>
    tpu.wait_dma2 semaphore(%dma_wait3A_158 : memref<!tpu.dma_semaphore, #tpu.memory_space<semaphore_mem>>) src(%dma_wait3A_164 : memref<128x128xf32, #tpu.memory_space<vmem>>) dst(%dma_wait3A_160 : memref<128x128xf32, #tpu.memory_space<vmem_shared>>)
    %mul3A_165 = arith.constant 640 : i32
    %mul3A_166 = arith.muli %arg1, %mul3A_165 : i32
    %add3A_167 = arith.constant 384 : i32
    %add3A_168 = arith.addi %mul3A_166, %add3A_167 : i32
    %dma_wait3A_169 = arith.constant 0 : i32
    %dma_wait3A_170 = arith.constant 3 : i32
    %dma_wait3A_171 = arith.constant 0 : i32
    %dma_wait3A_172 = arith.constant 0 : i32
    %dma_wait3A_173 = tpu.memref_slice %arg6[%dma_wait3A_169, %dma_wait3A_171, %dma_wait3A_172] : memref<2x128x128xf32, #tpu.memory_space<vmem>> -> memref<1x128x128xf32, #tpu.memory_space<vmem>>
    %dma_wait3A_174 = tpu.memref_squeeze %dma_wait3A_173 : memref<1x128x128xf32, #tpu.memory_space<vmem>> -> memref<128x128xf32, #tpu.memory_space<vmem>>
    %dma_wait3A_175 = arith.constant 0 : i32
    %dma_wait3A_176 = tpu.memref_slice %arg7[%add3A_168, %dma_wait3A_175] : memref<10240x128xf32, #tpu.memory_space<vmem_shared>> -> memref<128x128xf32, #tpu.memory_space<vmem_shared>>
    %dma_wait3A_177 = tpu.memref_slice %arg11[%dma_wait3A_170] : memref<5x!tpu.dma_semaphore, #tpu.memory_space<semaphore_mem>> -> memref<1x!tpu.dma_semaphore, #tpu.memory_space<semaphore_mem>>
    %dma_wait3A_178 = tpu.memref_squeeze %dma_wait3A_177 : memref<1x!tpu.dma_semaphore, #tpu.memory_space<semaphore_mem>> -> memref<!tpu.dma_semaphore, #tpu.memory_space<semaphore_mem>>
    %dma_wait3A_179 = arith.constant 0 : i32
    %dma_wait3A_180 = tpu.memref_slice %arg7[%add3A_168, %dma_wait3A_179] : memref<10240x128xf32, #tpu.memory_space<vmem_shared>> -> memref<128x128xf32, #tpu.memory_space<vmem_shared>>
    %dma_wait3A_181 = arith.constant 0 : i32
    %dma_wait3A_182 = arith.constant 0 : i32
    %dma_wait3A_183 = tpu.memref_slice %arg6[%dma_wait3A_169, %dma_wait3A_181, %dma_wait3A_182] : memref<2x128x128xf32, #tpu.memory_space<vmem>> -> memref<1x128x128xf32, #tpu.memory_space<vmem>>
    %dma_wait3A_184 = tpu.memref_squeeze %dma_wait3A_183 : memref<1x128x128xf32, #tpu.memory_space<vmem>> -> memref<128x128xf32, #tpu.memory_space<vmem>>
    tpu.wait_dma2 semaphore(%dma_wait3A_178 : memref<!tpu.dma_semaphore, #tpu.memory_space<semaphore_mem>>) src(%dma_wait3A_184 : memref<128x128xf32, #tpu.memory_space<vmem>>) dst(%dma_wait3A_180 : memref<128x128xf32, #tpu.memory_space<vmem_shared>>)
    %mul3A_185 = arith.constant 640 : i32
    %mul3A_186 = arith.muli %arg1, %mul3A_185 : i32
    %add3A_187 = arith.constant 512 : i32
    %add3A_188 = arith.addi %mul3A_186, %add3A_187 : i32
    %dma_wait3A_189 = arith.constant 0 : i32
    %dma_wait3A_190 = arith.constant 4 : i32
    %dma_wait3A_191 = arith.constant 0 : i32
    %dma_wait3A_192 = arith.constant 0 : i32
    %dma_wait3A_193 = tpu.memref_slice %arg6[%dma_wait3A_189, %dma_wait3A_191, %dma_wait3A_192] : memref<2x128x128xf32, #tpu.memory_space<vmem>> -> memref<1x128x128xf32, #tpu.memory_space<vmem>>
    %dma_wait3A_194 = tpu.memref_squeeze %dma_wait3A_193 : memref<1x128x128xf32, #tpu.memory_space<vmem>> -> memref<128x128xf32, #tpu.memory_space<vmem>>
    %dma_wait3A_195 = arith.constant 0 : i32
    %dma_wait3A_196 = tpu.memref_slice %arg7[%add3A_188, %dma_wait3A_195] : memref<10240x128xf32, #tpu.memory_space<vmem_shared>> -> memref<128x128xf32, #tpu.memory_space<vmem_shared>>
    %dma_wait3A_197 = tpu.memref_slice %arg11[%dma_wait3A_190] : memref<5x!tpu.dma_semaphore, #tpu.memory_space<semaphore_mem>> -> memref<1x!tpu.dma_semaphore, #tpu.memory_space<semaphore_mem>>
    %dma_wait3A_198 = tpu.memref_squeeze %dma_wait3A_197 : memref<1x!tpu.dma_semaphore, #tpu.memory_space<semaphore_mem>> -> memref<!tpu.dma_semaphore, #tpu.memory_space<semaphore_mem>>
    %dma_wait3A_199 = arith.constant 0 : i32
    %dma_wait3A_200 = tpu.memref_slice %arg7[%add3A_188, %dma_wait3A_199] : memref<10240x128xf32, #tpu.memory_space<vmem_shared>> -> memref<128x128xf32, #tpu.memory_space<vmem_shared>>
    %dma_wait3A_201 = arith.constant 0 : i32
    %dma_wait3A_202 = arith.constant 0 : i32
    %dma_wait3A_203 = tpu.memref_slice %arg6[%dma_wait3A_189, %dma_wait3A_201, %dma_wait3A_202] : memref<2x128x128xf32, #tpu.memory_space<vmem>> -> memref<1x128x128xf32, #tpu.memory_space<vmem>>
    %dma_wait3A_204 = tpu.memref_squeeze %dma_wait3A_203 : memref<1x128x128xf32, #tpu.memory_space<vmem>> -> memref<128x128xf32, #tpu.memory_space<vmem>>
    tpu.wait_dma2 semaphore(%dma_wait3A_198 : memref<!tpu.dma_semaphore, #tpu.memory_space<semaphore_mem>>) src(%dma_wait3A_204 : memref<128x128xf32, #tpu.memory_space<vmem>>) dst(%dma_wait3A_200 : memref<128x128xf32, #tpu.memory_space<vmem_shared>>)
    %barrier3A = arith.constant 0 : index
    tpu.barrier barrier_id(%barrier3A)
    %dma_start3A_205 = arith.constant 0 : i32
    %dma_start3A_206 = arith.constant 0 : i32
    %dma_start3A_207 = arith.constant 0 : i32
    %dma_start3A_208 = arith.constant 0 : i32
    %dma_start3A_209 = arith.constant 0 : i32
    %dma_start3A_210 = arith.constant 0 : i32
    %dma_start3A_211 = tpu.memref_slice %arg6[%dma_start3A_207, %dma_start3A_209, %dma_start3A_210] : memref<2x128x128xf32, #tpu.memory_space<vmem>> -> memref<1x128x128xf32, #tpu.memory_space<vmem>>
    %dma_start3A_212 = tpu.memref_squeeze %dma_start3A_211 : memref<1x128x128xf32, #tpu.memory_space<vmem>> -> memref<128x128xf32, #tpu.memory_space<vmem>>
    %dma_start3A_213 = arith.constant 0 : i32
    %dma_start3A_214 = tpu.memref_slice %arg5[%dma_start3A_205, %dma_start3A_206, %dma_start3A_213] : memref<3x2x128xi32, #tpu.memory_space<vmem>> -> memref<1x1x128xi32, #tpu.memory_space<vmem>>
    %dma_start3A_215 = tpu.memref_squeeze %dma_start3A_214 : memref<1x1x128xi32, #tpu.memory_space<vmem>> -> memref<128xi32, #tpu.memory_space<vmem>>
    %dma_start3A_216 = arith.constant 0 : i32
    %dma_start3A_217 = arith.constant 0 : i32
    %dma_start3A_218 = tpu.memref_slice %arg2[%dma_start3A_216, %dma_start3A_217] : memref<10000x128xf32, #tpu.memory_space<hbm>> -> memref<10000x128xf32, #tpu.memory_space<hbm>>
    %dma_start3A_219 = tpu.memref_slice %arg8[%dma_start3A_208] : memref<2x!tpu.dma_semaphore, #tpu.memory_space<semaphore_mem>> -> memref<1x!tpu.dma_semaphore, #tpu.memory_space<semaphore_mem>>
    %dma_start3A_220 = tpu.memref_squeeze %dma_start3A_219 : memref<1x!tpu.dma_semaphore, #tpu.memory_space<semaphore_mem>> -> memref<!tpu.dma_semaphore, #tpu.memory_space<semaphore_mem>>
    tpu.enqueue_indirect_dma source(%dma_start3A_218 : memref<10000x128xf32, #tpu.memory_space<hbm>>) target(%dma_start3A_212 : memref<128x128xf32, #tpu.memory_space<vmem>>) offsets(%dma_start3A_215 : memref<128xi32, #tpu.memory_space<vmem>>) semaphore(%dma_start3A_220 : memref<!tpu.dma_semaphore, #tpu.memory_space<semaphore_mem>>)
    %dma_start3A_221 = arith.constant 1 : i32
    %dma_start3A_222 = arith.constant 1 : i32
    %dma_start3A_223 = arith.constant 1 : i32
    %dma_start3A_224 = arith.constant 0 : i32
    %dma_start3A_225 = arith.constant 0 : i32
    %dma_start3A_226 = tpu.memref_slice %arg5[%dma_start3A_222, %dma_start3A_224, %dma_start3A_225] : memref<3x2x128xi32, #tpu.memory_space<vmem>> -> memref<1x2x128xi32, #tpu.memory_space<vmem>>
    %dma_start3A_227 = tpu.memref_squeeze %dma_start3A_226 : memref<1x2x128xi32, #tpu.memory_space<vmem>> -> memref<2x128xi32, #tpu.memory_space<vmem>>
    %dma_start3A_228 = arith.constant 0 : i32
    %dma_start3A_229 = arith.constant 0 : i32
    %dma_start3A_230 = tpu.memref_slice %arg3[%add3A, %dma_start3A_221, %dma_start3A_228, %dma_start3A_229] : memref<32x80x2x128xi32, #tpu.memory_space<hbm>> -> memref<1x1x2x128xi32, #tpu.memory_space<hbm>>
    %dma_start3A_231 = tpu.memref_squeeze %dma_start3A_230 : memref<1x1x2x128xi32, #tpu.memory_space<hbm>> -> memref<2x128xi32, #tpu.memory_space<hbm>>
    %dma_start3A_232 = tpu.memref_slice %arg9[%dma_start3A_223] : memref<3x!tpu.dma_semaphore, #tpu.memory_space<semaphore_mem>> -> memref<1x!tpu.dma_semaphore, #tpu.memory_space<semaphore_mem>>
    %dma_start3A_233 = tpu.memref_squeeze %dma_start3A_232 : memref<1x!tpu.dma_semaphore, #tpu.memory_space<semaphore_mem>> -> memref<!tpu.dma_semaphore, #tpu.memory_space<semaphore_mem>>
    %dma_start3A_234 = arith.constant 0 : i32
    %dma_start3A_235 = arith.constant 0 : i32
    %dma_start3A_236 = tpu.memref_slice %arg5[%dma_start3A_222, %dma_start3A_234, %dma_start3A_235] : memref<3x2x128xi32, #tpu.memory_space<vmem>> -> memref<1x2x128xi32, #tpu.memory_space<vmem>>
    %dma_start3A_237 = tpu.memref_squeeze %dma_start3A_236 : memref<1x2x128xi32, #tpu.memory_space<vmem>> -> memref<2x128xi32, #tpu.memory_space<vmem>>
    %dma_start3A_238 = arith.constant 0 : i32
    %dma_start3A_239 = arith.constant 0 : i32
    %dma_start3A_240 = tpu.memref_slice %arg3[%add3A, %dma_start3A_221, %dma_start3A_238, %dma_start3A_239] : memref<32x80x2x128xi32, #tpu.memory_space<hbm>> -> memref<1x1x2x128xi32, #tpu.memory_space<hbm>>
    %dma_start3A_241 = tpu.memref_squeeze %dma_start3A_240 : memref<1x1x2x128xi32, #tpu.memory_space<hbm>> -> memref<2x128xi32, #tpu.memory_space<hbm>>
    tpu.enqueue_dma source(%dma_start3A_241 : memref<2x128xi32, #tpu.memory_space<hbm>>) target(%dma_start3A_237 : memref<2x128xi32, #tpu.memory_space<vmem>>) target_semaphore(%dma_start3A_233 : memref<!tpu.dma_semaphore, #tpu.memory_space<semaphore_mem>>)
    %scan3A_242 = arith.constant 0 : i32
    %scan3A_243 = arith.constant 0 : i32
    %scan3A_244 = arith.constant 80 : i32
    %scan3A_245 = arith.addi %scan3A_243, %scan3A_244 : i32
    %scan3A_246 = arith.constant 1 : i32
    scf.for %scan3A_401 = %scan3A_243 to %scan3A_245 step %scan3A_246  : i32 {
      %rem3A = arith.constant 2 : i32
      %rem3A_402 = arith.remsi %scan3A_401, %rem3A : i32
      %sub3A = arith.constant 1 : i32
      %sub3A_403 = arith.subi %sub3A, %rem3A_402 : i32
      %rem3A_404 = arith.constant 3 : i32
      %rem3A_405 = arith.remsi %scan3A_401, %rem3A_404 : i32
      %add3A_406 = arith.constant 1 : i32
      %add3A_407 = arith.addi %scan3A_401, %add3A_406 : i32
      %rem3A_408 = arith.constant 3 : i32
      %rem3A_409 = arith.remsi %add3A_407, %rem3A_408 : i32
      %add3A_410 = arith.constant 1 : i32
      %add3A_411 = arith.addi %scan3A_401, %add3A_410 : i32
      %lt3A = arith.constant 80 : i32
      %lt3A_412 = arith.cmpi slt, %add3A_411, %lt3A : i32
      %ge3A = arith.constant 1 : i32
      %ge3A_413 = arith.cmpi sge, %scan3A_401, %ge3A : i32
      %and3A = arith.andi %lt3A_412, %ge3A_413 : i1
      %convert_element_type3A = arith.extui %and3A : i1 to i32
      %cond3A = arith.constant 0 : i32
      %cond3A_414 = arith.cmpi ne, %convert_element_type3A, %cond3A : i32
      scf.if %cond3A_414 {
        %add3A_455 = arith.constant 2 : i32
        %add3A_456 = arith.addi %scan3A_401, %add3A_455 : i32
        %rem3A_457 = arith.constant 3 : i32
        %rem3A_458 = arith.remsi %add3A_456, %rem3A_457 : i32
        %dma_wait3A_459 = arith.constant 1 : i32
        %dma_wait3A_460 = arith.constant 0 : i32
        %dma_wait3A_461 = arith.constant 0 : i32
        %dma_wait3A_462 = tpu.memref_slice %arg6[%sub3A_403, %dma_wait3A_460, %dma_wait3A_461] : memref<2x128x128xf32, #tpu.memory_space<vmem>> -> memref<1x128x128xf32, #tpu.memory_space<vmem>>
        %dma_wait3A_463 = tpu.memref_squeeze %dma_wait3A_462 : memref<1x128x128xf32, #tpu.memory_space<vmem>> -> memref<128x128xf32, #tpu.memory_space<vmem>>
        %dma_wait3A_464 = arith.constant 0 : i32
        %dma_wait3A_465 = tpu.memref_slice %arg5[%rem3A_458, %dma_wait3A_459, %dma_wait3A_464] : memref<3x2x128xi32, #tpu.memory_space<vmem>> -> memref<1x1x128xi32, #tpu.memory_space<vmem>>
        %dma_wait3A_466 = tpu.memref_squeeze %dma_wait3A_465 : memref<1x1x128xi32, #tpu.memory_space<vmem>> -> memref<128xi32, #tpu.memory_space<vmem>>
        %dma_wait3A_467 = arith.constant 0 : i32
        %dma_wait3A_468 = arith.constant 0 : i32
        %dma_wait3A_469 = tpu.memref_slice %arg7[%dma_wait3A_467, %dma_wait3A_468] : memref<10240x128xf32, #tpu.memory_space<vmem_shared>> -> memref<10240x128xf32, #tpu.memory_space<vmem_shared>>
        %dma_wait3A_470 = tpu.memref_slice %arg10[%sub3A_403] : memref<2x!tpu.dma_semaphore, #tpu.memory_space<semaphore_mem>> -> memref<1x!tpu.dma_semaphore, #tpu.memory_space<semaphore_mem>>
        %dma_wait3A_471 = tpu.memref_squeeze %dma_wait3A_470 : memref<1x!tpu.dma_semaphore, #tpu.memory_space<semaphore_mem>> -> memref<!tpu.dma_semaphore, #tpu.memory_space<semaphore_mem>>
        tpu.wait_indirect_dma semaphore(%dma_wait3A_471 : memref<!tpu.dma_semaphore, #tpu.memory_space<semaphore_mem>>) src(%dma_wait3A_463 : memref<128x128xf32, #tpu.memory_space<vmem>>) dst(%dma_wait3A_469 : memref<10240x128xf32, #tpu.memory_space<vmem_shared>>)
      } else {
      }
      %add3A_415 = arith.constant 1 : i32
      %add3A_416 = arith.addi %scan3A_401, %add3A_415 : i32
      %lt3A_417 = arith.constant 80 : i32
      %lt3A_418 = arith.cmpi slt, %add3A_416, %lt3A_417 : i32
      %convert_element_type3A_419 = arith.extui %lt3A_418 : i1 to i32
      %cond3A_420 = arith.constant 0 : i32
      %cond3A_421 = arith.cmpi ne, %convert_element_type3A_419, %cond3A_420 : i32
      scf.if %cond3A_421 {
        %add3A_455 = arith.constant 1 : i32
        %add3A_456 = arith.addi %scan3A_401, %add3A_455 : i32
        %dma_wait3A_457 = arith.constant 0 : i32
        %dma_wait3A_458 = arith.constant 0 : i32
        %dma_wait3A_459 = tpu.memref_slice %arg5[%rem3A_409, %dma_wait3A_457, %dma_wait3A_458] : memref<3x2x128xi32, #tpu.memory_space<vmem>> -> memref<1x2x128xi32, #tpu.memory_space<vmem>>
        %dma_wait3A_460 = tpu.memref_squeeze %dma_wait3A_459 : memref<1x2x128xi32, #tpu.memory_space<vmem>> -> memref<2x128xi32, #tpu.memory_space<vmem>>
        %dma_wait3A_461 = arith.constant 0 : i32
        %dma_wait3A_462 = arith.constant 0 : i32
        %dma_wait3A_463 = tpu.memref_slice %arg3[%add3A, %add3A_456, %dma_wait3A_461, %dma_wait3A_462] : memref<32x80x2x128xi32, #tpu.memory_space<hbm>> -> memref<1x1x2x128xi32, #tpu.memory_space<hbm>>
        %dma_wait3A_464 = tpu.memref_squeeze %dma_wait3A_463 : memref<1x1x2x128xi32, #tpu.memory_space<hbm>> -> memref<2x128xi32, #tpu.memory_space<hbm>>
        %dma_wait3A_465 = tpu.memref_slice %arg9[%rem3A_409] : memref<3x!tpu.dma_semaphore, #tpu.memory_space<semaphore_mem>> -> memref<1x!tpu.dma_semaphore, #tpu.memory_space<semaphore_mem>>
        %dma_wait3A_466 = tpu.memref_squeeze %dma_wait3A_465 : memref<1x!tpu.dma_semaphore, #tpu.memory_space<semaphore_mem>> -> memref<!tpu.dma_semaphore, #tpu.memory_space<semaphore_mem>>
        %dma_wait3A_467 = arith.constant 0 : i32
        %dma_wait3A_468 = arith.constant 0 : i32
        %dma_wait3A_469 = tpu.memref_slice %arg5[%rem3A_409, %dma_wait3A_467, %dma_wait3A_468] : memref<3x2x128xi32, #tpu.memory_space<vmem>> -> memref<1x2x128xi32, #tpu.memory_space<vmem>>
        %dma_wait3A_470 = tpu.memref_squeeze %dma_wait3A_469 : memref<1x2x128xi32, #tpu.memory_space<vmem>> -> memref<2x128xi32, #tpu.memory_space<vmem>>
        %dma_wait3A_471 = arith.constant 0 : i32
        %dma_wait3A_472 = arith.constant 0 : i32
        %dma_wait3A_473 = tpu.memref_slice %arg3[%add3A, %add3A_456, %dma_wait3A_471, %dma_wait3A_472] : memref<32x80x2x128xi32, #tpu.memory_space<hbm>> -> memref<1x1x2x128xi32, #tpu.memory_space<hbm>>
        %dma_wait3A_474 = tpu.memref_squeeze %dma_wait3A_473 : memref<1x1x2x128xi32, #tpu.memory_space<hbm>> -> memref<2x128xi32, #tpu.memory_space<hbm>>
        tpu.wait_dma2 semaphore(%dma_wait3A_466 : memref<!tpu.dma_semaphore, #tpu.memory_space<semaphore_mem>>) src(%dma_wait3A_474 : memref<2x128xi32, #tpu.memory_space<hbm>>) dst(%dma_wait3A_470 : memref<2x128xi32, #tpu.memory_space<vmem>>)
        %dma_start3A_475 = arith.constant 0 : i32
        %dma_start3A_476 = arith.constant 0 : i32
        %dma_start3A_477 = arith.constant 0 : i32
        %dma_start3A_478 = tpu.memref_slice %arg6[%sub3A_403, %dma_start3A_476, %dma_start3A_477] : memref<2x128x128xf32, #tpu.memory_space<vmem>> -> memref<1x128x128xf32, #tpu.memory_space<vmem>>
        %dma_start3A_479 = tpu.memref_squeeze %dma_start3A_478 : memref<1x128x128xf32, #tpu.memory_space<vmem>> -> memref<128x128xf32, #tpu.memory_space<vmem>>
        %dma_start3A_480 = arith.constant 0 : i32
        %dma_start3A_481 = tpu.memref_slice %arg5[%rem3A_409, %dma_start3A_475, %dma_start3A_480] : memref<3x2x128xi32, #tpu.memory_space<vmem>> -> memref<1x1x128xi32, #tpu.memory_space<vmem>>
        %dma_start3A_482 = tpu.memref_squeeze %dma_start3A_481 : memref<1x1x128xi32, #tpu.memory_space<vmem>> -> memref<128xi32, #tpu.memory_space<vmem>>
        %dma_start3A_483 = arith.constant 0 : i32
        %dma_start3A_484 = arith.constant 0 : i32
        %dma_start3A_485 = tpu.memref_slice %arg2[%dma_start3A_483, %dma_start3A_484] : memref<10000x128xf32, #tpu.memory_space<hbm>> -> memref<10000x128xf32, #tpu.memory_space<hbm>>
        %dma_start3A_486 = tpu.memref_slice %arg8[%sub3A_403] : memref<2x!tpu.dma_semaphore, #tpu.memory_space<semaphore_mem>> -> memref<1x!tpu.dma_semaphore, #tpu.memory_space<semaphore_mem>>
        %dma_start3A_487 = tpu.memref_squeeze %dma_start3A_486 : memref<1x!tpu.dma_semaphore, #tpu.memory_space<semaphore_mem>> -> memref<!tpu.dma_semaphore, #tpu.memory_space<semaphore_mem>>
        tpu.enqueue_indirect_dma source(%dma_start3A_485 : memref<10000x128xf32, #tpu.memory_space<hbm>>) target(%dma_start3A_479 : memref<128x128xf32, #tpu.memory_space<vmem>>) offsets(%dma_start3A_482 : memref<128xi32, #tpu.memory_space<vmem>>) semaphore(%dma_start3A_487 : memref<!tpu.dma_semaphore, #tpu.memory_space<semaphore_mem>>)
      } else {
      }
      %dma_wait3A_422 = arith.constant 0 : i32
      %dma_wait3A_423 = arith.constant 0 : i32
      %dma_wait3A_424 = arith.constant 0 : i32
      %dma_wait3A_425 = tpu.memref_slice %arg6[%rem3A_402, %dma_wait3A_423, %dma_wait3A_424] : memref<2x128x128xf32, #tpu.memory_space<vmem>> -> memref<1x128x128xf32, #tpu.memory_space<vmem>>
      %dma_wait3A_426 = tpu.memref_squeeze %dma_wait3A_425 : memref<1x128x128xf32, #tpu.memory_space<vmem>> -> memref<128x128xf32, #tpu.memory_space<vmem>>
      %dma_wait3A_427 = arith.constant 0 : i32
      %dma_wait3A_428 = tpu.memref_slice %arg5[%rem3A_405, %dma_wait3A_422, %dma_wait3A_427] : memref<3x2x128xi32, #tpu.memory_space<vmem>> -> memref<1x1x128xi32, #tpu.memory_space<vmem>>
      %dma_wait3A_429 = tpu.memref_squeeze %dma_wait3A_428 : memref<1x1x128xi32, #tpu.memory_space<vmem>> -> memref<128xi32, #tpu.memory_space<vmem>>
      %dma_wait3A_430 = arith.constant 0 : i32
      %dma_wait3A_431 = arith.constant 0 : i32
      %dma_wait3A_432 = tpu.memref_slice %arg2[%dma_wait3A_430, %dma_wait3A_431] : memref<10000x128xf32, #tpu.memory_space<hbm>> -> memref<10000x128xf32, #tpu.memory_space<hbm>>
      %dma_wait3A_433 = tpu.memref_slice %arg8[%rem3A_402] : memref<2x!tpu.dma_semaphore, #tpu.memory_space<semaphore_mem>> -> memref<1x!tpu.dma_semaphore, #tpu.memory_space<semaphore_mem>>
      %dma_wait3A_434 = tpu.memref_squeeze %dma_wait3A_433 : memref<1x!tpu.dma_semaphore, #tpu.memory_space<semaphore_mem>> -> memref<!tpu.dma_semaphore, #tpu.memory_space<semaphore_mem>>
      tpu.wait_indirect_dma semaphore(%dma_wait3A_434 : memref<!tpu.dma_semaphore, #tpu.memory_space<semaphore_mem>>) src(%dma_wait3A_432 : memref<10000x128xf32, #tpu.memory_space<hbm>>) dst(%dma_wait3A_426 : memref<128x128xf32, #tpu.memory_space<vmem>>)
      %dma_start3A_435 = arith.constant 1 : i32
      %dma_start3A_436 = arith.constant 0 : i32
      %dma_start3A_437 = arith.constant 0 : i32
      %dma_start3A_438 = tpu.memref_slice %arg6[%rem3A_402, %dma_start3A_436, %dma_start3A_437] : memref<2x128x128xf32, #tpu.memory_space<vmem>> -> memref<1x128x128xf32, #tpu.memory_space<vmem>>
      %dma_start3A_439 = tpu.memref_squeeze %dma_start3A_438 : memref<1x128x128xf32, #tpu.memory_space<vmem>> -> memref<128x128xf32, #tpu.memory_space<vmem>>
      %dma_start3A_440 = arith.constant 0 : i32
      %dma_start3A_441 = tpu.memref_slice %arg5[%rem3A_405, %dma_start3A_435, %dma_start3A_440] : memref<3x2x128xi32, #tpu.memory_space<vmem>> -> memref<1x1x128xi32, #tpu.memory_space<vmem>>
      %dma_start3A_442 = tpu.memref_squeeze %dma_start3A_441 : memref<1x1x128xi32, #tpu.memory_space<vmem>> -> memref<128xi32, #tpu.memory_space<vmem>>
      %dma_start3A_443 = arith.constant 0 : i32
      %dma_start3A_444 = arith.constant 0 : i32
      %dma_start3A_445 = tpu.memref_slice %arg7[%dma_start3A_443, %dma_start3A_444] : memref<10240x128xf32, #tpu.memory_space<vmem_shared>> -> memref<10240x128xf32, #tpu.memory_space<vmem_shared>>
      %dma_start3A_446 = tpu.memref_slice %arg10[%rem3A_402] : memref<2x!tpu.dma_semaphore, #tpu.memory_space<semaphore_mem>> -> memref<1x!tpu.dma_semaphore, #tpu.memory_space<semaphore_mem>>
      %dma_start3A_447 = tpu.memref_squeeze %dma_start3A_446 : memref<1x!tpu.dma_semaphore, #tpu.memory_space<semaphore_mem>> -> memref<!tpu.dma_semaphore, #tpu.memory_space<semaphore_mem>>
      tpu.enqueue_indirect_dma source(%dma_start3A_439 : memref<128x128xf32, #tpu.memory_space<vmem>>) target(%dma_start3A_445 : memref<10240x128xf32, #tpu.memory_space<vmem_shared>>) offsets(%dma_start3A_442 : memref<128xi32, #tpu.memory_space<vmem>>) semaphore(%dma_start3A_447 : memref<!tpu.dma_semaphore, #tpu.memory_space<semaphore_mem>>) {add = true}
      %add3A_448 = arith.constant 2 : i32
      %add3A_449 = arith.addi %scan3A_401, %add3A_448 : i32
      %lt3A_450 = arith.constant 80 : i32
      %lt3A_451 = arith.cmpi slt, %add3A_449, %lt3A_450 : i32
      %convert_element_type3A_452 = arith.extui %lt3A_451 : i1 to i32
      %cond3A_453 = arith.constant 0 : i32
      %cond3A_454 = arith.cmpi ne, %convert_element_type3A_452, %cond3A_453 : i32
      scf.if %cond3A_454 {
        %add3A_455 = arith.constant 2 : i32
        %add3A_456 = arith.addi %scan3A_401, %add3A_455 : i32
        %add3A_457 = arith.constant 2 : i32
        %add3A_458 = arith.addi %scan3A_401, %add3A_457 : i32
        %rem3A_459 = arith.constant 3 : i32
        %rem3A_460 = arith.remsi %add3A_458, %rem3A_459 : i32
        %add3A_461 = arith.constant 2 : i32
        %add3A_462 = arith.addi %scan3A_401, %add3A_461 : i32
        %rem3A_463 = arith.constant 3 : i32
        %rem3A_464 = arith.remsi %add3A_462, %rem3A_463 : i32
        %dma_start3A_465 = arith.constant 0 : i32
        %dma_start3A_466 = arith.constant 0 : i32
        %dma_start3A_467 = tpu.memref_slice %arg5[%rem3A_460, %dma_start3A_465, %dma_start3A_466] : memref<3x2x128xi32, #tpu.memory_space<vmem>> -> memref<1x2x128xi32, #tpu.memory_space<vmem>>
        %dma_start3A_468 = tpu.memref_squeeze %dma_start3A_467 : memref<1x2x128xi32, #tpu.memory_space<vmem>> -> memref<2x128xi32, #tpu.memory_space<vmem>>
        %dma_start3A_469 = arith.constant 0 : i32
        %dma_start3A_470 = arith.constant 0 : i32
        %dma_start3A_471 = tpu.memref_slice %arg3[%add3A, %add3A_456, %dma_start3A_469, %dma_start3A_470] : memref<32x80x2x128xi32, #tpu.memory_space<hbm>> -> memref<1x1x2x128xi32, #tpu.memory_space<hbm>>
        %dma_start3A_472 = tpu.memref_squeeze %dma_start3A_471 : memref<1x1x2x128xi32, #tpu.memory_space<hbm>> -> memref<2x128xi32, #tpu.memory_space<hbm>>
        %dma_start3A_473 = tpu.memref_slice %arg9[%rem3A_464] : memref<3x!tpu.dma_semaphore, #tpu.memory_space<semaphore_mem>> -> memref<1x!tpu.dma_semaphore, #tpu.memory_space<semaphore_mem>>
        %dma_start3A_474 = tpu.memref_squeeze %dma_start3A_473 : memref<1x!tpu.dma_semaphore, #tpu.memory_space<semaphore_mem>> -> memref<!tpu.dma_semaphore, #tpu.memory_space<semaphore_mem>>
        %dma_start3A_475 = arith.constant 0 : i32
        %dma_start3A_476 = arith.constant 0 : i32
        %dma_start3A_477 = tpu.memref_slice %arg5[%rem3A_460, %dma_start3A_475, %dma_start3A_476] : memref<3x2x128xi32, #tpu.memory_space<vmem>> -> memref<1x2x128xi32, #tpu.memory_space<vmem>>
        %dma_start3A_478 = tpu.memref_squeeze %dma_start3A_477 : memref<1x2x128xi32, #tpu.memory_space<vmem>> -> memref<2x128xi32, #tpu.memory_space<vmem>>
        %dma_start3A_479 = arith.constant 0 : i32
        %dma_start3A_480 = arith.constant 0 : i32
        %dma_start3A_481 = tpu.memref_slice %arg3[%add3A, %add3A_456, %dma_start3A_479, %dma_start3A_480] : memref<32x80x2x128xi32, #tpu.memory_space<hbm>> -> memref<1x1x2x128xi32, #tpu.memory_space<hbm>>
        %dma_start3A_482 = tpu.memref_squeeze %dma_start3A_481 : memref<1x1x2x128xi32, #tpu.memory_space<hbm>> -> memref<2x128xi32, #tpu.memory_space<hbm>>
        tpu.enqueue_dma source(%dma_start3A_482 : memref<2x128xi32, #tpu.memory_space<hbm>>) target(%dma_start3A_478 : memref<2x128xi32, #tpu.memory_space<vmem>>) target_semaphore(%dma_start3A_474 : memref<!tpu.dma_semaphore, #tpu.memory_space<semaphore_mem>>)
      } else {
      }
    }
    %scan3A_247 = arith.constant 80 : i32
    %dma_wait3A_248 = arith.constant 0 : i32
    %dma_wait3A_249 = arith.constant 0 : i32
    %dma_wait3A_250 = arith.constant 1 : i32
    %dma_wait3A_251 = arith.constant 0 : i32
    %dma_wait3A_252 = arith.constant 0 : i32
    %dma_wait3A_253 = arith.constant 0 : i32
    %dma_wait3A_254 = tpu.memref_slice %arg6[%dma_wait3A_248, %dma_wait3A_252, %dma_wait3A_253] : memref<2x128x128xf32, #tpu.memory_space<vmem>> -> memref<1x128x128xf32, #tpu.memory_space<vmem>>
    %dma_wait3A_255 = tpu.memref_squeeze %dma_wait3A_254 : memref<1x128x128xf32, #tpu.memory_space<vmem>> -> memref<128x128xf32, #tpu.memory_space<vmem>>
    %dma_wait3A_256 = arith.constant 0 : i32
    %dma_wait3A_257 = tpu.memref_slice %arg5[%dma_wait3A_249, %dma_wait3A_250, %dma_wait3A_256] : memref<3x2x128xi32, #tpu.memory_space<vmem>> -> memref<1x1x128xi32, #tpu.memory_space<vmem>>
    %dma_wait3A_258 = tpu.memref_squeeze %dma_wait3A_257 : memref<1x1x128xi32, #tpu.memory_space<vmem>> -> memref<128xi32, #tpu.memory_space<vmem>>
    %dma_wait3A_259 = arith.constant 0 : i32
    %dma_wait3A_260 = arith.constant 0 : i32
    %dma_wait3A_261 = tpu.memref_slice %arg7[%dma_wait3A_259, %dma_wait3A_260] : memref<10240x128xf32, #tpu.memory_space<vmem_shared>> -> memref<10240x128xf32, #tpu.memory_space<vmem_shared>>
    %dma_wait3A_262 = tpu.memref_slice %arg10[%dma_wait3A_251] : memref<2x!tpu.dma_semaphore, #tpu.memory_space<semaphore_mem>> -> memref<1x!tpu.dma_semaphore, #tpu.memory_space<semaphore_mem>>
    %dma_wait3A_263 = tpu.memref_squeeze %dma_wait3A_262 : memref<1x!tpu.dma_semaphore, #tpu.memory_space<semaphore_mem>> -> memref<!tpu.dma_semaphore, #tpu.memory_space<semaphore_mem>>
    tpu.wait_indirect_dma semaphore(%dma_wait3A_263 : memref<!tpu.dma_semaphore, #tpu.memory_space<semaphore_mem>>) src(%dma_wait3A_255 : memref<128x128xf32, #tpu.memory_space<vmem>>) dst(%dma_wait3A_261 : memref<10240x128xf32, #tpu.memory_space<vmem_shared>>)
    %dma_wait3A_264 = arith.constant 1 : i32
    %dma_wait3A_265 = arith.constant 1 : i32
    %dma_wait3A_266 = arith.constant 1 : i32
    %dma_wait3A_267 = arith.constant 1 : i32
    %dma_wait3A_268 = arith.constant 0 : i32
    %dma_wait3A_269 = arith.constant 0 : i32
    %dma_wait3A_270 = tpu.memref_slice %arg6[%dma_wait3A_264, %dma_wait3A_268, %dma_wait3A_269] : memref<2x128x128xf32, #tpu.memory_space<vmem>> -> memref<1x128x128xf32, #tpu.memory_space<vmem>>
    %dma_wait3A_271 = tpu.memref_squeeze %dma_wait3A_270 : memref<1x128x128xf32, #tpu.memory_space<vmem>> -> memref<128x128xf32, #tpu.memory_space<vmem>>
    %dma_wait3A_272 = arith.constant 0 : i32
    %dma_wait3A_273 = tpu.memref_slice %arg5[%dma_wait3A_265, %dma_wait3A_266, %dma_wait3A_272] : memref<3x2x128xi32, #tpu.memory_space<vmem>> -> memref<1x1x128xi32, #tpu.memory_space<vmem>>
    %dma_wait3A_274 = tpu.memref_squeeze %dma_wait3A_273 : memref<1x1x128xi32, #tpu.memory_space<vmem>> -> memref<128xi32, #tpu.memory_space<vmem>>
    %dma_wait3A_275 = arith.constant 0 : i32
    %dma_wait3A_276 = arith.constant 0 : i32
    %dma_wait3A_277 = tpu.memref_slice %arg7[%dma_wait3A_275, %dma_wait3A_276] : memref<10240x128xf32, #tpu.memory_space<vmem_shared>> -> memref<10240x128xf32, #tpu.memory_space<vmem_shared>>
    %dma_wait3A_278 = tpu.memref_slice %arg10[%dma_wait3A_267] : memref<2x!tpu.dma_semaphore, #tpu.memory_space<semaphore_mem>> -> memref<1x!tpu.dma_semaphore, #tpu.memory_space<semaphore_mem>>
    %dma_wait3A_279 = tpu.memref_squeeze %dma_wait3A_278 : memref<1x!tpu.dma_semaphore, #tpu.memory_space<semaphore_mem>> -> memref<!tpu.dma_semaphore, #tpu.memory_space<semaphore_mem>>
    tpu.wait_indirect_dma semaphore(%dma_wait3A_279 : memref<!tpu.dma_semaphore, #tpu.memory_space<semaphore_mem>>) src(%dma_wait3A_271 : memref<128x128xf32, #tpu.memory_space<vmem>>) dst(%dma_wait3A_277 : memref<10240x128xf32, #tpu.memory_space<vmem_shared>>)
    %barrier3A_280 = arith.constant 0 : index
    tpu.barrier barrier_id(%barrier3A_280)
    %mul3A_281 = arith.constant 640 : i32
    %mul3A_282 = arith.muli %arg1, %mul3A_281 : i32
    %add3A_283 = arith.constant 0 : i32
    %add3A_284 = arith.addi %mul3A_282, %add3A_283 : i32
    %dma_start3A_285 = arith.constant 0 : i32
    %dma_start3A_286 = tpu.memref_slice %arg11[%dma_start3A_285] : memref<5x!tpu.dma_semaphore, #tpu.memory_space<semaphore_mem>> -> memref<1x!tpu.dma_semaphore, #tpu.memory_space<semaphore_mem>>
    %dma_start3A_287 = tpu.memref_squeeze %dma_start3A_286 : memref<1x!tpu.dma_semaphore, #tpu.memory_space<semaphore_mem>> -> memref<!tpu.dma_semaphore, #tpu.memory_space<semaphore_mem>>
    %dma_start3A_288 = arith.constant 0 : i32
    %dma_start3A_289 = tpu.memref_slice %arg4[%arg0, %add3A_284, %dma_start3A_288] : memref<2x10240x128xf32, #tpu.memory_space<hbm>> -> memref<1x128x128xf32, #tpu.memory_space<hbm>>
    %dma_start3A_290 = tpu.memref_squeeze %dma_start3A_289 : memref<1x128x128xf32, #tpu.memory_space<hbm>> -> memref<128x128xf32, #tpu.memory_space<hbm>>
    %dma_start3A_291 = arith.constant 0 : i32
    %dma_start3A_292 = tpu.memref_slice %arg7[%add3A_284, %dma_start3A_291] : memref<10240x128xf32, #tpu.memory_space<vmem_shared>> -> memref<128x128xf32, #tpu.memory_space<vmem_shared>>
    tpu.enqueue_dma source(%dma_start3A_292 : memref<128x128xf32, #tpu.memory_space<vmem_shared>>) target(%dma_start3A_290 : memref<128x128xf32, #tpu.memory_space<hbm>>) target_semaphore(%dma_start3A_287 : memref<!tpu.dma_semaphore, #tpu.memory_space<semaphore_mem>>)
    %mul3A_293 = arith.constant 640 : i32
    %mul3A_294 = arith.muli %arg1, %mul3A_293 : i32
    %add3A_295 = arith.constant 128 : i32
    %add3A_296 = arith.addi %mul3A_294, %add3A_295 : i32
    %dma_start3A_297 = arith.constant 1 : i32
    %dma_start3A_298 = tpu.memref_slice %arg11[%dma_start3A_297] : memref<5x!tpu.dma_semaphore, #tpu.memory_space<semaphore_mem>> -> memref<1x!tpu.dma_semaphore, #tpu.memory_space<semaphore_mem>>
    %dma_start3A_299 = tpu.memref_squeeze %dma_start3A_298 : memref<1x!tpu.dma_semaphore, #tpu.memory_space<semaphore_mem>> -> memref<!tpu.dma_semaphore, #tpu.memory_space<semaphore_mem>>
    %dma_start3A_300 = arith.constant 0 : i32
    %dma_start3A_301 = tpu.memref_slice %arg4[%arg0, %add3A_296, %dma_start3A_300] : memref<2x10240x128xf32, #tpu.memory_space<hbm>> -> memref<1x128x128xf32, #tpu.memory_space<hbm>>
    %dma_start3A_302 = tpu.memref_squeeze %dma_start3A_301 : memref<1x128x128xf32, #tpu.memory_space<hbm>> -> memref<128x128xf32, #tpu.memory_space<hbm>>
    %dma_start3A_303 = arith.constant 0 : i32
    %dma_start3A_304 = tpu.memref_slice %arg7[%add3A_296, %dma_start3A_303] : memref<10240x128xf32, #tpu.memory_space<vmem_shared>> -> memref<128x128xf32, #tpu.memory_space<vmem_shared>>
    tpu.enqueue_dma source(%dma_start3A_304 : memref<128x128xf32, #tpu.memory_space<vmem_shared>>) target(%dma_start3A_302 : memref<128x128xf32, #tpu.memory_space<hbm>>) target_semaphore(%dma_start3A_299 : memref<!tpu.dma_semaphore, #tpu.memory_space<semaphore_mem>>)
    %mul3A_305 = arith.constant 640 : i32
    %mul3A_306 = arith.muli %arg1, %mul3A_305 : i32
    %add3A_307 = arith.constant 256 : i32
    %add3A_308 = arith.addi %mul3A_306, %add3A_307 : i32
    %dma_start3A_309 = arith.constant 2 : i32
    %dma_start3A_310 = tpu.memref_slice %arg11[%dma_start3A_309] : memref<5x!tpu.dma_semaphore, #tpu.memory_space<semaphore_mem>> -> memref<1x!tpu.dma_semaphore, #tpu.memory_space<semaphore_mem>>
    %dma_start3A_311 = tpu.memref_squeeze %dma_start3A_310 : memref<1x!tpu.dma_semaphore, #tpu.memory_space<semaphore_mem>> -> memref<!tpu.dma_semaphore, #tpu.memory_space<semaphore_mem>>
    %dma_start3A_312 = arith.constant 0 : i32
    %dma_start3A_313 = tpu.memref_slice %arg4[%arg0, %add3A_308, %dma_start3A_312] : memref<2x10240x128xf32, #tpu.memory_space<hbm>> -> memref<1x128x128xf32, #tpu.memory_space<hbm>>
    %dma_start3A_314 = tpu.memref_squeeze %dma_start3A_313 : memref<1x128x128xf32, #tpu.memory_space<hbm>> -> memref<128x128xf32, #tpu.memory_space<hbm>>
    %dma_start3A_315 = arith.constant 0 : i32
    %dma_start3A_316 = tpu.memref_slice %arg7[%add3A_308, %dma_start3A_315] : memref<10240x128xf32, #tpu.memory_space<vmem_shared>> -> memref<128x128xf32, #tpu.memory_space<vmem_shared>>
    tpu.enqueue_dma source(%dma_start3A_316 : memref<128x128xf32, #tpu.memory_space<vmem_shared>>) target(%dma_start3A_314 : memref<128x128xf32, #tpu.memory_space<hbm>>) target_semaphore(%dma_start3A_311 : memref<!tpu.dma_semaphore, #tpu.memory_space<semaphore_mem>>)
    %mul3A_317 = arith.constant 640 : i32
    %mul3A_318 = arith.muli %arg1, %mul3A_317 : i32
    %add3A_319 = arith.constant 384 : i32
    %add3A_320 = arith.addi %mul3A_318, %add3A_319 : i32
    %dma_start3A_321 = arith.constant 3 : i32
    %dma_start3A_322 = tpu.memref_slice %arg11[%dma_start3A_321] : memref<5x!tpu.dma_semaphore, #tpu.memory_space<semaphore_mem>> -> memref<1x!tpu.dma_semaphore, #tpu.memory_space<semaphore_mem>>
    %dma_start3A_323 = tpu.memref_squeeze %dma_start3A_322 : memref<1x!tpu.dma_semaphore, #tpu.memory_space<semaphore_mem>> -> memref<!tpu.dma_semaphore, #tpu.memory_space<semaphore_mem>>
    %dma_start3A_324 = arith.constant 0 : i32
    %dma_start3A_325 = tpu.memref_slice %arg4[%arg0, %add3A_320, %dma_start3A_324] : memref<2x10240x128xf32, #tpu.memory_space<hbm>> -> memref<1x128x128xf32, #tpu.memory_space<hbm>>
    %dma_start3A_326 = tpu.memref_squeeze %dma_start3A_325 : memref<1x128x128xf32, #tpu.memory_space<hbm>> -> memref<128x128xf32, #tpu.memory_space<hbm>>
    %dma_start3A_327 = arith.constant 0 : i32
    %dma_start3A_328 = tpu.memref_slice %arg7[%add3A_320, %dma_start3A_327] : memref<10240x128xf32, #tpu.memory_space<vmem_shared>> -> memref<128x128xf32, #tpu.memory_space<vmem_shared>>
    tpu.enqueue_dma source(%dma_start3A_328 : memref<128x128xf32, #tpu.memory_space<vmem_shared>>) target(%dma_start3A_326 : memref<128x128xf32, #tpu.memory_space<hbm>>) target_semaphore(%dma_start3A_323 : memref<!tpu.dma_semaphore, #tpu.memory_space<semaphore_mem>>)
    %mul3A_329 = arith.constant 640 : i32
    %mul3A_330 = arith.muli %arg1, %mul3A_329 : i32
    %add3A_331 = arith.constant 512 : i32
    %add3A_332 = arith.addi %mul3A_330, %add3A_331 : i32
    %dma_start3A_333 = arith.constant 4 : i32
    %dma_start3A_334 = tpu.memref_slice %arg11[%dma_start3A_333] : memref<5x!tpu.dma_semaphore, #tpu.memory_space<semaphore_mem>> -> memref<1x!tpu.dma_semaphore, #tpu.memory_space<semaphore_mem>>
    %dma_start3A_335 = tpu.memref_squeeze %dma_start3A_334 : memref<1x!tpu.dma_semaphore, #tpu.memory_space<semaphore_mem>> -> memref<!tpu.dma_semaphore, #tpu.memory_space<semaphore_mem>>
    %dma_start3A_336 = arith.constant 0 : i32
    %dma_start3A_337 = tpu.memref_slice %arg4[%arg0, %add3A_332, %dma_start3A_336] : memref<2x10240x128xf32, #tpu.memory_space<hbm>> -> memref<1x128x128xf32, #tpu.memory_space<hbm>>
    %dma_start3A_338 = tpu.memref_squeeze %dma_start3A_337 : memref<1x128x128xf32, #tpu.memory_space<hbm>> -> memref<128x128xf32, #tpu.memory_space<hbm>>
    %dma_start3A_339 = arith.constant 0 : i32
    %dma_start3A_340 = tpu.memref_slice %arg7[%add3A_332, %dma_start3A_339] : memref<10240x128xf32, #tpu.memory_space<vmem_shared>> -> memref<128x128xf32, #tpu.memory_space<vmem_shared>>
    tpu.enqueue_dma source(%dma_start3A_340 : memref<128x128xf32, #tpu.memory_space<vmem_shared>>) target(%dma_start3A_338 : memref<128x128xf32, #tpu.memory_space<hbm>>) target_semaphore(%dma_start3A_335 : memref<!tpu.dma_semaphore, #tpu.memory_space<semaphore_mem>>)
    %mul3A_341 = arith.constant 640 : i32
    %mul3A_342 = arith.muli %arg1, %mul3A_341 : i32
    %add3A_343 = arith.constant 0 : i32
    %add3A_344 = arith.addi %mul3A_342, %add3A_343 : i32
    %dma_wait3A_345 = arith.constant 0 : i32
    %dma_wait3A_346 = tpu.memref_slice %arg11[%dma_wait3A_345] : memref<5x!tpu.dma_semaphore, #tpu.memory_space<semaphore_mem>> -> memref<1x!tpu.dma_semaphore, #tpu.memory_space<semaphore_mem>>
    %dma_wait3A_347 = tpu.memref_squeeze %dma_wait3A_346 : memref<1x!tpu.dma_semaphore, #tpu.memory_space<semaphore_mem>> -> memref<!tpu.dma_semaphore, #tpu.memory_space<semaphore_mem>>
    %dma_wait3A_348 = arith.constant 0 : i32
    %dma_wait3A_349 = tpu.memref_slice %arg4[%arg0, %add3A_344, %dma_wait3A_348] : memref<2x10240x128xf32, #tpu.memory_space<hbm>> -> memref<1x128x128xf32, #tpu.memory_space<hbm>>
    %dma_wait3A_350 = tpu.memref_squeeze %dma_wait3A_349 : memref<1x128x128xf32, #tpu.memory_space<hbm>> -> memref<128x128xf32, #tpu.memory_space<hbm>>
    %dma_wait3A_351 = arith.constant 0 : i32
    %dma_wait3A_352 = tpu.memref_slice %arg7[%add3A_344, %dma_wait3A_351] : memref<10240x128xf32, #tpu.memory_space<vmem_shared>> -> memref<128x128xf32, #tpu.memory_space<vmem_shared>>
    tpu.wait_dma2 semaphore(%dma_wait3A_347 : memref<!tpu.dma_semaphore, #tpu.memory_space<semaphore_mem>>) src(%dma_wait3A_352 : memref<128x128xf32, #tpu.memory_space<vmem_shared>>) dst(%dma_wait3A_350 : memref<128x128xf32, #tpu.memory_space<hbm>>)
    %mul3A_353 = arith.constant 640 : i32
    %mul3A_354 = arith.muli %arg1, %mul3A_353 : i32
    %add3A_355 = arith.constant 128 : i32
    %add3A_356 = arith.addi %mul3A_354, %add3A_355 : i32
    %dma_wait3A_357 = arith.constant 1 : i32
    %dma_wait3A_358 = tpu.memref_slice %arg11[%dma_wait3A_357] : memref<5x!tpu.dma_semaphore, #tpu.memory_space<semaphore_mem>> -> memref<1x!tpu.dma_semaphore, #tpu.memory_space<semaphore_mem>>
    %dma_wait3A_359 = tpu.memref_squeeze %dma_wait3A_358 : memref<1x!tpu.dma_semaphore, #tpu.memory_space<semaphore_mem>> -> memref<!tpu.dma_semaphore, #tpu.memory_space<semaphore_mem>>
    %dma_wait3A_360 = arith.constant 0 : i32
    %dma_wait3A_361 = tpu.memref_slice %arg4[%arg0, %add3A_356, %dma_wait3A_360] : memref<2x10240x128xf32, #tpu.memory_space<hbm>> -> memref<1x128x128xf32, #tpu.memory_space<hbm>>
    %dma_wait3A_362 = tpu.memref_squeeze %dma_wait3A_361 : memref<1x128x128xf32, #tpu.memory_space<hbm>> -> memref<128x128xf32, #tpu.memory_space<hbm>>
    %dma_wait3A_363 = arith.constant 0 : i32
    %dma_wait3A_364 = tpu.memref_slice %arg7[%add3A_356, %dma_wait3A_363] : memref<10240x128xf32, #tpu.memory_space<vmem_shared>> -> memref<128x128xf32, #tpu.memory_space<vmem_shared>>
    tpu.wait_dma2 semaphore(%dma_wait3A_359 : memref<!tpu.dma_semaphore, #tpu.memory_space<semaphore_mem>>) src(%dma_wait3A_364 : memref<128x128xf32, #tpu.memory_space<vmem_shared>>) dst(%dma_wait3A_362 : memref<128x128xf32, #tpu.memory_space<hbm>>)
    %mul3A_365 = arith.constant 640 : i32
    %mul3A_366 = arith.muli %arg1, %mul3A_365 : i32
    %add3A_367 = arith.constant 256 : i32
    %add3A_368 = arith.addi %mul3A_366, %add3A_367 : i32
    %dma_wait3A_369 = arith.constant 2 : i32
    %dma_wait3A_370 = tpu.memref_slice %arg11[%dma_wait3A_369] : memref<5x!tpu.dma_semaphore, #tpu.memory_space<semaphore_mem>> -> memref<1x!tpu.dma_semaphore, #tpu.memory_space<semaphore_mem>>
    %dma_wait3A_371 = tpu.memref_squeeze %dma_wait3A_370 : memref<1x!tpu.dma_semaphore, #tpu.memory_space<semaphore_mem>> -> memref<!tpu.dma_semaphore, #tpu.memory_space<semaphore_mem>>
    %dma_wait3A_372 = arith.constant 0 : i32
    %dma_wait3A_373 = tpu.memref_slice %arg4[%arg0, %add3A_368, %dma_wait3A_372] : memref<2x10240x128xf32, #tpu.memory_space<hbm>> -> memref<1x128x128xf32, #tpu.memory_space<hbm>>
    %dma_wait3A_374 = tpu.memref_squeeze %dma_wait3A_373 : memref<1x128x128xf32, #tpu.memory_space<hbm>> -> memref<128x128xf32, #tpu.memory_space<hbm>>
    %dma_wait3A_375 = arith.constant 0 : i32
    %dma_wait3A_376 = tpu.memref_slice %arg7[%add3A_368, %dma_wait3A_375] : memref<10240x128xf32, #tpu.memory_space<vmem_shared>> -> memref<128x128xf32, #tpu.memory_space<vmem_shared>>
    tpu.wait_dma2 semaphore(%dma_wait3A_371 : memref<!tpu.dma_semaphore, #tpu.memory_space<semaphore_mem>>) src(%dma_wait3A_376 : memref<128x128xf32, #tpu.memory_space<vmem_shared>>) dst(%dma_wait3A_374 : memref<128x128xf32, #tpu.memory_space<hbm>>)
    %mul3A_377 = arith.constant 640 : i32
    %mul3A_378 = arith.muli %arg1, %mul3A_377 : i32
    %add3A_379 = arith.constant 384 : i32
    %add3A_380 = arith.addi %mul3A_378, %add3A_379 : i32
    %dma_wait3A_381 = arith.constant 3 : i32
    %dma_wait3A_382 = tpu.memref_slice %arg11[%dma_wait3A_381] : memref<5x!tpu.dma_semaphore, #tpu.memory_space<semaphore_mem>> -> memref<1x!tpu.dma_semaphore, #tpu.memory_space<semaphore_mem>>
    %dma_wait3A_383 = tpu.memref_squeeze %dma_wait3A_382 : memref<1x!tpu.dma_semaphore, #tpu.memory_space<semaphore_mem>> -> memref<!tpu.dma_semaphore, #tpu.memory_space<semaphore_mem>>
    %dma_wait3A_384 = arith.constant 0 : i32
    %dma_wait3A_385 = tpu.memref_slice %arg4[%arg0, %add3A_380, %dma_wait3A_384] : memref<2x10240x128xf32, #tpu.memory_space<hbm>> -> memref<1x128x128xf32, #tpu.memory_space<hbm>>
    %dma_wait3A_386 = tpu.memref_squeeze %dma_wait3A_385 : memref<1x128x128xf32, #tpu.memory_space<hbm>> -> memref<128x128xf32, #tpu.memory_space<hbm>>
    %dma_wait3A_387 = arith.constant 0 : i32
    %dma_wait3A_388 = tpu.memref_slice %arg7[%add3A_380, %dma_wait3A_387] : memref<10240x128xf32, #tpu.memory_space<vmem_shared>> -> memref<128x128xf32, #tpu.memory_space<vmem_shared>>
    tpu.wait_dma2 semaphore(%dma_wait3A_383 : memref<!tpu.dma_semaphore, #tpu.memory_space<semaphore_mem>>) src(%dma_wait3A_388 : memref<128x128xf32, #tpu.memory_space<vmem_shared>>) dst(%dma_wait3A_386 : memref<128x128xf32, #tpu.memory_space<hbm>>)
    %mul3A_389 = arith.constant 640 : i32
    %mul3A_390 = arith.muli %arg1, %mul3A_389 : i32
    %add3A_391 = arith.constant 512 : i32
    %add3A_392 = arith.addi %mul3A_390, %add3A_391 : i32
    %dma_wait3A_393 = arith.constant 4 : i32
    %dma_wait3A_394 = tpu.memref_slice %arg11[%dma_wait3A_393] : memref<5x!tpu.dma_semaphore, #tpu.memory_space<semaphore_mem>> -> memref<1x!tpu.dma_semaphore, #tpu.memory_space<semaphore_mem>>
    %dma_wait3A_395 = tpu.memref_squeeze %dma_wait3A_394 : memref<1x!tpu.dma_semaphore, #tpu.memory_space<semaphore_mem>> -> memref<!tpu.dma_semaphore, #tpu.memory_space<semaphore_mem>>
    %dma_wait3A_396 = arith.constant 0 : i32
    %dma_wait3A_397 = tpu.memref_slice %arg4[%arg0, %add3A_392, %dma_wait3A_396] : memref<2x10240x128xf32, #tpu.memory_space<hbm>> -> memref<1x128x128xf32, #tpu.memory_space<hbm>>
    %dma_wait3A_398 = tpu.memref_squeeze %dma_wait3A_397 : memref<1x128x128xf32, #tpu.memory_space<hbm>> -> memref<128x128xf32, #tpu.memory_space<hbm>>
    %dma_wait3A_399 = arith.constant 0 : i32
    %dma_wait3A_400 = tpu.memref_slice %arg7[%add3A_392, %dma_wait3A_399] : memref<10240x128xf32, #tpu.memory_space<vmem_shared>> -> memref<128x128xf32, #tpu.memory_space<vmem_shared>>
    tpu.wait_dma2 semaphore(%dma_wait3A_395 : memref<!tpu.dma_semaphore, #tpu.memory_space<semaphore_mem>>) src(%dma_wait3A_400 : memref<128x128xf32, #tpu.memory_space<vmem_shared>>) dst(%dma_wait3A_398 : memref<128x128xf32, #tpu.memory_space<hbm>>)
    return
  }
}

#map = affine_map<(d0, d1) -> (0, 0, 0, 0)>
#map1 = affine_map<(d0, d1) -> (0, 0)>
module attributes {stable_mosaic.version = 14 : i64} {
  func.func @_degree_body(%arg0: i32, %arg1: i32, %arg2: memref<32x80x2x128xi32, #tpu.memory_space<hbm>>, %arg3: memref<2x10240xf32, #tpu.memory_space<hbm>>, %arg4: memref<80x2x128xi32, #tpu.memory_space<vmem>>, %arg5: memref<128xf32, #tpu.memory_space<vmem>>, %arg6: memref<640xf32, #tpu.memory_space<vmem>>, %arg7: memref<10240xf32, #tpu.memory_space<vmem_shared>>, %arg8: memref<8x!tpu.dma_semaphore, #tpu.memory_space<semaphore_mem>>) attributes {dimension_semantics = [#tpu.dimension_semantics<core_parallel>, #tpu.dimension_semantics<subcore_parallel>], iteration_bounds = array<i64: 2, 16>, scalar_prefetch = 0 : i64, scratch_operands = 5 : i64, tpu.core_type = #tpu.core_type<sc_vector_subcore>, window_params = [{transform_indices = #map}, {transform_indices = #map1}]} {
    %mul3A = arith.constant 2 : i32
    %mul3A_0 = arith.muli %arg1, %mul3A : i32
    %add3A = arith.addi %mul3A_0, %arg0 : i32
    %broadcast_in_dim3A = arith.constant 1.000000e+00 : f32
    %broadcast_in_dim3A_1 = vector.broadcast %broadcast_in_dim3A : f32 to vector<16xf32>
    %swap3A = arith.constant 0 : index
    %swap3A_2 = tpu.vector_load %arg5[%swap3A] {strides = array<i32>} : memref<128xf32, #tpu.memory_space<vmem>>, vector<16xf32>,
    %swap3A_3 = vector.shape_cast %swap3A_2 : vector<16xf32> to vector<16xf32>
    %swap3A_4 = vector.shape_cast %broadcast_in_dim3A_1 : vector<16xf32> to vector<16xf32>
    tpu.vector_store %arg5[%swap3A], %swap3A_4 {strides = array<i32>} : memref<128xf32, #tpu.memory_space<vmem>>, vector<16xf32>,
    %broadcast_in_dim3A_5 = arith.constant 1.000000e+00 : f32
    %broadcast_in_dim3A_6 = vector.broadcast %broadcast_in_dim3A_5 : f32 to vector<16xf32>
    %swap3A_7 = arith.constant 16 : index
    %swap3A_8 = tpu.vector_load %arg5[%swap3A_7] {strides = array<i32>} : memref<128xf32, #tpu.memory_space<vmem>>, vector<16xf32>,
    %swap3A_9 = vector.shape_cast %swap3A_8 : vector<16xf32> to vector<16xf32>
    %swap3A_10 = vector.shape_cast %broadcast_in_dim3A_6 : vector<16xf32> to vector<16xf32>
    tpu.vector_store %arg5[%swap3A_7], %swap3A_10 {strides = array<i32>} : memref<128xf32, #tpu.memory_space<vmem>>, vector<16xf32>,
    %broadcast_in_dim3A_11 = arith.constant 1.000000e+00 : f32
    %broadcast_in_dim3A_12 = vector.broadcast %broadcast_in_dim3A_11 : f32 to vector<16xf32>
    %swap3A_13 = arith.constant 32 : index
    %swap3A_14 = tpu.vector_load %arg5[%swap3A_13] {strides = array<i32>} : memref<128xf32, #tpu.memory_space<vmem>>, vector<16xf32>,
    %swap3A_15 = vector.shape_cast %swap3A_14 : vector<16xf32> to vector<16xf32>
    %swap3A_16 = vector.shape_cast %broadcast_in_dim3A_12 : vector<16xf32> to vector<16xf32>
    tpu.vector_store %arg5[%swap3A_13], %swap3A_16 {strides = array<i32>} : memref<128xf32, #tpu.memory_space<vmem>>, vector<16xf32>,
    %broadcast_in_dim3A_17 = arith.constant 1.000000e+00 : f32
    %broadcast_in_dim3A_18 = vector.broadcast %broadcast_in_dim3A_17 : f32 to vector<16xf32>
    %swap3A_19 = arith.constant 48 : index
    %swap3A_20 = tpu.vector_load %arg5[%swap3A_19] {strides = array<i32>} : memref<128xf32, #tpu.memory_space<vmem>>, vector<16xf32>,
    %swap3A_21 = vector.shape_cast %swap3A_20 : vector<16xf32> to vector<16xf32>
    %swap3A_22 = vector.shape_cast %broadcast_in_dim3A_18 : vector<16xf32> to vector<16xf32>
    tpu.vector_store %arg5[%swap3A_19], %swap3A_22 {strides = array<i32>} : memref<128xf32, #tpu.memory_space<vmem>>, vector<16xf32>,
    %broadcast_in_dim3A_23 = arith.constant 1.000000e+00 : f32
    %broadcast_in_dim3A_24 = vector.broadcast %broadcast_in_dim3A_23 : f32 to vector<16xf32>
    %swap3A_25 = arith.constant 64 : index
    %swap3A_26 = tpu.vector_load %arg5[%swap3A_25] {strides = array<i32>} : memref<128xf32, #tpu.memory_space<vmem>>, vector<16xf32>,
    %swap3A_27 = vector.shape_cast %swap3A_26 : vector<16xf32> to vector<16xf32>
    %swap3A_28 = vector.shape_cast %broadcast_in_dim3A_24 : vector<16xf32> to vector<16xf32>
    tpu.vector_store %arg5[%swap3A_25], %swap3A_28 {strides = array<i32>} : memref<128xf32, #tpu.memory_space<vmem>>, vector<16xf32>,
    %broadcast_in_dim3A_29 = arith.constant 1.000000e+00 : f32
    %broadcast_in_dim3A_30 = vector.broadcast %broadcast_in_dim3A_29 : f32 to vector<16xf32>
    %swap3A_31 = arith.constant 80 : index
    %swap3A_32 = tpu.vector_load %arg5[%swap3A_31] {strides = array<i32>} : memref<128xf32, #tpu.memory_space<vmem>>, vector<16xf32>,
    %swap3A_33 = vector.shape_cast %swap3A_32 : vector<16xf32> to vector<16xf32>
    %swap3A_34 = vector.shape_cast %broadcast_in_dim3A_30 : vector<16xf32> to vector<16xf32>
    tpu.vector_store %arg5[%swap3A_31], %swap3A_34 {strides = array<i32>} : memref<128xf32, #tpu.memory_space<vmem>>, vector<16xf32>,
    %broadcast_in_dim3A_35 = arith.constant 1.000000e+00 : f32
    %broadcast_in_dim3A_36 = vector.broadcast %broadcast_in_dim3A_35 : f32 to vector<16xf32>
    %swap3A_37 = arith.constant 96 : index
    %swap3A_38 = tpu.vector_load %arg5[%swap3A_37] {strides = array<i32>} : memref<128xf32, #tpu.memory_space<vmem>>, vector<16xf32>,
    %swap3A_39 = vector.shape_cast %swap3A_38 : vector<16xf32> to vector<16xf32>
    %swap3A_40 = vector.shape_cast %broadcast_in_dim3A_36 : vector<16xf32> to vector<16xf32>
    tpu.vector_store %arg5[%swap3A_37], %swap3A_40 {strides = array<i32>} : memref<128xf32, #tpu.memory_space<vmem>>, vector<16xf32>,
    %broadcast_in_dim3A_41 = arith.constant 1.000000e+00 : f32
    %broadcast_in_dim3A_42 = vector.broadcast %broadcast_in_dim3A_41 : f32 to vector<16xf32>
    %swap3A_43 = arith.constant 112 : index
    %swap3A_44 = tpu.vector_load %arg5[%swap3A_43] {strides = array<i32>} : memref<128xf32, #tpu.memory_space<vmem>>, vector<16xf32>,
    %swap3A_45 = vector.shape_cast %swap3A_44 : vector<16xf32> to vector<16xf32>
    %swap3A_46 = vector.shape_cast %broadcast_in_dim3A_42 : vector<16xf32> to vector<16xf32>
    tpu.vector_store %arg5[%swap3A_43], %swap3A_46 {strides = array<i32>} : memref<128xf32, #tpu.memory_space<vmem>>, vector<16xf32>,
    %broadcast_in_dim3A_47 = arith.constant 0.000000e+00 : f32
    %broadcast_in_dim3A_48 = vector.broadcast %broadcast_in_dim3A_47 : f32 to vector<16xf32>
    %swap3A_49 = arith.constant 0 : index
    %swap3A_50 = tpu.vector_load %arg6[%swap3A_49] {strides = array<i32>} : memref<640xf32, #tpu.memory_space<vmem>>, vector<16xf32>,
    %swap3A_51 = vector.shape_cast %swap3A_50 : vector<16xf32> to vector<16xf32>
    %swap3A_52 = vector.shape_cast %broadcast_in_dim3A_48 : vector<16xf32> to vector<16xf32>
    tpu.vector_store %arg6[%swap3A_49], %swap3A_52 {strides = array<i32>} : memref<640xf32, #tpu.memory_space<vmem>>, vector<16xf32>,
    %broadcast_in_dim3A_53 = arith.constant 0.000000e+00 : f32
    %broadcast_in_dim3A_54 = vector.broadcast %broadcast_in_dim3A_53 : f32 to vector<16xf32>
    %swap3A_55 = arith.constant 16 : index
    %swap3A_56 = tpu.vector_load %arg6[%swap3A_55] {strides = array<i32>} : memref<640xf32, #tpu.memory_space<vmem>>, vector<16xf32>,
    %swap3A_57 = vector.shape_cast %swap3A_56 : vector<16xf32> to vector<16xf32>
    %swap3A_58 = vector.shape_cast %broadcast_in_dim3A_54 : vector<16xf32> to vector<16xf32>
    tpu.vector_store %arg6[%swap3A_55], %swap3A_58 {strides = array<i32>} : memref<640xf32, #tpu.memory_space<vmem>>, vector<16xf32>,
    %broadcast_in_dim3A_59 = arith.constant 0.000000e+00 : f32
    %broadcast_in_dim3A_60 = vector.broadcast %broadcast_in_dim3A_59 : f32 to vector<16xf32>
    %swap3A_61 = arith.constant 32 : index
    %swap3A_62 = tpu.vector_load %arg6[%swap3A_61] {strides = array<i32>} : memref<640xf32, #tpu.memory_space<vmem>>, vector<16xf32>,
    %swap3A_63 = vector.shape_cast %swap3A_62 : vector<16xf32> to vector<16xf32>
    %swap3A_64 = vector.shape_cast %broadcast_in_dim3A_60 : vector<16xf32> to vector<16xf32>
    tpu.vector_store %arg6[%swap3A_61], %swap3A_64 {strides = array<i32>} : memref<640xf32, #tpu.memory_space<vmem>>, vector<16xf32>,
    %broadcast_in_dim3A_65 = arith.constant 0.000000e+00 : f32
    %broadcast_in_dim3A_66 = vector.broadcast %broadcast_in_dim3A_65 : f32 to vector<16xf32>
    %swap3A_67 = arith.constant 48 : index
    %swap3A_68 = tpu.vector_load %arg6[%swap3A_67] {strides = array<i32>} : memref<640xf32, #tpu.memory_space<vmem>>, vector<16xf32>,
    %swap3A_69 = vector.shape_cast %swap3A_68 : vector<16xf32> to vector<16xf32>
    %swap3A_70 = vector.shape_cast %broadcast_in_dim3A_66 : vector<16xf32> to vector<16xf32>
    tpu.vector_store %arg6[%swap3A_67], %swap3A_70 {strides = array<i32>} : memref<640xf32, #tpu.memory_space<vmem>>, vector<16xf32>,
    %broadcast_in_dim3A_71 = arith.constant 0.000000e+00 : f32
    %broadcast_in_dim3A_72 = vector.broadcast %broadcast_in_dim3A_71 : f32 to vector<16xf32>
    %swap3A_73 = arith.constant 64 : index
    %swap3A_74 = tpu.vector_load %arg6[%swap3A_73] {strides = array<i32>} : memref<640xf32, #tpu.memory_space<vmem>>, vector<16xf32>,
    %swap3A_75 = vector.shape_cast %swap3A_74 : vector<16xf32> to vector<16xf32>
    %swap3A_76 = vector.shape_cast %broadcast_in_dim3A_72 : vector<16xf32> to vector<16xf32>
    tpu.vector_store %arg6[%swap3A_73], %swap3A_76 {strides = array<i32>} : memref<640xf32, #tpu.memory_space<vmem>>, vector<16xf32>,
    %broadcast_in_dim3A_77 = arith.constant 0.000000e+00 : f32
    %broadcast_in_dim3A_78 = vector.broadcast %broadcast_in_dim3A_77 : f32 to vector<16xf32>
    %swap3A_79 = arith.constant 80 : index
    %swap3A_80 = tpu.vector_load %arg6[%swap3A_79] {strides = array<i32>} : memref<640xf32, #tpu.memory_space<vmem>>, vector<16xf32>,
    %swap3A_81 = vector.shape_cast %swap3A_80 : vector<16xf32> to vector<16xf32>
    %swap3A_82 = vector.shape_cast %broadcast_in_dim3A_78 : vector<16xf32> to vector<16xf32>
    tpu.vector_store %arg6[%swap3A_79], %swap3A_82 {strides = array<i32>} : memref<640xf32, #tpu.memory_space<vmem>>, vector<16xf32>,
    %broadcast_in_dim3A_83 = arith.constant 0.000000e+00 : f32
    %broadcast_in_dim3A_84 = vector.broadcast %broadcast_in_dim3A_83 : f32 to vector<16xf32>
    %swap3A_85 = arith.constant 96 : index
    %swap3A_86 = tpu.vector_load %arg6[%swap3A_85] {strides = array<i32>} : memref<640xf32, #tpu.memory_space<vmem>>, vector<16xf32>,
    %swap3A_87 = vector.shape_cast %swap3A_86 : vector<16xf32> to vector<16xf32>
    %swap3A_88 = vector.shape_cast %broadcast_in_dim3A_84 : vector<16xf32> to vector<16xf32>
    tpu.vector_store %arg6[%swap3A_85], %swap3A_88 {strides = array<i32>} : memref<640xf32, #tpu.memory_space<vmem>>, vector<16xf32>,
    %broadcast_in_dim3A_89 = arith.constant 0.000000e+00 : f32
    %broadcast_in_dim3A_90 = vector.broadcast %broadcast_in_dim3A_89 : f32 to vector<16xf32>
    %swap3A_91 = arith.constant 112 : index
    %swap3A_92 = tpu.vector_load %arg6[%swap3A_91] {strides = array<i32>} : memref<640xf32, #tpu.memory_space<vmem>>, vector<16xf32>,
    %swap3A_93 = vector.shape_cast %swap3A_92 : vector<16xf32> to vector<16xf32>
    %swap3A_94 = vector.shape_cast %broadcast_in_dim3A_90 : vector<16xf32> to vector<16xf32>
    tpu.vector_store %arg6[%swap3A_91], %swap3A_94 {strides = array<i32>} : memref<640xf32, #tpu.memory_space<vmem>>, vector<16xf32>,
    %broadcast_in_dim3A_95 = arith.constant 0.000000e+00 : f32
    %broadcast_in_dim3A_96 = vector.broadcast %broadcast_in_dim3A_95 : f32 to vector<16xf32>
    %swap3A_97 = arith.constant 128 : index
    %swap3A_98 = tpu.vector_load %arg6[%swap3A_97] {strides = array<i32>} : memref<640xf32, #tpu.memory_space<vmem>>, vector<16xf32>,
    %swap3A_99 = vector.shape_cast %swap3A_98 : vector<16xf32> to vector<16xf32>
    %swap3A_100 = vector.shape_cast %broadcast_in_dim3A_96 : vector<16xf32> to vector<16xf32>
    tpu.vector_store %arg6[%swap3A_97], %swap3A_100 {strides = array<i32>} : memref<640xf32, #tpu.memory_space<vmem>>, vector<16xf32>,
    %broadcast_in_dim3A_101 = arith.constant 0.000000e+00 : f32
    %broadcast_in_dim3A_102 = vector.broadcast %broadcast_in_dim3A_101 : f32 to vector<16xf32>
    %swap3A_103 = arith.constant 144 : index
    %swap3A_104 = tpu.vector_load %arg6[%swap3A_103] {strides = array<i32>} : memref<640xf32, #tpu.memory_space<vmem>>, vector<16xf32>,
    %swap3A_105 = vector.shape_cast %swap3A_104 : vector<16xf32> to vector<16xf32>
    %swap3A_106 = vector.shape_cast %broadcast_in_dim3A_102 : vector<16xf32> to vector<16xf32>
    tpu.vector_store %arg6[%swap3A_103], %swap3A_106 {strides = array<i32>} : memref<640xf32, #tpu.memory_space<vmem>>, vector<16xf32>,
    %broadcast_in_dim3A_107 = arith.constant 0.000000e+00 : f32
    %broadcast_in_dim3A_108 = vector.broadcast %broadcast_in_dim3A_107 : f32 to vector<16xf32>
    %swap3A_109 = arith.constant 160 : index
    %swap3A_110 = tpu.vector_load %arg6[%swap3A_109] {strides = array<i32>} : memref<640xf32, #tpu.memory_space<vmem>>, vector<16xf32>,
    %swap3A_111 = vector.shape_cast %swap3A_110 : vector<16xf32> to vector<16xf32>
    %swap3A_112 = vector.shape_cast %broadcast_in_dim3A_108 : vector<16xf32> to vector<16xf32>
    tpu.vector_store %arg6[%swap3A_109], %swap3A_112 {strides = array<i32>} : memref<640xf32, #tpu.memory_space<vmem>>, vector<16xf32>,
    %broadcast_in_dim3A_113 = arith.constant 0.000000e+00 : f32
    %broadcast_in_dim3A_114 = vector.broadcast %broadcast_in_dim3A_113 : f32 to vector<16xf32>
    %swap3A_115 = arith.constant 176 : index
    %swap3A_116 = tpu.vector_load %arg6[%swap3A_115] {strides = array<i32>} : memref<640xf32, #tpu.memory_space<vmem>>, vector<16xf32>,
    %swap3A_117 = vector.shape_cast %swap3A_116 : vector<16xf32> to vector<16xf32>
    %swap3A_118 = vector.shape_cast %broadcast_in_dim3A_114 : vector<16xf32> to vector<16xf32>
    tpu.vector_store %arg6[%swap3A_115], %swap3A_118 {strides = array<i32>} : memref<640xf32, #tpu.memory_space<vmem>>, vector<16xf32>,
    %broadcast_in_dim3A_119 = arith.constant 0.000000e+00 : f32
    %broadcast_in_dim3A_120 = vector.broadcast %broadcast_in_dim3A_119 : f32 to vector<16xf32>
    %swap3A_121 = arith.constant 192 : index
    %swap3A_122 = tpu.vector_load %arg6[%swap3A_121] {strides = array<i32>} : memref<640xf32, #tpu.memory_space<vmem>>, vector<16xf32>,
    %swap3A_123 = vector.shape_cast %swap3A_122 : vector<16xf32> to vector<16xf32>
    %swap3A_124 = vector.shape_cast %broadcast_in_dim3A_120 : vector<16xf32> to vector<16xf32>
    tpu.vector_store %arg6[%swap3A_121], %swap3A_124 {strides = array<i32>} : memref<640xf32, #tpu.memory_space<vmem>>, vector<16xf32>,
    %broadcast_in_dim3A_125 = arith.constant 0.000000e+00 : f32
    %broadcast_in_dim3A_126 = vector.broadcast %broadcast_in_dim3A_125 : f32 to vector<16xf32>
    %swap3A_127 = arith.constant 208 : index
    %swap3A_128 = tpu.vector_load %arg6[%swap3A_127] {strides = array<i32>} : memref<640xf32, #tpu.memory_space<vmem>>, vector<16xf32>,
    %swap3A_129 = vector.shape_cast %swap3A_128 : vector<16xf32> to vector<16xf32>
    %swap3A_130 = vector.shape_cast %broadcast_in_dim3A_126 : vector<16xf32> to vector<16xf32>
    tpu.vector_store %arg6[%swap3A_127], %swap3A_130 {strides = array<i32>} : memref<640xf32, #tpu.memory_space<vmem>>, vector<16xf32>,
    %broadcast_in_dim3A_131 = arith.constant 0.000000e+00 : f32
    %broadcast_in_dim3A_132 = vector.broadcast %broadcast_in_dim3A_131 : f32 to vector<16xf32>
    %swap3A_133 = arith.constant 224 : index
    %swap3A_134 = tpu.vector_load %arg6[%swap3A_133] {strides = array<i32>} : memref<640xf32, #tpu.memory_space<vmem>>, vector<16xf32>,
    %swap3A_135 = vector.shape_cast %swap3A_134 : vector<16xf32> to vector<16xf32>
    %swap3A_136 = vector.shape_cast %broadcast_in_dim3A_132 : vector<16xf32> to vector<16xf32>
    tpu.vector_store %arg6[%swap3A_133], %swap3A_136 {strides = array<i32>} : memref<640xf32, #tpu.memory_space<vmem>>, vector<16xf32>,
    %broadcast_in_dim3A_137 = arith.constant 0.000000e+00 : f32
    %broadcast_in_dim3A_138 = vector.broadcast %broadcast_in_dim3A_137 : f32 to vector<16xf32>
    %swap3A_139 = arith.constant 240 : index
    %swap3A_140 = tpu.vector_load %arg6[%swap3A_139] {strides = array<i32>} : memref<640xf32, #tpu.memory_space<vmem>>, vector<16xf32>,
    %swap3A_141 = vector.shape_cast %swap3A_140 : vector<16xf32> to vector<16xf32>
    %swap3A_142 = vector.shape_cast %broadcast_in_dim3A_138 : vector<16xf32> to vector<16xf32>
    tpu.vector_store %arg6[%swap3A_139], %swap3A_142 {strides = array<i32>} : memref<640xf32, #tpu.memory_space<vmem>>, vector<16xf32>,
    %broadcast_in_dim3A_143 = arith.constant 0.000000e+00 : f32
    %broadcast_in_dim3A_144 = vector.broadcast %broadcast_in_dim3A_143 : f32 to vector<16xf32>
    %swap3A_145 = arith.constant 256 : index
    %swap3A_146 = tpu.vector_load %arg6[%swap3A_145] {strides = array<i32>} : memref<640xf32, #tpu.memory_space<vmem>>, vector<16xf32>,
    %swap3A_147 = vector.shape_cast %swap3A_146 : vector<16xf32> to vector<16xf32>
    %swap3A_148 = vector.shape_cast %broadcast_in_dim3A_144 : vector<16xf32> to vector<16xf32>
    tpu.vector_store %arg6[%swap3A_145], %swap3A_148 {strides = array<i32>} : memref<640xf32, #tpu.memory_space<vmem>>, vector<16xf32>,
    %broadcast_in_dim3A_149 = arith.constant 0.000000e+00 : f32
    %broadcast_in_dim3A_150 = vector.broadcast %broadcast_in_dim3A_149 : f32 to vector<16xf32>
    %swap3A_151 = arith.constant 272 : index
    %swap3A_152 = tpu.vector_load %arg6[%swap3A_151] {strides = array<i32>} : memref<640xf32, #tpu.memory_space<vmem>>, vector<16xf32>,
    %swap3A_153 = vector.shape_cast %swap3A_152 : vector<16xf32> to vector<16xf32>
    %swap3A_154 = vector.shape_cast %broadcast_in_dim3A_150 : vector<16xf32> to vector<16xf32>
    tpu.vector_store %arg6[%swap3A_151], %swap3A_154 {strides = array<i32>} : memref<640xf32, #tpu.memory_space<vmem>>, vector<16xf32>,
    %broadcast_in_dim3A_155 = arith.constant 0.000000e+00 : f32
    %broadcast_in_dim3A_156 = vector.broadcast %broadcast_in_dim3A_155 : f32 to vector<16xf32>
    %swap3A_157 = arith.constant 288 : index
    %swap3A_158 = tpu.vector_load %arg6[%swap3A_157] {strides = array<i32>} : memref<640xf32, #tpu.memory_space<vmem>>, vector<16xf32>,
    %swap3A_159 = vector.shape_cast %swap3A_158 : vector<16xf32> to vector<16xf32>
    %swap3A_160 = vector.shape_cast %broadcast_in_dim3A_156 : vector<16xf32> to vector<16xf32>
    tpu.vector_store %arg6[%swap3A_157], %swap3A_160 {strides = array<i32>} : memref<640xf32, #tpu.memory_space<vmem>>, vector<16xf32>,
    %broadcast_in_dim3A_161 = arith.constant 0.000000e+00 : f32
    %broadcast_in_dim3A_162 = vector.broadcast %broadcast_in_dim3A_161 : f32 to vector<16xf32>
    %swap3A_163 = arith.constant 304 : index
    %swap3A_164 = tpu.vector_load %arg6[%swap3A_163] {strides = array<i32>} : memref<640xf32, #tpu.memory_space<vmem>>, vector<16xf32>,
    %swap3A_165 = vector.shape_cast %swap3A_164 : vector<16xf32> to vector<16xf32>
    %swap3A_166 = vector.shape_cast %broadcast_in_dim3A_162 : vector<16xf32> to vector<16xf32>
    tpu.vector_store %arg6[%swap3A_163], %swap3A_166 {strides = array<i32>} : memref<640xf32, #tpu.memory_space<vmem>>, vector<16xf32>,
    %broadcast_in_dim3A_167 = arith.constant 0.000000e+00 : f32
    %broadcast_in_dim3A_168 = vector.broadcast %broadcast_in_dim3A_167 : f32 to vector<16xf32>
    %swap3A_169 = arith.constant 320 : index
    %swap3A_170 = tpu.vector_load %arg6[%swap3A_169] {strides = array<i32>} : memref<640xf32, #tpu.memory_space<vmem>>, vector<16xf32>,
    %swap3A_171 = vector.shape_cast %swap3A_170 : vector<16xf32> to vector<16xf32>
    %swap3A_172 = vector.shape_cast %broadcast_in_dim3A_168 : vector<16xf32> to vector<16xf32>
    tpu.vector_store %arg6[%swap3A_169], %swap3A_172 {strides = array<i32>} : memref<640xf32, #tpu.memory_space<vmem>>, vector<16xf32>,
    %broadcast_in_dim3A_173 = arith.constant 0.000000e+00 : f32
    %broadcast_in_dim3A_174 = vector.broadcast %broadcast_in_dim3A_173 : f32 to vector<16xf32>
    %swap3A_175 = arith.constant 336 : index
    %swap3A_176 = tpu.vector_load %arg6[%swap3A_175] {strides = array<i32>} : memref<640xf32, #tpu.memory_space<vmem>>, vector<16xf32>,
    %swap3A_177 = vector.shape_cast %swap3A_176 : vector<16xf32> to vector<16xf32>
    %swap3A_178 = vector.shape_cast %broadcast_in_dim3A_174 : vector<16xf32> to vector<16xf32>
    tpu.vector_store %arg6[%swap3A_175], %swap3A_178 {strides = array<i32>} : memref<640xf32, #tpu.memory_space<vmem>>, vector<16xf32>,
    %broadcast_in_dim3A_179 = arith.constant 0.000000e+00 : f32
    %broadcast_in_dim3A_180 = vector.broadcast %broadcast_in_dim3A_179 : f32 to vector<16xf32>
    %swap3A_181 = arith.constant 352 : index
    %swap3A_182 = tpu.vector_load %arg6[%swap3A_181] {strides = array<i32>} : memref<640xf32, #tpu.memory_space<vmem>>, vector<16xf32>,
    %swap3A_183 = vector.shape_cast %swap3A_182 : vector<16xf32> to vector<16xf32>
    %swap3A_184 = vector.shape_cast %broadcast_in_dim3A_180 : vector<16xf32> to vector<16xf32>
    tpu.vector_store %arg6[%swap3A_181], %swap3A_184 {strides = array<i32>} : memref<640xf32, #tpu.memory_space<vmem>>, vector<16xf32>,
    %broadcast_in_dim3A_185 = arith.constant 0.000000e+00 : f32
    %broadcast_in_dim3A_186 = vector.broadcast %broadcast_in_dim3A_185 : f32 to vector<16xf32>
    %swap3A_187 = arith.constant 368 : index
    %swap3A_188 = tpu.vector_load %arg6[%swap3A_187] {strides = array<i32>} : memref<640xf32, #tpu.memory_space<vmem>>, vector<16xf32>,
    %swap3A_189 = vector.shape_cast %swap3A_188 : vector<16xf32> to vector<16xf32>
    %swap3A_190 = vector.shape_cast %broadcast_in_dim3A_186 : vector<16xf32> to vector<16xf32>
    tpu.vector_store %arg6[%swap3A_187], %swap3A_190 {strides = array<i32>} : memref<640xf32, #tpu.memory_space<vmem>>, vector<16xf32>,
    %broadcast_in_dim3A_191 = arith.constant 0.000000e+00 : f32
    %broadcast_in_dim3A_192 = vector.broadcast %broadcast_in_dim3A_191 : f32 to vector<16xf32>
    %swap3A_193 = arith.constant 384 : index
    %swap3A_194 = tpu.vector_load %arg6[%swap3A_193] {strides = array<i32>} : memref<640xf32, #tpu.memory_space<vmem>>, vector<16xf32>,
    %swap3A_195 = vector.shape_cast %swap3A_194 : vector<16xf32> to vector<16xf32>
    %swap3A_196 = vector.shape_cast %broadcast_in_dim3A_192 : vector<16xf32> to vector<16xf32>
    tpu.vector_store %arg6[%swap3A_193], %swap3A_196 {strides = array<i32>} : memref<640xf32, #tpu.memory_space<vmem>>, vector<16xf32>,
    %broadcast_in_dim3A_197 = arith.constant 0.000000e+00 : f32
    %broadcast_in_dim3A_198 = vector.broadcast %broadcast_in_dim3A_197 : f32 to vector<16xf32>
    %swap3A_199 = arith.constant 400 : index
    %swap3A_200 = tpu.vector_load %arg6[%swap3A_199] {strides = array<i32>} : memref<640xf32, #tpu.memory_space<vmem>>, vector<16xf32>,
    %swap3A_201 = vector.shape_cast %swap3A_200 : vector<16xf32> to vector<16xf32>
    %swap3A_202 = vector.shape_cast %broadcast_in_dim3A_198 : vector<16xf32> to vector<16xf32>
    tpu.vector_store %arg6[%swap3A_199], %swap3A_202 {strides = array<i32>} : memref<640xf32, #tpu.memory_space<vmem>>, vector<16xf32>,
    %broadcast_in_dim3A_203 = arith.constant 0.000000e+00 : f32
    %broadcast_in_dim3A_204 = vector.broadcast %broadcast_in_dim3A_203 : f32 to vector<16xf32>
    %swap3A_205 = arith.constant 416 : index
    %swap3A_206 = tpu.vector_load %arg6[%swap3A_205] {strides = array<i32>} : memref<640xf32, #tpu.memory_space<vmem>>, vector<16xf32>,
    %swap3A_207 = vector.shape_cast %swap3A_206 : vector<16xf32> to vector<16xf32>
    %swap3A_208 = vector.shape_cast %broadcast_in_dim3A_204 : vector<16xf32> to vector<16xf32>
    tpu.vector_store %arg6[%swap3A_205], %swap3A_208 {strides = array<i32>} : memref<640xf32, #tpu.memory_space<vmem>>, vector<16xf32>,
    %broadcast_in_dim3A_209 = arith.constant 0.000000e+00 : f32
    %broadcast_in_dim3A_210 = vector.broadcast %broadcast_in_dim3A_209 : f32 to vector<16xf32>
    %swap3A_211 = arith.constant 432 : index
    %swap3A_212 = tpu.vector_load %arg6[%swap3A_211] {strides = array<i32>} : memref<640xf32, #tpu.memory_space<vmem>>, vector<16xf32>,
    %swap3A_213 = vector.shape_cast %swap3A_212 : vector<16xf32> to vector<16xf32>
    %swap3A_214 = vector.shape_cast %broadcast_in_dim3A_210 : vector<16xf32> to vector<16xf32>
    tpu.vector_store %arg6[%swap3A_211], %swap3A_214 {strides = array<i32>} : memref<640xf32, #tpu.memory_space<vmem>>, vector<16xf32>,
    %broadcast_in_dim3A_215 = arith.constant 0.000000e+00 : f32
    %broadcast_in_dim3A_216 = vector.broadcast %broadcast_in_dim3A_215 : f32 to vector<16xf32>
    %swap3A_217 = arith.constant 448 : index
    %swap3A_218 = tpu.vector_load %arg6[%swap3A_217] {strides = array<i32>} : memref<640xf32, #tpu.memory_space<vmem>>, vector<16xf32>,
    %swap3A_219 = vector.shape_cast %swap3A_218 : vector<16xf32> to vector<16xf32>
    %swap3A_220 = vector.shape_cast %broadcast_in_dim3A_216 : vector<16xf32> to vector<16xf32>
    tpu.vector_store %arg6[%swap3A_217], %swap3A_220 {strides = array<i32>} : memref<640xf32, #tpu.memory_space<vmem>>, vector<16xf32>,
    %broadcast_in_dim3A_221 = arith.constant 0.000000e+00 : f32
    %broadcast_in_dim3A_222 = vector.broadcast %broadcast_in_dim3A_221 : f32 to vector<16xf32>
    %swap3A_223 = arith.constant 464 : index
    %swap3A_224 = tpu.vector_load %arg6[%swap3A_223] {strides = array<i32>} : memref<640xf32, #tpu.memory_space<vmem>>, vector<16xf32>,
    %swap3A_225 = vector.shape_cast %swap3A_224 : vector<16xf32> to vector<16xf32>
    %swap3A_226 = vector.shape_cast %broadcast_in_dim3A_222 : vector<16xf32> to vector<16xf32>
    tpu.vector_store %arg6[%swap3A_223], %swap3A_226 {strides = array<i32>} : memref<640xf32, #tpu.memory_space<vmem>>, vector<16xf32>,
    %broadcast_in_dim3A_227 = arith.constant 0.000000e+00 : f32
    %broadcast_in_dim3A_228 = vector.broadcast %broadcast_in_dim3A_227 : f32 to vector<16xf32>
    %swap3A_229 = arith.constant 480 : index
    %swap3A_230 = tpu.vector_load %arg6[%swap3A_229] {strides = array<i32>} : memref<640xf32, #tpu.memory_space<vmem>>, vector<16xf32>,
    %swap3A_231 = vector.shape_cast %swap3A_230 : vector<16xf32> to vector<16xf32>
    %swap3A_232 = vector.shape_cast %broadcast_in_dim3A_228 : vector<16xf32> to vector<16xf32>
    tpu.vector_store %arg6[%swap3A_229], %swap3A_232 {strides = array<i32>} : memref<640xf32, #tpu.memory_space<vmem>>, vector<16xf32>,
    %broadcast_in_dim3A_233 = arith.constant 0.000000e+00 : f32
    %broadcast_in_dim3A_234 = vector.broadcast %broadcast_in_dim3A_233 : f32 to vector<16xf32>
    %swap3A_235 = arith.constant 496 : index
    %swap3A_236 = tpu.vector_load %arg6[%swap3A_235] {strides = array<i32>} : memref<640xf32, #tpu.memory_space<vmem>>, vector<16xf32>,
    %swap3A_237 = vector.shape_cast %swap3A_236 : vector<16xf32> to vector<16xf32>
    %swap3A_238 = vector.shape_cast %broadcast_in_dim3A_234 : vector<16xf32> to vector<16xf32>
    tpu.vector_store %arg6[%swap3A_235], %swap3A_238 {strides = array<i32>} : memref<640xf32, #tpu.memory_space<vmem>>, vector<16xf32>,
    %broadcast_in_dim3A_239 = arith.constant 0.000000e+00 : f32
    %broadcast_in_dim3A_240 = vector.broadcast %broadcast_in_dim3A_239 : f32 to vector<16xf32>
    %swap3A_241 = arith.constant 512 : index
    %swap3A_242 = tpu.vector_load %arg6[%swap3A_241] {strides = array<i32>} : memref<640xf32, #tpu.memory_space<vmem>>, vector<16xf32>,
    %swap3A_243 = vector.shape_cast %swap3A_242 : vector<16xf32> to vector<16xf32>
    %swap3A_244 = vector.shape_cast %broadcast_in_dim3A_240 : vector<16xf32> to vector<16xf32>
    tpu.vector_store %arg6[%swap3A_241], %swap3A_244 {strides = array<i32>} : memref<640xf32, #tpu.memory_space<vmem>>, vector<16xf32>,
    %broadcast_in_dim3A_245 = arith.constant 0.000000e+00 : f32
    %broadcast_in_dim3A_246 = vector.broadcast %broadcast_in_dim3A_245 : f32 to vector<16xf32>
    %swap3A_247 = arith.constant 528 : index
    %swap3A_248 = tpu.vector_load %arg6[%swap3A_247] {strides = array<i32>} : memref<640xf32, #tpu.memory_space<vmem>>, vector<16xf32>,
    %swap3A_249 = vector.shape_cast %swap3A_248 : vector<16xf32> to vector<16xf32>
    %swap3A_250 = vector.shape_cast %broadcast_in_dim3A_246 : vector<16xf32> to vector<16xf32>
    tpu.vector_store %arg6[%swap3A_247], %swap3A_250 {strides = array<i32>} : memref<640xf32, #tpu.memory_space<vmem>>, vector<16xf32>,
    %broadcast_in_dim3A_251 = arith.constant 0.000000e+00 : f32
    %broadcast_in_dim3A_252 = vector.broadcast %broadcast_in_dim3A_251 : f32 to vector<16xf32>
    %swap3A_253 = arith.constant 544 : index
    %swap3A_254 = tpu.vector_load %arg6[%swap3A_253] {strides = array<i32>} : memref<640xf32, #tpu.memory_space<vmem>>, vector<16xf32>,
    %swap3A_255 = vector.shape_cast %swap3A_254 : vector<16xf32> to vector<16xf32>
    %swap3A_256 = vector.shape_cast %broadcast_in_dim3A_252 : vector<16xf32> to vector<16xf32>
    tpu.vector_store %arg6[%swap3A_253], %swap3A_256 {strides = array<i32>} : memref<640xf32, #tpu.memory_space<vmem>>, vector<16xf32>,
    %broadcast_in_dim3A_257 = arith.constant 0.000000e+00 : f32
    %broadcast_in_dim3A_258 = vector.broadcast %broadcast_in_dim3A_257 : f32 to vector<16xf32>
    %swap3A_259 = arith.constant 560 : index
    %swap3A_260 = tpu.vector_load %arg6[%swap3A_259] {strides = array<i32>} : memref<640xf32, #tpu.memory_space<vmem>>, vector<16xf32>,
    %swap3A_261 = vector.shape_cast %swap3A_260 : vector<16xf32> to vector<16xf32>
    %swap3A_262 = vector.shape_cast %broadcast_in_dim3A_258 : vector<16xf32> to vector<16xf32>
    tpu.vector_store %arg6[%swap3A_259], %swap3A_262 {strides = array<i32>} : memref<640xf32, #tpu.memory_space<vmem>>, vector<16xf32>,
    %broadcast_in_dim3A_263 = arith.constant 0.000000e+00 : f32
    %broadcast_in_dim3A_264 = vector.broadcast %broadcast_in_dim3A_263 : f32 to vector<16xf32>
    %swap3A_265 = arith.constant 576 : index
    %swap3A_266 = tpu.vector_load %arg6[%swap3A_265] {strides = array<i32>} : memref<640xf32, #tpu.memory_space<vmem>>, vector<16xf32>,
    %swap3A_267 = vector.shape_cast %swap3A_266 : vector<16xf32> to vector<16xf32>
    %swap3A_268 = vector.shape_cast %broadcast_in_dim3A_264 : vector<16xf32> to vector<16xf32>
    tpu.vector_store %arg6[%swap3A_265], %swap3A_268 {strides = array<i32>} : memref<640xf32, #tpu.memory_space<vmem>>, vector<16xf32>,
    %broadcast_in_dim3A_269 = arith.constant 0.000000e+00 : f32
    %broadcast_in_dim3A_270 = vector.broadcast %broadcast_in_dim3A_269 : f32 to vector<16xf32>
    %swap3A_271 = arith.constant 592 : index
    %swap3A_272 = tpu.vector_load %arg6[%swap3A_271] {strides = array<i32>} : memref<640xf32, #tpu.memory_space<vmem>>, vector<16xf32>,
    %swap3A_273 = vector.shape_cast %swap3A_272 : vector<16xf32> to vector<16xf32>
    %swap3A_274 = vector.shape_cast %broadcast_in_dim3A_270 : vector<16xf32> to vector<16xf32>
    tpu.vector_store %arg6[%swap3A_271], %swap3A_274 {strides = array<i32>} : memref<640xf32, #tpu.memory_space<vmem>>, vector<16xf32>,
    %broadcast_in_dim3A_275 = arith.constant 0.000000e+00 : f32
    %broadcast_in_dim3A_276 = vector.broadcast %broadcast_in_dim3A_275 : f32 to vector<16xf32>
    %swap3A_277 = arith.constant 608 : index
    %swap3A_278 = tpu.vector_load %arg6[%swap3A_277] {strides = array<i32>} : memref<640xf32, #tpu.memory_space<vmem>>, vector<16xf32>,
    %swap3A_279 = vector.shape_cast %swap3A_278 : vector<16xf32> to vector<16xf32>
    %swap3A_280 = vector.shape_cast %broadcast_in_dim3A_276 : vector<16xf32> to vector<16xf32>
    tpu.vector_store %arg6[%swap3A_277], %swap3A_280 {strides = array<i32>} : memref<640xf32, #tpu.memory_space<vmem>>, vector<16xf32>,
    %broadcast_in_dim3A_281 = arith.constant 0.000000e+00 : f32
    %broadcast_in_dim3A_282 = vector.broadcast %broadcast_in_dim3A_281 : f32 to vector<16xf32>
    %swap3A_283 = arith.constant 624 : index
    %swap3A_284 = tpu.vector_load %arg6[%swap3A_283] {strides = array<i32>} : memref<640xf32, #tpu.memory_space<vmem>>, vector<16xf32>,
    %swap3A_285 = vector.shape_cast %swap3A_284 : vector<16xf32> to vector<16xf32>
    %swap3A_286 = vector.shape_cast %broadcast_in_dim3A_282 : vector<16xf32> to vector<16xf32>
    tpu.vector_store %arg6[%swap3A_283], %swap3A_286 {strides = array<i32>} : memref<640xf32, #tpu.memory_space<vmem>>, vector<16xf32>,
    %mul3A_287 = arith.constant 640 : i32
    %mul3A_288 = arith.muli %arg1, %mul3A_287 : i32
    "tpu.region"() ({
      %run_scoped3A = tpu.sem_alloc : memref<!tpu.dma_semaphore, #tpu.memory_space<semaphore_mem>>
      %dma_start3A = tpu.memref_slice %arg7[%mul3A_288] : memref<10240xf32, #tpu.memory_space<vmem_shared>> -> memref<640xf32, #tpu.memory_space<vmem_shared>>
      %dma_start3A_378 = tpu.memref_slice %arg7[%mul3A_288] : memref<10240xf32, #tpu.memory_space<vmem_shared>> -> memref<640xf32, #tpu.memory_space<vmem_shared>>
      tpu.enqueue_dma source(%arg6 : memref<640xf32, #tpu.memory_space<vmem>>) target(%dma_start3A_378 : memref<640xf32, #tpu.memory_space<vmem_shared>>) target_semaphore(%run_scoped3A : memref<!tpu.dma_semaphore, #tpu.memory_space<semaphore_mem>>)
      %dma_wait3A_379 = tpu.memref_slice %arg7[%mul3A_288] : memref<10240xf32, #tpu.memory_space<vmem_shared>> -> memref<640xf32, #tpu.memory_space<vmem_shared>>
      %dma_wait3A_380 = tpu.memref_slice %arg7[%mul3A_288] : memref<10240xf32, #tpu.memory_space<vmem_shared>> -> memref<640xf32, #tpu.memory_space<vmem_shared>>
      tpu.wait_dma2 semaphore(%run_scoped3A : memref<!tpu.dma_semaphore, #tpu.memory_space<semaphore_mem>>) src(%arg6 : memref<640xf32, #tpu.memory_space<vmem>>) dst(%dma_wait3A_380 : memref<640xf32, #tpu.memory_space<vmem_shared>>)
      tpu.yield
    }) : () -> ()
    "tpu.region"() ({
      %run_scoped3A = tpu.sem_alloc : memref<!tpu.dma_semaphore, #tpu.memory_space<semaphore_mem>>
      %dma_start3A = arith.constant 0 : i32
      %dma_start3A_378 = arith.constant 0 : i32
      %dma_start3A_379 = arith.constant 0 : i32
      %dma_start3A_380 = tpu.memref_slice %arg2[%add3A, %dma_start3A, %dma_start3A_378, %dma_start3A_379] : memref<32x80x2x128xi32, #tpu.memory_space<hbm>> -> memref<1x80x2x128xi32, #tpu.memory_space<hbm>>
      %dma_start3A_381 = tpu.memref_squeeze %dma_start3A_380 : memref<1x80x2x128xi32, #tpu.memory_space<hbm>> -> memref<80x2x128xi32, #tpu.memory_space<hbm>>
      %dma_start3A_382 = arith.constant 0 : i32
      %dma_start3A_383 = arith.constant 0 : i32
      %dma_start3A_384 = arith.constant 0 : i32
      %dma_start3A_385 = tpu.memref_slice %arg2[%add3A, %dma_start3A_382, %dma_start3A_383, %dma_start3A_384] : memref<32x80x2x128xi32, #tpu.memory_space<hbm>> -> memref<1x80x2x128xi32, #tpu.memory_space<hbm>>
      %dma_start3A_386 = tpu.memref_squeeze %dma_start3A_385 : memref<1x80x2x128xi32, #tpu.memory_space<hbm>> -> memref<80x2x128xi32, #tpu.memory_space<hbm>>
      tpu.enqueue_dma source(%dma_start3A_386 : memref<80x2x128xi32, #tpu.memory_space<hbm>>) target(%arg4 : memref<80x2x128xi32, #tpu.memory_space<vmem>>) target_semaphore(%run_scoped3A : memref<!tpu.dma_semaphore, #tpu.memory_space<semaphore_mem>>)
      %dma_wait3A_387 = arith.constant 0 : i32
      %dma_wait3A_388 = arith.constant 0 : i32
      %dma_wait3A_389 = arith.constant 0 : i32
      %dma_wait3A_390 = tpu.memref_slice %arg2[%add3A, %dma_wait3A_387, %dma_wait3A_388, %dma_wait3A_389] : memref<32x80x2x128xi32, #tpu.memory_space<hbm>> -> memref<1x80x2x128xi32, #tpu.memory_space<hbm>>
      %dma_wait3A_391 = tpu.memref_squeeze %dma_wait3A_390 : memref<1x80x2x128xi32, #tpu.memory_space<hbm>> -> memref<80x2x128xi32, #tpu.memory_space<hbm>>
      %dma_wait3A_392 = arith.constant 0 : i32
      %dma_wait3A_393 = arith.constant 0 : i32
      %dma_wait3A_394 = arith.constant 0 : i32
      %dma_wait3A_395 = tpu.memref_slice %arg2[%add3A, %dma_wait3A_392, %dma_wait3A_393, %dma_wait3A_394] : memref<32x80x2x128xi32, #tpu.memory_space<hbm>> -> memref<1x80x2x128xi32, #tpu.memory_space<hbm>>
      %dma_wait3A_396 = tpu.memref_squeeze %dma_wait3A_395 : memref<1x80x2x128xi32, #tpu.memory_space<hbm>> -> memref<80x2x128xi32, #tpu.memory_space<hbm>>
      tpu.wait_dma2 semaphore(%run_scoped3A : memref<!tpu.dma_semaphore, #tpu.memory_space<semaphore_mem>>) src(%dma_wait3A_396 : memref<80x2x128xi32, #tpu.memory_space<hbm>>) dst(%arg4 : memref<80x2x128xi32, #tpu.memory_space<vmem>>)
      tpu.yield
    }) : () -> ()
    %barrier3A = arith.constant 0 : index
    tpu.barrier barrier_id(%barrier3A)
    %scan3A = arith.constant 0 : i32
    %scan3A_289 = arith.constant 0 : i32
    %scan3A_290 = arith.constant 80 : i32
    %scan3A_291 = arith.addi %scan3A_289, %scan3A_290 : i32
    %scan3A_292 = arith.constant 1 : i32
    scf.for %scan3A_378 = %scan3A_289 to %scan3A_291 step %scan3A_292  : i32 {
      %ge3A = arith.constant 8 : i32
      %ge3A_379 = arith.cmpi sge, %scan3A_378, %ge3A : i32
      %convert_element_type3A = arith.extui %ge3A_379 : i1 to i32
      %cond3A = arith.constant 0 : i32
      %cond3A_380 = arith.cmpi ne, %convert_element_type3A, %cond3A : i32
      scf.if %cond3A_380 {
        %sub3A = arith.constant 8 : i32
        %sub3A_389 = arith.subi %scan3A_378, %sub3A : i32
        %rem3A_390 = arith.constant 8 : i32
        %rem3A_391 = arith.remsi %scan3A_378, %rem3A_390 : i32
        %dma_wait3A_392 = arith.constant 1 : i32
        %dma_wait3A_393 = arith.constant 0 : i32
        %dma_wait3A_394 = tpu.memref_slice %arg4[%sub3A_389, %dma_wait3A_392, %dma_wait3A_393] : memref<80x2x128xi32, #tpu.memory_space<vmem>> -> memref<1x1x128xi32, #tpu.memory_space<vmem>>
        %dma_wait3A_395 = tpu.memref_squeeze %dma_wait3A_394 : memref<1x1x128xi32, #tpu.memory_space<vmem>> -> memref<128xi32, #tpu.memory_space<vmem>>
        %dma_wait3A_396 = arith.constant 0 : i32
        %dma_wait3A_397 = tpu.memref_slice %arg7[%dma_wait3A_396] : memref<10240xf32, #tpu.memory_space<vmem_shared>> -> memref<10240xf32, #tpu.memory_space<vmem_shared>>
        %dma_wait3A_398 = tpu.memref_slice %arg8[%rem3A_391] : memref<8x!tpu.dma_semaphore, #tpu.memory_space<semaphore_mem>> -> memref<1x!tpu.dma_semaphore, #tpu.memory_space<semaphore_mem>>
        %dma_wait3A_399 = tpu.memref_squeeze %dma_wait3A_398 : memref<1x!tpu.dma_semaphore, #tpu.memory_space<semaphore_mem>> -> memref<!tpu.dma_semaphore, #tpu.memory_space<semaphore_mem>>
        tpu.wait_indirect_dma semaphore(%dma_wait3A_399 : memref<!tpu.dma_semaphore, #tpu.memory_space<semaphore_mem>>) src(%arg5 : memref<128xf32, #tpu.memory_space<vmem>>) dst(%dma_wait3A_397 : memref<10240xf32, #tpu.memory_space<vmem_shared>>)
      } else {
      }
      %rem3A = arith.constant 8 : i32
      %rem3A_381 = arith.remsi %scan3A_378, %rem3A : i32
      %dma_start3A = arith.constant 1 : i32
      %dma_start3A_382 = arith.constant 0 : i32
      %dma_start3A_383 = tpu.memref_slice %arg4[%scan3A_378, %dma_start3A, %dma_start3A_382] : memref<80x2x128xi32, #tpu.memory_space<vmem>> -> memref<1x1x128xi32, #tpu.memory_space<vmem>>
      %dma_start3A_384 = tpu.memref_squeeze %dma_start3A_383 : memref<1x1x128xi32, #tpu.memory_space<vmem>> -> memref<128xi32, #tpu.memory_space<vmem>>
      %dma_start3A_385 = arith.constant 0 : i32
      %dma_start3A_386 = tpu.memref_slice %arg7[%dma_start3A_385] : memref<10240xf32, #tpu.memory_space<vmem_shared>> -> memref<10240xf32, #tpu.memory_space<vmem_shared>>
      %dma_start3A_387 = tpu.memref_slice %arg8[%rem3A_381] : memref<8x!tpu.dma_semaphore, #tpu.memory_space<semaphore_mem>> -> memref<1x!tpu.dma_semaphore, #tpu.memory_space<semaphore_mem>>
      %dma_start3A_388 = tpu.memref_squeeze %dma_start3A_387 : memref<1x!tpu.dma_semaphore, #tpu.memory_space<semaphore_mem>> -> memref<!tpu.dma_semaphore, #tpu.memory_space<semaphore_mem>>
      tpu.enqueue_indirect_dma source(%arg5 : memref<128xf32, #tpu.memory_space<vmem>>) target(%dma_start3A_386 : memref<10240xf32, #tpu.memory_space<vmem_shared>>) offsets(%dma_start3A_384 : memref<128xi32, #tpu.memory_space<vmem>>) semaphore(%dma_start3A_388 : memref<!tpu.dma_semaphore, #tpu.memory_space<semaphore_mem>>) {add = true}
    }
    %scan3A_293 = arith.constant 80 : i32
    %dma_wait3A = arith.constant 72 : i32
    %dma_wait3A_294 = arith.constant 1 : i32
    %dma_wait3A_295 = arith.constant 0 : i32
    %dma_wait3A_296 = arith.constant 0 : i32
    %dma_wait3A_297 = tpu.memref_slice %arg4[%dma_wait3A, %dma_wait3A_294, %dma_wait3A_296] : memref<80x2x128xi32, #tpu.memory_space<vmem>> -> memref<1x1x128xi32, #tpu.memory_space<vmem>>
    %dma_wait3A_298 = tpu.memref_squeeze %dma_wait3A_297 : memref<1x1x128xi32, #tpu.memory_space<vmem>> -> memref<128xi32, #tpu.memory_space<vmem>>
    %dma_wait3A_299 = arith.constant 0 : i32
    %dma_wait3A_300 = tpu.memref_slice %arg7[%dma_wait3A_299] : memref<10240xf32, #tpu.memory_space<vmem_shared>> -> memref<10240xf32, #tpu.memory_space<vmem_shared>>
    %dma_wait3A_301 = tpu.memref_slice %arg8[%dma_wait3A_295] : memref<8x!tpu.dma_semaphore, #tpu.memory_space<semaphore_mem>> -> memref<1x!tpu.dma_semaphore, #tpu.memory_space<semaphore_mem>>
    %dma_wait3A_302 = tpu.memref_squeeze %dma_wait3A_301 : memref<1x!tpu.dma_semaphore, #tpu.memory_space<semaphore_mem>> -> memref<!tpu.dma_semaphore, #tpu.memory_space<semaphore_mem>>
    tpu.wait_indirect_dma semaphore(%dma_wait3A_302 : memref<!tpu.dma_semaphore, #tpu.memory_space<semaphore_mem>>) src(%arg5 : memref<128xf32, #tpu.memory_space<vmem>>) dst(%dma_wait3A_300 : memref<10240xf32, #tpu.memory_space<vmem_shared>>)
    %dma_wait3A_303 = arith.constant 73 : i32
    %dma_wait3A_304 = arith.constant 1 : i32
    %dma_wait3A_305 = arith.constant 1 : i32
    %dma_wait3A_306 = arith.constant 0 : i32
    %dma_wait3A_307 = tpu.memref_slice %arg4[%dma_wait3A_303, %dma_wait3A_304, %dma_wait3A_306] : memref<80x2x128xi32, #tpu.memory_space<vmem>> -> memref<1x1x128xi32, #tpu.memory_space<vmem>>
    %dma_wait3A_308 = tpu.memref_squeeze %dma_wait3A_307 : memref<1x1x128xi32, #tpu.memory_space<vmem>> -> memref<128xi32, #tpu.memory_space<vmem>>
    %dma_wait3A_309 = arith.constant 0 : i32
    %dma_wait3A_310 = tpu.memref_slice %arg7[%dma_wait3A_309] : memref<10240xf32, #tpu.memory_space<vmem_shared>> -> memref<10240xf32, #tpu.memory_space<vmem_shared>>
    %dma_wait3A_311 = tpu.memref_slice %arg8[%dma_wait3A_305] : memref<8x!tpu.dma_semaphore, #tpu.memory_space<semaphore_mem>> -> memref<1x!tpu.dma_semaphore, #tpu.memory_space<semaphore_mem>>
    %dma_wait3A_312 = tpu.memref_squeeze %dma_wait3A_311 : memref<1x!tpu.dma_semaphore, #tpu.memory_space<semaphore_mem>> -> memref<!tpu.dma_semaphore, #tpu.memory_space<semaphore_mem>>
    tpu.wait_indirect_dma semaphore(%dma_wait3A_312 : memref<!tpu.dma_semaphore, #tpu.memory_space<semaphore_mem>>) src(%arg5 : memref<128xf32, #tpu.memory_space<vmem>>) dst(%dma_wait3A_310 : memref<10240xf32, #tpu.memory_space<vmem_shared>>)
    %dma_wait3A_313 = arith.constant 74 : i32
    %dma_wait3A_314 = arith.constant 1 : i32
    %dma_wait3A_315 = arith.constant 2 : i32
    %dma_wait3A_316 = arith.constant 0 : i32
    %dma_wait3A_317 = tpu.memref_slice %arg4[%dma_wait3A_313, %dma_wait3A_314, %dma_wait3A_316] : memref<80x2x128xi32, #tpu.memory_space<vmem>> -> memref<1x1x128xi32, #tpu.memory_space<vmem>>
    %dma_wait3A_318 = tpu.memref_squeeze %dma_wait3A_317 : memref<1x1x128xi32, #tpu.memory_space<vmem>> -> memref<128xi32, #tpu.memory_space<vmem>>
    %dma_wait3A_319 = arith.constant 0 : i32
    %dma_wait3A_320 = tpu.memref_slice %arg7[%dma_wait3A_319] : memref<10240xf32, #tpu.memory_space<vmem_shared>> -> memref<10240xf32, #tpu.memory_space<vmem_shared>>
    %dma_wait3A_321 = tpu.memref_slice %arg8[%dma_wait3A_315] : memref<8x!tpu.dma_semaphore, #tpu.memory_space<semaphore_mem>> -> memref<1x!tpu.dma_semaphore, #tpu.memory_space<semaphore_mem>>
    %dma_wait3A_322 = tpu.memref_squeeze %dma_wait3A_321 : memref<1x!tpu.dma_semaphore, #tpu.memory_space<semaphore_mem>> -> memref<!tpu.dma_semaphore, #tpu.memory_space<semaphore_mem>>
    tpu.wait_indirect_dma semaphore(%dma_wait3A_322 : memref<!tpu.dma_semaphore, #tpu.memory_space<semaphore_mem>>) src(%arg5 : memref<128xf32, #tpu.memory_space<vmem>>) dst(%dma_wait3A_320 : memref<10240xf32, #tpu.memory_space<vmem_shared>>)
    %dma_wait3A_323 = arith.constant 75 : i32
    %dma_wait3A_324 = arith.constant 1 : i32
    %dma_wait3A_325 = arith.constant 3 : i32
    %dma_wait3A_326 = arith.constant 0 : i32
    %dma_wait3A_327 = tpu.memref_slice %arg4[%dma_wait3A_323, %dma_wait3A_324, %dma_wait3A_326] : memref<80x2x128xi32, #tpu.memory_space<vmem>> -> memref<1x1x128xi32, #tpu.memory_space<vmem>>
    %dma_wait3A_328 = tpu.memref_squeeze %dma_wait3A_327 : memref<1x1x128xi32, #tpu.memory_space<vmem>> -> memref<128xi32, #tpu.memory_space<vmem>>
    %dma_wait3A_329 = arith.constant 0 : i32
    %dma_wait3A_330 = tpu.memref_slice %arg7[%dma_wait3A_329] : memref<10240xf32, #tpu.memory_space<vmem_shared>> -> memref<10240xf32, #tpu.memory_space<vmem_shared>>
    %dma_wait3A_331 = tpu.memref_slice %arg8[%dma_wait3A_325] : memref<8x!tpu.dma_semaphore, #tpu.memory_space<semaphore_mem>> -> memref<1x!tpu.dma_semaphore, #tpu.memory_space<semaphore_mem>>
    %dma_wait3A_332 = tpu.memref_squeeze %dma_wait3A_331 : memref<1x!tpu.dma_semaphore, #tpu.memory_space<semaphore_mem>> -> memref<!tpu.dma_semaphore, #tpu.memory_space<semaphore_mem>>
    tpu.wait_indirect_dma semaphore(%dma_wait3A_332 : memref<!tpu.dma_semaphore, #tpu.memory_space<semaphore_mem>>) src(%arg5 : memref<128xf32, #tpu.memory_space<vmem>>) dst(%dma_wait3A_330 : memref<10240xf32, #tpu.memory_space<vmem_shared>>)
    %dma_wait3A_333 = arith.constant 76 : i32
    %dma_wait3A_334 = arith.constant 1 : i32
    %dma_wait3A_335 = arith.constant 4 : i32
    %dma_wait3A_336 = arith.constant 0 : i32
    %dma_wait3A_337 = tpu.memref_slice %arg4[%dma_wait3A_333, %dma_wait3A_334, %dma_wait3A_336] : memref<80x2x128xi32, #tpu.memory_space<vmem>> -> memref<1x1x128xi32, #tpu.memory_space<vmem>>
    %dma_wait3A_338 = tpu.memref_squeeze %dma_wait3A_337 : memref<1x1x128xi32, #tpu.memory_space<vmem>> -> memref<128xi32, #tpu.memory_space<vmem>>
    %dma_wait3A_339 = arith.constant 0 : i32
    %dma_wait3A_340 = tpu.memref_slice %arg7[%dma_wait3A_339] : memref<10240xf32, #tpu.memory_space<vmem_shared>> -> memref<10240xf32, #tpu.memory_space<vmem_shared>>
    %dma_wait3A_341 = tpu.memref_slice %arg8[%dma_wait3A_335] : memref<8x!tpu.dma_semaphore, #tpu.memory_space<semaphore_mem>> -> memref<1x!tpu.dma_semaphore, #tpu.memory_space<semaphore_mem>>
    %dma_wait3A_342 = tpu.memref_squeeze %dma_wait3A_341 : memref<1x!tpu.dma_semaphore, #tpu.memory_space<semaphore_mem>> -> memref<!tpu.dma_semaphore, #tpu.memory_space<semaphore_mem>>
    tpu.wait_indirect_dma semaphore(%dma_wait3A_342 : memref<!tpu.dma_semaphore, #tpu.memory_space<semaphore_mem>>) src(%arg5 : memref<128xf32, #tpu.memory_space<vmem>>) dst(%dma_wait3A_340 : memref<10240xf32, #tpu.memory_space<vmem_shared>>)
    %dma_wait3A_343 = arith.constant 77 : i32
    %dma_wait3A_344 = arith.constant 1 : i32
    %dma_wait3A_345 = arith.constant 5 : i32
    %dma_wait3A_346 = arith.constant 0 : i32
    %dma_wait3A_347 = tpu.memref_slice %arg4[%dma_wait3A_343, %dma_wait3A_344, %dma_wait3A_346] : memref<80x2x128xi32, #tpu.memory_space<vmem>> -> memref<1x1x128xi32, #tpu.memory_space<vmem>>
    %dma_wait3A_348 = tpu.memref_squeeze %dma_wait3A_347 : memref<1x1x128xi32, #tpu.memory_space<vmem>> -> memref<128xi32, #tpu.memory_space<vmem>>
    %dma_wait3A_349 = arith.constant 0 : i32
    %dma_wait3A_350 = tpu.memref_slice %arg7[%dma_wait3A_349] : memref<10240xf32, #tpu.memory_space<vmem_shared>> -> memref<10240xf32, #tpu.memory_space<vmem_shared>>
    %dma_wait3A_351 = tpu.memref_slice %arg8[%dma_wait3A_345] : memref<8x!tpu.dma_semaphore, #tpu.memory_space<semaphore_mem>> -> memref<1x!tpu.dma_semaphore, #tpu.memory_space<semaphore_mem>>
    %dma_wait3A_352 = tpu.memref_squeeze %dma_wait3A_351 : memref<1x!tpu.dma_semaphore, #tpu.memory_space<semaphore_mem>> -> memref<!tpu.dma_semaphore, #tpu.memory_space<semaphore_mem>>
    tpu.wait_indirect_dma semaphore(%dma_wait3A_352 : memref<!tpu.dma_semaphore, #tpu.memory_space<semaphore_mem>>) src(%arg5 : memref<128xf32, #tpu.memory_space<vmem>>) dst(%dma_wait3A_350 : memref<10240xf32, #tpu.memory_space<vmem_shared>>)
    %dma_wait3A_353 = arith.constant 78 : i32
    %dma_wait3A_354 = arith.constant 1 : i32
    %dma_wait3A_355 = arith.constant 6 : i32
    %dma_wait3A_356 = arith.constant 0 : i32
    %dma_wait3A_357 = tpu.memref_slice %arg4[%dma_wait3A_353, %dma_wait3A_354, %dma_wait3A_356] : memref<80x2x128xi32, #tpu.memory_space<vmem>> -> memref<1x1x128xi32, #tpu.memory_space<vmem>>
    %dma_wait3A_358 = tpu.memref_squeeze %dma_wait3A_357 : memref<1x1x128xi32, #tpu.memory_space<vmem>> -> memref<128xi32, #tpu.memory_space<vmem>>
    %dma_wait3A_359 = arith.constant 0 : i32
    %dma_wait3A_360 = tpu.memref_slice %arg7[%dma_wait3A_359] : memref<10240xf32, #tpu.memory_space<vmem_shared>> -> memref<10240xf32, #tpu.memory_space<vmem_shared>>
    %dma_wait3A_361 = tpu.memref_slice %arg8[%dma_wait3A_355] : memref<8x!tpu.dma_semaphore, #tpu.memory_space<semaphore_mem>> -> memref<1x!tpu.dma_semaphore, #tpu.memory_space<semaphore_mem>>
    %dma_wait3A_362 = tpu.memref_squeeze %dma_wait3A_361 : memref<1x!tpu.dma_semaphore, #tpu.memory_space<semaphore_mem>> -> memref<!tpu.dma_semaphore, #tpu.memory_space<semaphore_mem>>
    tpu.wait_indirect_dma semaphore(%dma_wait3A_362 : memref<!tpu.dma_semaphore, #tpu.memory_space<semaphore_mem>>) src(%arg5 : memref<128xf32, #tpu.memory_space<vmem>>) dst(%dma_wait3A_360 : memref<10240xf32, #tpu.memory_space<vmem_shared>>)
    %dma_wait3A_363 = arith.constant 79 : i32
    %dma_wait3A_364 = arith.constant 1 : i32
    %dma_wait3A_365 = arith.constant 7 : i32
    %dma_wait3A_366 = arith.constant 0 : i32
    %dma_wait3A_367 = tpu.memref_slice %arg4[%dma_wait3A_363, %dma_wait3A_364, %dma_wait3A_366] : memref<80x2x128xi32, #tpu.memory_space<vmem>> -> memref<1x1x128xi32, #tpu.memory_space<vmem>>
    %dma_wait3A_368 = tpu.memref_squeeze %dma_wait3A_367 : memref<1x1x128xi32, #tpu.memory_space<vmem>> -> memref<128xi32, #tpu.memory_space<vmem>>
    %dma_wait3A_369 = arith.constant 0 : i32
    %dma_wait3A_370 = tpu.memref_slice %arg7[%dma_wait3A_369] : memref<10240xf32, #tpu.memory_space<vmem_shared>> -> memref<10240xf32, #tpu.memory_space<vmem_shared>>
    %dma_wait3A_371 = tpu.memref_slice %arg8[%dma_wait3A_365] : memref<8x!tpu.dma_semaphore, #tpu.memory_space<semaphore_mem>> -> memref<1x!tpu.dma_semaphore, #tpu.memory_space<semaphore_mem>>
    %dma_wait3A_372 = tpu.memref_squeeze %dma_wait3A_371 : memref<1x!tpu.dma_semaphore, #tpu.memory_space<semaphore_mem>> -> memref<!tpu.dma_semaphore, #tpu.memory_space<semaphore_mem>>
    tpu.wait_indirect_dma semaphore(%dma_wait3A_372 : memref<!tpu.dma_semaphore, #tpu.memory_space<semaphore_mem>>) src(%arg5 : memref<128xf32, #tpu.memory_space<vmem>>) dst(%dma_wait3A_370 : memref<10240xf32, #tpu.memory_space<vmem_shared>>)
    %barrier3A_373 = arith.constant 0 : index
    tpu.barrier barrier_id(%barrier3A_373)
    %mul3A_374 = arith.constant 640 : i32
    %mul3A_375 = arith.muli %arg1, %mul3A_374 : i32
    %mul3A_376 = arith.constant 640 : i32
    %mul3A_377 = arith.muli %arg1, %mul3A_376 : i32
    "tpu.region"() ({
      %run_scoped3A = tpu.sem_alloc : memref<!tpu.dma_semaphore, #tpu.memory_space<semaphore_mem>>
      %dma_start3A = tpu.memref_slice %arg3[%arg0, %mul3A_377] : memref<2x10240xf32, #tpu.memory_space<hbm>> -> memref<1x640xf32, #tpu.memory_space<hbm>>
      %dma_start3A_378 = tpu.memref_squeeze %dma_start3A : memref<1x640xf32, #tpu.memory_space<hbm>> -> memref<640xf32, #tpu.memory_space<hbm>>
      %dma_start3A_379 = tpu.memref_slice %arg7[%mul3A_375] : memref<10240xf32, #tpu.memory_space<vmem_shared>> -> memref<640xf32, #tpu.memory_space<vmem_shared>>
      tpu.enqueue_dma source(%dma_start3A_379 : memref<640xf32, #tpu.memory_space<vmem_shared>>) target(%dma_start3A_378 : memref<640xf32, #tpu.memory_space<hbm>>) target_semaphore(%run_scoped3A : memref<!tpu.dma_semaphore, #tpu.memory_space<semaphore_mem>>)
      %dma_wait3A_380 = tpu.memref_slice %arg3[%arg0, %mul3A_377] : memref<2x10240xf32, #tpu.memory_space<hbm>> -> memref<1x640xf32, #tpu.memory_space<hbm>>
      %dma_wait3A_381 = tpu.memref_squeeze %dma_wait3A_380 : memref<1x640xf32, #tpu.memory_space<hbm>> -> memref<640xf32, #tpu.memory_space<hbm>>
      %dma_wait3A_382 = tpu.memref_slice %arg7[%mul3A_375] : memref<10240xf32, #tpu.memory_space<vmem_shared>> -> memref<640xf32, #tpu.memory_space<vmem_shared>>
      tpu.wait_dma2 semaphore(%run_scoped3A : memref<!tpu.dma_semaphore, #tpu.memory_space<semaphore_mem>>) src(%dma_wait3A_382 : memref<640xf32, #tpu.memory_space<vmem_shared>>) dst(%dma_wait3A_381 : memref<640xf32, #tpu.memory_space<hbm>>)
      tpu.yield
    }) : () -> ()
    return
  }
}

#map = affine_map<(d0, d1) -> (0, 0)>
#map1 = affine_map<(d0, d1) -> (0, 0, 0, 0)>
#map2 = affine_map<(d0, d1) -> (0, 0, 0)>
module attributes {stable_mosaic.version = 14 : i64} {
  func.func @_scatter_body(%arg0: i32, %arg1: i32, %arg2: memref<10000x128xf32, #tpu.memory_space<hbm>>, %arg3: memref<32x80x2x128xi32, #tpu.memory_space<hbm>>, %arg4: memref<2x10240x128xf32, #tpu.memory_space<hbm>>, %arg5: memref<3x2x128xi32, #tpu.memory_space<vmem>>, %arg6: memref<2x128x128xf32, #tpu.memory_space<vmem>>, %arg7: memref<10240x128xf32, #tpu.memory_space<vmem_shared>>, %arg8: memref<2x!tpu.dma_semaphore, #tpu.memory_space<semaphore_mem>>, %arg9: memref<3x!tpu.dma_semaphore, #tpu.memory_space<semaphore_mem>>, %arg10: memref<2x!tpu.dma_semaphore, #tpu.memory_space<semaphore_mem>>, %arg11: memref<5x!tpu.dma_semaphore, #tpu.memory_space<semaphore_mem>>) attributes {dimension_semantics = [#tpu.dimension_semantics<core_parallel>, #tpu.dimension_semantics<subcore_parallel>], iteration_bounds = array<i64: 2, 16>, scalar_prefetch = 0 : i64, scratch_operands = 7 : i64, tpu.core_type = #tpu.core_type<sc_vector_subcore>, window_params = [{transform_indices = #map}, {transform_indices = #map1}, {transform_indices = #map2}]} {
    %mul3A = arith.constant 2 : i32
    %mul3A_0 = arith.muli %arg1, %mul3A : i32
    %add3A = arith.addi %mul3A_0, %arg0 : i32
    %scan3A = arith.constant 0 : i32
    %scan3A_1 = arith.constant 0 : i32
    %scan3A_2 = arith.constant 128 : i32
    %scan3A_3 = arith.addi %scan3A_1, %scan3A_2 : i32
    %scan3A_4 = arith.constant 1 : i32
    scf.for %scan3A_401 = %scan3A_1 to %scan3A_3 step %scan3A_4  : i32 {
      %broadcast_in_dim3A = arith.constant 0.000000e+00 : f32
      %broadcast_in_dim3A_402 = vector.broadcast %broadcast_in_dim3A : f32 to vector<16xf32>
      %swap3A = arith.constant 0 : i32
      %swap3A_403 = arith.index_cast %swap3A : i32 to index
      %swap3A_404 = arith.index_cast %scan3A_401 : i32 to index
      %swap3A_405 = arith.constant 0 : index
      %swap3A_406 = tpu.vector_load %arg6[%swap3A_403, %swap3A_404, %swap3A_405] {strides = array<i32>} : memref<2x128x128xf32, #tpu.memory_space<vmem>>, vector<1x1x16xf32>,
      %swap3A_407 = vector.shape_cast %swap3A_406 : vector<1x1x16xf32> to vector<16xf32>
      %swap3A_408 = vector.shape_cast %broadcast_in_dim3A_402 : vector<16xf32> to vector<1x1x16xf32>
      tpu.vector_store %arg6[%swap3A_403, %swap3A_404, %swap3A_405], %swap3A_408 {strides = array<i32>} : memref<2x128x128xf32, #tpu.memory_space<vmem>>, vector<1x1x16xf32>,
      %broadcast_in_dim3A_409 = arith.constant 0.000000e+00 : f32
      %broadcast_in_dim3A_410 = vector.broadcast %broadcast_in_dim3A_409 : f32 to vector<16xf32>
      %swap3A_411 = arith.constant 0 : i32
      %swap3A_412 = arith.index_cast %swap3A_411 : i32 to index
      %swap3A_413 = arith.index_cast %scan3A_401 : i32 to index
      %swap3A_414 = arith.constant 16 : index
      %swap3A_415 = tpu.vector_load %arg6[%swap3A_412, %swap3A_413, %swap3A_414] {strides = array<i32>} : memref<2x128x128xf32, #tpu.memory_space<vmem>>, vector<1x1x16xf32>,
      %swap3A_416 = vector.shape_cast %swap3A_415 : vector<1x1x16xf32> to vector<16xf32>
      %swap3A_417 = vector.shape_cast %broadcast_in_dim3A_410 : vector<16xf32> to vector<1x1x16xf32>
      tpu.vector_store %arg6[%swap3A_412, %swap3A_413, %swap3A_414], %swap3A_417 {strides = array<i32>} : memref<2x128x128xf32, #tpu.memory_space<vmem>>, vector<1x1x16xf32>,
      %broadcast_in_dim3A_418 = arith.constant 0.000000e+00 : f32
      %broadcast_in_dim3A_419 = vector.broadcast %broadcast_in_dim3A_418 : f32 to vector<16xf32>
      %swap3A_420 = arith.constant 0 : i32
      %swap3A_421 = arith.index_cast %swap3A_420 : i32 to index
      %swap3A_422 = arith.index_cast %scan3A_401 : i32 to index
      %swap3A_423 = arith.constant 32 : index
      %swap3A_424 = tpu.vector_load %arg6[%swap3A_421, %swap3A_422, %swap3A_423] {strides = array<i32>} : memref<2x128x128xf32, #tpu.memory_space<vmem>>, vector<1x1x16xf32>,
      %swap3A_425 = vector.shape_cast %swap3A_424 : vector<1x1x16xf32> to vector<16xf32>
      %swap3A_426 = vector.shape_cast %broadcast_in_dim3A_419 : vector<16xf32> to vector<1x1x16xf32>
      tpu.vector_store %arg6[%swap3A_421, %swap3A_422, %swap3A_423], %swap3A_426 {strides = array<i32>} : memref<2x128x128xf32, #tpu.memory_space<vmem>>, vector<1x1x16xf32>,
      %broadcast_in_dim3A_427 = arith.constant 0.000000e+00 : f32
      %broadcast_in_dim3A_428 = vector.broadcast %broadcast_in_dim3A_427 : f32 to vector<16xf32>
      %swap3A_429 = arith.constant 0 : i32
      %swap3A_430 = arith.index_cast %swap3A_429 : i32 to index
      %swap3A_431 = arith.index_cast %scan3A_401 : i32 to index
      %swap3A_432 = arith.constant 48 : index
      %swap3A_433 = tpu.vector_load %arg6[%swap3A_430, %swap3A_431, %swap3A_432] {strides = array<i32>} : memref<2x128x128xf32, #tpu.memory_space<vmem>>, vector<1x1x16xf32>,
      %swap3A_434 = vector.shape_cast %swap3A_433 : vector<1x1x16xf32> to vector<16xf32>
      %swap3A_435 = vector.shape_cast %broadcast_in_dim3A_428 : vector<16xf32> to vector<1x1x16xf32>
      tpu.vector_store %arg6[%swap3A_430, %swap3A_431, %swap3A_432], %swap3A_435 {strides = array<i32>} : memref<2x128x128xf32, #tpu.memory_space<vmem>>, vector<1x1x16xf32>,
      %broadcast_in_dim3A_436 = arith.constant 0.000000e+00 : f32
      %broadcast_in_dim3A_437 = vector.broadcast %broadcast_in_dim3A_436 : f32 to vector<16xf32>
      %swap3A_438 = arith.constant 0 : i32
      %swap3A_439 = arith.index_cast %swap3A_438 : i32 to index
      %swap3A_440 = arith.index_cast %scan3A_401 : i32 to index
      %swap3A_441 = arith.constant 64 : index
      %swap3A_442 = tpu.vector_load %arg6[%swap3A_439, %swap3A_440, %swap3A_441] {strides = array<i32>} : memref<2x128x128xf32, #tpu.memory_space<vmem>>, vector<1x1x16xf32>,
      %swap3A_443 = vector.shape_cast %swap3A_442 : vector<1x1x16xf32> to vector<16xf32>
      %swap3A_444 = vector.shape_cast %broadcast_in_dim3A_437 : vector<16xf32> to vector<1x1x16xf32>
      tpu.vector_store %arg6[%swap3A_439, %swap3A_440, %swap3A_441], %swap3A_444 {strides = array<i32>} : memref<2x128x128xf32, #tpu.memory_space<vmem>>, vector<1x1x16xf32>,
      %broadcast_in_dim3A_445 = arith.constant 0.000000e+00 : f32
      %broadcast_in_dim3A_446 = vector.broadcast %broadcast_in_dim3A_445 : f32 to vector<16xf32>
      %swap3A_447 = arith.constant 0 : i32
      %swap3A_448 = arith.index_cast %swap3A_447 : i32 to index
      %swap3A_449 = arith.index_cast %scan3A_401 : i32 to index
      %swap3A_450 = arith.constant 80 : index
      %swap3A_451 = tpu.vector_load %arg6[%swap3A_448, %swap3A_449, %swap3A_450] {strides = array<i32>} : memref<2x128x128xf32, #tpu.memory_space<vmem>>, vector<1x1x16xf32>,
      %swap3A_452 = vector.shape_cast %swap3A_451 : vector<1x1x16xf32> to vector<16xf32>
      %swap3A_453 = vector.shape_cast %broadcast_in_dim3A_446 : vector<16xf32> to vector<1x1x16xf32>
      tpu.vector_store %arg6[%swap3A_448, %swap3A_449, %swap3A_450], %swap3A_453 {strides = array<i32>} : memref<2x128x128xf32, #tpu.memory_space<vmem>>, vector<1x1x16xf32>,
      %broadcast_in_dim3A_454 = arith.constant 0.000000e+00 : f32
      %broadcast_in_dim3A_455 = vector.broadcast %broadcast_in_dim3A_454 : f32 to vector<16xf32>
      %swap3A_456 = arith.constant 0 : i32
      %swap3A_457 = arith.index_cast %swap3A_456 : i32 to index
      %swap3A_458 = arith.index_cast %scan3A_401 : i32 to index
      %swap3A_459 = arith.constant 96 : index
      %swap3A_460 = tpu.vector_load %arg6[%swap3A_457, %swap3A_458, %swap3A_459] {strides = array<i32>} : memref<2x128x128xf32, #tpu.memory_space<vmem>>, vector<1x1x16xf32>,
      %swap3A_461 = vector.shape_cast %swap3A_460 : vector<1x1x16xf32> to vector<16xf32>
      %swap3A_462 = vector.shape_cast %broadcast_in_dim3A_455 : vector<16xf32> to vector<1x1x16xf32>
      tpu.vector_store %arg6[%swap3A_457, %swap3A_458, %swap3A_459], %swap3A_462 {strides = array<i32>} : memref<2x128x128xf32, #tpu.memory_space<vmem>>, vector<1x1x16xf32>,
      %broadcast_in_dim3A_463 = arith.constant 0.000000e+00 : f32
      %broadcast_in_dim3A_464 = vector.broadcast %broadcast_in_dim3A_463 : f32 to vector<16xf32>
      %swap3A_465 = arith.constant 0 : i32
      %swap3A_466 = arith.index_cast %swap3A_465 : i32 to index
      %swap3A_467 = arith.index_cast %scan3A_401 : i32 to index
      %swap3A_468 = arith.constant 112 : index
      %swap3A_469 = tpu.vector_load %arg6[%swap3A_466, %swap3A_467, %swap3A_468] {strides = array<i32>} : memref<2x128x128xf32, #tpu.memory_space<vmem>>, vector<1x1x16xf32>,
      %swap3A_470 = vector.shape_cast %swap3A_469 : vector<1x1x16xf32> to vector<16xf32>
      %swap3A_471 = vector.shape_cast %broadcast_in_dim3A_464 : vector<16xf32> to vector<1x1x16xf32>
      tpu.vector_store %arg6[%swap3A_466, %swap3A_467, %swap3A_468], %swap3A_471 {strides = array<i32>} : memref<2x128x128xf32, #tpu.memory_space<vmem>>, vector<1x1x16xf32>,
    }
    %scan3A_5 = arith.constant 128 : i32
    %mul3A_6 = arith.constant 640 : i32
    %mul3A_7 = arith.muli %arg1, %mul3A_6 : i32
    %add3A_8 = arith.constant 0 : i32
    %add3A_9 = arith.addi %mul3A_7, %add3A_8 : i32
    %dma_start3A = arith.constant 0 : i32
    %dma_start3A_10 = arith.constant 0 : i32
    %dma_start3A_11 = arith.constant 0 : i32
    %dma_start3A_12 = arith.constant 0 : i32
    %dma_start3A_13 = tpu.memref_slice %arg6[%dma_start3A, %dma_start3A_11, %dma_start3A_12] : memref<2x128x128xf32, #tpu.memory_space<vmem>> -> memref<1x128x128xf32, #tpu.memory_space<vmem>>
    %dma_start3A_14 = tpu.memref_squeeze %dma_start3A_13 : memref<1x128x128xf32, #tpu.memory_space<vmem>> -> memref<128x128xf32, #tpu.memory_space<vmem>>
    %dma_start3A_15 = arith.constant 0 : i32
    %dma_start3A_16 = tpu.memref_slice %arg7[%add3A_9, %dma_start3A_15] : memref<10240x128xf32, #tpu.memory_space<vmem_shared>> -> memref<128x128xf32, #tpu.memory_space<vmem_shared>>
    %dma_start3A_17 = tpu.memref_slice %arg11[%dma_start3A_10] : memref<5x!tpu.dma_semaphore, #tpu.memory_space<semaphore_mem>> -> memref<1x!tpu.dma_semaphore, #tpu.memory_space<semaphore_mem>>
    %dma_start3A_18 = tpu.memref_squeeze %dma_start3A_17 : memref<1x!tpu.dma_semaphore, #tpu.memory_space<semaphore_mem>> -> memref<!tpu.dma_semaphore, #tpu.memory_space<semaphore_mem>>
    %dma_start3A_19 = arith.constant 0 : i32
    %dma_start3A_20 = tpu.memref_slice %arg7[%add3A_9, %dma_start3A_19] : memref<10240x128xf32, #tpu.memory_space<vmem_shared>> -> memref<128x128xf32, #tpu.memory_space<vmem_shared>>
    %dma_start3A_21 = arith.constant 0 : i32
    %dma_start3A_22 = arith.constant 0 : i32
    %dma_start3A_23 = tpu.memref_slice %arg6[%dma_start3A, %dma_start3A_21, %dma_start3A_22] : memref<2x128x128xf32, #tpu.memory_space<vmem>> -> memref<1x128x128xf32, #tpu.memory_space<vmem>>
    %dma_start3A_24 = tpu.memref_squeeze %dma_start3A_23 : memref<1x128x128xf32, #tpu.memory_space<vmem>> -> memref<128x128xf32, #tpu.memory_space<vmem>>
    tpu.enqueue_dma source(%dma_start3A_24 : memref<128x128xf32, #tpu.memory_space<vmem>>) target(%dma_start3A_20 : memref<128x128xf32, #tpu.memory_space<vmem_shared>>) target_semaphore(%dma_start3A_18 : memref<!tpu.dma_semaphore, #tpu.memory_space<semaphore_mem>>)
    %mul3A_25 = arith.constant 640 : i32
    %mul3A_26 = arith.muli %arg1, %mul3A_25 : i32
    %add3A_27 = arith.constant 128 : i32
    %add3A_28 = arith.addi %mul3A_26, %add3A_27 : i32
    %dma_start3A_29 = arith.constant 0 : i32
    %dma_start3A_30 = arith.constant 1 : i32
    %dma_start3A_31 = arith.constant 0 : i32
    %dma_start3A_32 = arith.constant 0 : i32
    %dma_start3A_33 = tpu.memref_slice %arg6[%dma_start3A_29, %dma_start3A_31, %dma_start3A_32] : memref<2x128x128xf32, #tpu.memory_space<vmem>> -> memref<1x128x128xf32, #tpu.memory_space<vmem>>
    %dma_start3A_34 = tpu.memref_squeeze %dma_start3A_33 : memref<1x128x128xf32, #tpu.memory_space<vmem>> -> memref<128x128xf32, #tpu.memory_space<vmem>>
    %dma_start3A_35 = arith.constant 0 : i32
    %dma_start3A_36 = tpu.memref_slice %arg7[%add3A_28, %dma_start3A_35] : memref<10240x128xf32, #tpu.memory_space<vmem_shared>> -> memref<128x128xf32, #tpu.memory_space<vmem_shared>>
    %dma_start3A_37 = tpu.memref_slice %arg11[%dma_start3A_30] : memref<5x!tpu.dma_semaphore, #tpu.memory_space<semaphore_mem>> -> memref<1x!tpu.dma_semaphore, #tpu.memory_space<semaphore_mem>>
    %dma_start3A_38 = tpu.memref_squeeze %dma_start3A_37 : memref<1x!tpu.dma_semaphore, #tpu.memory_space<semaphore_mem>> -> memref<!tpu.dma_semaphore, #tpu.memory_space<semaphore_mem>>
    %dma_start3A_39 = arith.constant 0 : i32
    %dma_start3A_40 = tpu.memref_slice %arg7[%add3A_28, %dma_start3A_39] : memref<10240x128xf32, #tpu.memory_space<vmem_shared>> -> memref<128x128xf32, #tpu.memory_space<vmem_shared>>
    %dma_start3A_41 = arith.constant 0 : i32
    %dma_start3A_42 = arith.constant 0 : i32
    %dma_start3A_43 = tpu.memref_slice %arg6[%dma_start3A_29, %dma_start3A_41, %dma_start3A_42] : memref<2x128x128xf32, #tpu.memory_space<vmem>> -> memref<1x128x128xf32, #tpu.memory_space<vmem>>
    %dma_start3A_44 = tpu.memref_squeeze %dma_start3A_43 : memref<1x128x128xf32, #tpu.memory_space<vmem>> -> memref<128x128xf32, #tpu.memory_space<vmem>>
    tpu.enqueue_dma source(%dma_start3A_44 : memref<128x128xf32, #tpu.memory_space<vmem>>) target(%dma_start3A_40 : memref<128x128xf32, #tpu.memory_space<vmem_shared>>) target_semaphore(%dma_start3A_38 : memref<!tpu.dma_semaphore, #tpu.memory_space<semaphore_mem>>)
    %mul3A_45 = arith.constant 640 : i32
    %mul3A_46 = arith.muli %arg1, %mul3A_45 : i32
    %add3A_47 = arith.constant 256 : i32
    %add3A_48 = arith.addi %mul3A_46, %add3A_47 : i32
    %dma_start3A_49 = arith.constant 0 : i32
    %dma_start3A_50 = arith.constant 2 : i32
    %dma_start3A_51 = arith.constant 0 : i32
    %dma_start3A_52 = arith.constant 0 : i32
    %dma_start3A_53 = tpu.memref_slice %arg6[%dma_start3A_49, %dma_start3A_51, %dma_start3A_52] : memref<2x128x128xf32, #tpu.memory_space<vmem>> -> memref<1x128x128xf32, #tpu.memory_space<vmem>>
    %dma_start3A_54 = tpu.memref_squeeze %dma_start3A_53 : memref<1x128x128xf32, #tpu.memory_space<vmem>> -> memref<128x128xf32, #tpu.memory_space<vmem>>
    %dma_start3A_55 = arith.constant 0 : i32
    %dma_start3A_56 = tpu.memref_slice %arg7[%add3A_48, %dma_start3A_55] : memref<10240x128xf32, #tpu.memory_space<vmem_shared>> -> memref<128x128xf32, #tpu.memory_space<vmem_shared>>
    %dma_start3A_57 = tpu.memref_slice %arg11[%dma_start3A_50] : memref<5x!tpu.dma_semaphore, #tpu.memory_space<semaphore_mem>> -> memref<1x!tpu.dma_semaphore, #tpu.memory_space<semaphore_mem>>
    %dma_start3A_58 = tpu.memref_squeeze %dma_start3A_57 : memref<1x!tpu.dma_semaphore, #tpu.memory_space<semaphore_mem>> -> memref<!tpu.dma_semaphore, #tpu.memory_space<semaphore_mem>>
    %dma_start3A_59 = arith.constant 0 : i32
    %dma_start3A_60 = tpu.memref_slice %arg7[%add3A_48, %dma_start3A_59] : memref<10240x128xf32, #tpu.memory_space<vmem_shared>> -> memref<128x128xf32, #tpu.memory_space<vmem_shared>>
    %dma_start3A_61 = arith.constant 0 : i32
    %dma_start3A_62 = arith.constant 0 : i32
    %dma_start3A_63 = tpu.memref_slice %arg6[%dma_start3A_49, %dma_start3A_61, %dma_start3A_62] : memref<2x128x128xf32, #tpu.memory_space<vmem>> -> memref<1x128x128xf32, #tpu.memory_space<vmem>>
    %dma_start3A_64 = tpu.memref_squeeze %dma_start3A_63 : memref<1x128x128xf32, #tpu.memory_space<vmem>> -> memref<128x128xf32, #tpu.memory_space<vmem>>
    tpu.enqueue_dma source(%dma_start3A_64 : memref<128x128xf32, #tpu.memory_space<vmem>>) target(%dma_start3A_60 : memref<128x128xf32, #tpu.memory_space<vmem_shared>>) target_semaphore(%dma_start3A_58 : memref<!tpu.dma_semaphore, #tpu.memory_space<semaphore_mem>>)
    %mul3A_65 = arith.constant 640 : i32
    %mul3A_66 = arith.muli %arg1, %mul3A_65 : i32
    %add3A_67 = arith.constant 384 : i32
    %add3A_68 = arith.addi %mul3A_66, %add3A_67 : i32
    %dma_start3A_69 = arith.constant 0 : i32
    %dma_start3A_70 = arith.constant 3 : i32
    %dma_start3A_71 = arith.constant 0 : i32
    %dma_start3A_72 = arith.constant 0 : i32
    %dma_start3A_73 = tpu.memref_slice %arg6[%dma_start3A_69, %dma_start3A_71, %dma_start3A_72] : memref<2x128x128xf32, #tpu.memory_space<vmem>> -> memref<1x128x128xf32, #tpu.memory_space<vmem>>
    %dma_start3A_74 = tpu.memref_squeeze %dma_start3A_73 : memref<1x128x128xf32, #tpu.memory_space<vmem>> -> memref<128x128xf32, #tpu.memory_space<vmem>>
    %dma_start3A_75 = arith.constant 0 : i32
    %dma_start3A_76 = tpu.memref_slice %arg7[%add3A_68, %dma_start3A_75] : memref<10240x128xf32, #tpu.memory_space<vmem_shared>> -> memref<128x128xf32, #tpu.memory_space<vmem_shared>>
    %dma_start3A_77 = tpu.memref_slice %arg11[%dma_start3A_70] : memref<5x!tpu.dma_semaphore, #tpu.memory_space<semaphore_mem>> -> memref<1x!tpu.dma_semaphore, #tpu.memory_space<semaphore_mem>>
    %dma_start3A_78 = tpu.memref_squeeze %dma_start3A_77 : memref<1x!tpu.dma_semaphore, #tpu.memory_space<semaphore_mem>> -> memref<!tpu.dma_semaphore, #tpu.memory_space<semaphore_mem>>
    %dma_start3A_79 = arith.constant 0 : i32
    %dma_start3A_80 = tpu.memref_slice %arg7[%add3A_68, %dma_start3A_79] : memref<10240x128xf32, #tpu.memory_space<vmem_shared>> -> memref<128x128xf32, #tpu.memory_space<vmem_shared>>
    %dma_start3A_81 = arith.constant 0 : i32
    %dma_start3A_82 = arith.constant 0 : i32
    %dma_start3A_83 = tpu.memref_slice %arg6[%dma_start3A_69, %dma_start3A_81, %dma_start3A_82] : memref<2x128x128xf32, #tpu.memory_space<vmem>> -> memref<1x128x128xf32, #tpu.memory_space<vmem>>
    %dma_start3A_84 = tpu.memref_squeeze %dma_start3A_83 : memref<1x128x128xf32, #tpu.memory_space<vmem>> -> memref<128x128xf32, #tpu.memory_space<vmem>>
    tpu.enqueue_dma source(%dma_start3A_84 : memref<128x128xf32, #tpu.memory_space<vmem>>) target(%dma_start3A_80 : memref<128x128xf32, #tpu.memory_space<vmem_shared>>) target_semaphore(%dma_start3A_78 : memref<!tpu.dma_semaphore, #tpu.memory_space<semaphore_mem>>)
    %mul3A_85 = arith.constant 640 : i32
    %mul3A_86 = arith.muli %arg1, %mul3A_85 : i32
    %add3A_87 = arith.constant 512 : i32
    %add3A_88 = arith.addi %mul3A_86, %add3A_87 : i32
    %dma_start3A_89 = arith.constant 0 : i32
    %dma_start3A_90 = arith.constant 4 : i32
    %dma_start3A_91 = arith.constant 0 : i32
    %dma_start3A_92 = arith.constant 0 : i32
    %dma_start3A_93 = tpu.memref_slice %arg6[%dma_start3A_89, %dma_start3A_91, %dma_start3A_92] : memref<2x128x128xf32, #tpu.memory_space<vmem>> -> memref<1x128x128xf32, #tpu.memory_space<vmem>>
    %dma_start3A_94 = tpu.memref_squeeze %dma_start3A_93 : memref<1x128x128xf32, #tpu.memory_space<vmem>> -> memref<128x128xf32, #tpu.memory_space<vmem>>
    %dma_start3A_95 = arith.constant 0 : i32
    %dma_start3A_96 = tpu.memref_slice %arg7[%add3A_88, %dma_start3A_95] : memref<10240x128xf32, #tpu.memory_space<vmem_shared>> -> memref<128x128xf32, #tpu.memory_space<vmem_shared>>
    %dma_start3A_97 = tpu.memref_slice %arg11[%dma_start3A_90] : memref<5x!tpu.dma_semaphore, #tpu.memory_space<semaphore_mem>> -> memref<1x!tpu.dma_semaphore, #tpu.memory_space<semaphore_mem>>
    %dma_start3A_98 = tpu.memref_squeeze %dma_start3A_97 : memref<1x!tpu.dma_semaphore, #tpu.memory_space<semaphore_mem>> -> memref<!tpu.dma_semaphore, #tpu.memory_space<semaphore_mem>>
    %dma_start3A_99 = arith.constant 0 : i32
    %dma_start3A_100 = tpu.memref_slice %arg7[%add3A_88, %dma_start3A_99] : memref<10240x128xf32, #tpu.memory_space<vmem_shared>> -> memref<128x128xf32, #tpu.memory_space<vmem_shared>>
    %dma_start3A_101 = arith.constant 0 : i32
    %dma_start3A_102 = arith.constant 0 : i32
    %dma_start3A_103 = tpu.memref_slice %arg6[%dma_start3A_89, %dma_start3A_101, %dma_start3A_102] : memref<2x128x128xf32, #tpu.memory_space<vmem>> -> memref<1x128x128xf32, #tpu.memory_space<vmem>>
    %dma_start3A_104 = tpu.memref_squeeze %dma_start3A_103 : memref<1x128x128xf32, #tpu.memory_space<vmem>> -> memref<128x128xf32, #tpu.memory_space<vmem>>
    tpu.enqueue_dma source(%dma_start3A_104 : memref<128x128xf32, #tpu.memory_space<vmem>>) target(%dma_start3A_100 : memref<128x128xf32, #tpu.memory_space<vmem_shared>>) target_semaphore(%dma_start3A_98 : memref<!tpu.dma_semaphore, #tpu.memory_space<semaphore_mem>>)
    %run_scoped3A = arith.constant 0 : i32
    %run_scoped3A_105 = arith.constant 0 : i32
    "tpu.region"() ({
      %run_scoped3A_401 = tpu.sem_alloc : memref<!tpu.dma_semaphore, #tpu.memory_space<semaphore_mem>>
      %dma_start3A_402 = arith.constant 0 : i32
      %dma_start3A_403 = arith.constant 0 : i32
      %dma_start3A_404 = tpu.memref_slice %arg5[%run_scoped3A_105, %dma_start3A_402, %dma_start3A_403] : memref<3x2x128xi32, #tpu.memory_space<vmem>> -> memref<1x2x128xi32, #tpu.memory_space<vmem>>
      %dma_start3A_405 = tpu.memref_squeeze %dma_start3A_404 : memref<1x2x128xi32, #tpu.memory_space<vmem>> -> memref<2x128xi32, #tpu.memory_space<vmem>>
      %dma_start3A_406 = arith.constant 0 : i32
      %dma_start3A_407 = arith.constant 0 : i32
      %dma_start3A_408 = tpu.memref_slice %arg3[%add3A, %run_scoped3A, %dma_start3A_406, %dma_start3A_407] : memref<32x80x2x128xi32, #tpu.memory_space<hbm>> -> memref<1x1x2x128xi32, #tpu.memory_space<hbm>>
      %dma_start3A_409 = tpu.memref_squeeze %dma_start3A_408 : memref<1x1x2x128xi32, #tpu.memory_space<hbm>> -> memref<2x128xi32, #tpu.memory_space<hbm>>
      %dma_start3A_410 = arith.constant 0 : i32
      %dma_start3A_411 = arith.constant 0 : i32
      %dma_start3A_412 = tpu.memref_slice %arg5[%run_scoped3A_105, %dma_start3A_410, %dma_start3A_411] : memref<3x2x128xi32, #tpu.memory_space<vmem>> -> memref<1x2x128xi32, #tpu.memory_space<vmem>>
      %dma_start3A_413 = tpu.memref_squeeze %dma_start3A_412 : memref<1x2x128xi32, #tpu.memory_space<vmem>> -> memref<2x128xi32, #tpu.memory_space<vmem>>
      %dma_start3A_414 = arith.constant 0 : i32
      %dma_start3A_415 = arith.constant 0 : i32
      %dma_start3A_416 = tpu.memref_slice %arg3[%add3A, %run_scoped3A, %dma_start3A_414, %dma_start3A_415] : memref<32x80x2x128xi32, #tpu.memory_space<hbm>> -> memref<1x1x2x128xi32, #tpu.memory_space<hbm>>
      %dma_start3A_417 = tpu.memref_squeeze %dma_start3A_416 : memref<1x1x2x128xi32, #tpu.memory_space<hbm>> -> memref<2x128xi32, #tpu.memory_space<hbm>>
      tpu.enqueue_dma source(%dma_start3A_417 : memref<2x128xi32, #tpu.memory_space<hbm>>) target(%dma_start3A_413 : memref<2x128xi32, #tpu.memory_space<vmem>>) target_semaphore(%run_scoped3A_401 : memref<!tpu.dma_semaphore, #tpu.memory_space<semaphore_mem>>)
      %dma_wait3A_418 = arith.constant 0 : i32
      %dma_wait3A_419 = arith.constant 0 : i32
      %dma_wait3A_420 = tpu.memref_slice %arg5[%run_scoped3A_105, %dma_wait3A_418, %dma_wait3A_419] : memref<3x2x128xi32, #tpu.memory_space<vmem>> -> memref<1x2x128xi32, #tpu.memory_space<vmem>>
      %dma_wait3A_421 = tpu.memref_squeeze %dma_wait3A_420 : memref<1x2x128xi32, #tpu.memory_space<vmem>> -> memref<2x128xi32, #tpu.memory_space<vmem>>
      %dma_wait3A_422 = arith.constant 0 : i32
      %dma_wait3A_423 = arith.constant 0 : i32
      %dma_wait3A_424 = tpu.memref_slice %arg3[%add3A, %run_scoped3A, %dma_wait3A_422, %dma_wait3A_423] : memref<32x80x2x128xi32, #tpu.memory_space<hbm>> -> memref<1x1x2x128xi32, #tpu.memory_space<hbm>>
      %dma_wait3A_425 = tpu.memref_squeeze %dma_wait3A_424 : memref<1x1x2x128xi32, #tpu.memory_space<hbm>> -> memref<2x128xi32, #tpu.memory_space<hbm>>
      %dma_wait3A_426 = arith.constant 0 : i32
      %dma_wait3A_427 = arith.constant 0 : i32
      %dma_wait3A_428 = tpu.memref_slice %arg5[%run_scoped3A_105, %dma_wait3A_426, %dma_wait3A_427] : memref<3x2x128xi32, #tpu.memory_space<vmem>> -> memref<1x2x128xi32, #tpu.memory_space<vmem>>
      %dma_wait3A_429 = tpu.memref_squeeze %dma_wait3A_428 : memref<1x2x128xi32, #tpu.memory_space<vmem>> -> memref<2x128xi32, #tpu.memory_space<vmem>>
      %dma_wait3A_430 = arith.constant 0 : i32
      %dma_wait3A_431 = arith.constant 0 : i32
      %dma_wait3A_432 = tpu.memref_slice %arg3[%add3A, %run_scoped3A, %dma_wait3A_430, %dma_wait3A_431] : memref<32x80x2x128xi32, #tpu.memory_space<hbm>> -> memref<1x1x2x128xi32, #tpu.memory_space<hbm>>
      %dma_wait3A_433 = tpu.memref_squeeze %dma_wait3A_432 : memref<1x1x2x128xi32, #tpu.memory_space<hbm>> -> memref<2x128xi32, #tpu.memory_space<hbm>>
      tpu.wait_dma2 semaphore(%run_scoped3A_401 : memref<!tpu.dma_semaphore, #tpu.memory_space<semaphore_mem>>) src(%dma_wait3A_433 : memref<2x128xi32, #tpu.memory_space<hbm>>) dst(%dma_wait3A_429 : memref<2x128xi32, #tpu.memory_space<vmem>>)
      tpu.yield
    }) : () -> ()
    %mul3A_106 = arith.constant 640 : i32
    %mul3A_107 = arith.muli %arg1, %mul3A_106 : i32
    %add3A_108 = arith.constant 0 : i32
    %add3A_109 = arith.addi %mul3A_107, %add3A_108 : i32
    %dma_wait3A = arith.constant 0 : i32
    %dma_wait3A_110 = arith.constant 0 : i32
    %dma_wait3A_111 = arith.constant 0 : i32
    %dma_wait3A_112 = arith.constant 0 : i32
    %dma_wait3A_113 = tpu.memref_slice %arg6[%dma_wait3A, %dma_wait3A_111, %dma_wait3A_112] : memref<2x128x128xf32, #tpu.memory_space<vmem>> -> memref<1x128x128xf32, #tpu.memory_space<vmem>>
    %dma_wait3A_114 = tpu.memref_squeeze %dma_wait3A_113 : memref<1x128x128xf32, #tpu.memory_space<vmem>> -> memref<128x128xf32, #tpu.memory_space<vmem>>
    %dma_wait3A_115 = arith.constant 0 : i32
    %dma_wait3A_116 = tpu.memref_slice %arg7[%add3A_109, %dma_wait3A_115] : memref<10240x128xf32, #tpu.memory_space<vmem_shared>> -> memref<128x128xf32, #tpu.memory_space<vmem_shared>>
    %dma_wait3A_117 = tpu.memref_slice %arg11[%dma_wait3A_110] : memref<5x!tpu.dma_semaphore, #tpu.memory_space<semaphore_mem>> -> memref<1x!tpu.dma_semaphore, #tpu.memory_space<semaphore_mem>>
    %dma_wait3A_118 = tpu.memref_squeeze %dma_wait3A_117 : memref<1x!tpu.dma_semaphore, #tpu.memory_space<semaphore_mem>> -> memref<!tpu.dma_semaphore, #tpu.memory_space<semaphore_mem>>
    %dma_wait3A_119 = arith.constant 0 : i32
    %dma_wait3A_120 = tpu.memref_slice %arg7[%add3A_109, %dma_wait3A_119] : memref<10240x128xf32, #tpu.memory_space<vmem_shared>> -> memref<128x128xf32, #tpu.memory_space<vmem_shared>>
    %dma_wait3A_121 = arith.constant 0 : i32
    %dma_wait3A_122 = arith.constant 0 : i32
    %dma_wait3A_123 = tpu.memref_slice %arg6[%dma_wait3A, %dma_wait3A_121, %dma_wait3A_122] : memref<2x128x128xf32, #tpu.memory_space<vmem>> -> memref<1x128x128xf32, #tpu.memory_space<vmem>>
    %dma_wait3A_124 = tpu.memref_squeeze %dma_wait3A_123 : memref<1x128x128xf32, #tpu.memory_space<vmem>> -> memref<128x128xf32, #tpu.memory_space<vmem>>
    tpu.wait_dma2 semaphore(%dma_wait3A_118 : memref<!tpu.dma_semaphore, #tpu.memory_space<semaphore_mem>>) src(%dma_wait3A_124 : memref<128x128xf32, #tpu.memory_space<vmem>>) dst(%dma_wait3A_120 : memref<128x128xf32, #tpu.memory_space<vmem_shared>>)
    %mul3A_125 = arith.constant 640 : i32
    %mul3A_126 = arith.muli %arg1, %mul3A_125 : i32
    %add3A_127 = arith.constant 128 : i32
    %add3A_128 = arith.addi %mul3A_126, %add3A_127 : i32
    %dma_wait3A_129 = arith.constant 0 : i32
    %dma_wait3A_130 = arith.constant 1 : i32
    %dma_wait3A_131 = arith.constant 0 : i32
    %dma_wait3A_132 = arith.constant 0 : i32
    %dma_wait3A_133 = tpu.memref_slice %arg6[%dma_wait3A_129, %dma_wait3A_131, %dma_wait3A_132] : memref<2x128x128xf32, #tpu.memory_space<vmem>> -> memref<1x128x128xf32, #tpu.memory_space<vmem>>
    %dma_wait3A_134 = tpu.memref_squeeze %dma_wait3A_133 : memref<1x128x128xf32, #tpu.memory_space<vmem>> -> memref<128x128xf32, #tpu.memory_space<vmem>>
    %dma_wait3A_135 = arith.constant 0 : i32
    %dma_wait3A_136 = tpu.memref_slice %arg7[%add3A_128, %dma_wait3A_135] : memref<10240x128xf32, #tpu.memory_space<vmem_shared>> -> memref<128x128xf32, #tpu.memory_space<vmem_shared>>
    %dma_wait3A_137 = tpu.memref_slice %arg11[%dma_wait3A_130] : memref<5x!tpu.dma_semaphore, #tpu.memory_space<semaphore_mem>> -> memref<1x!tpu.dma_semaphore, #tpu.memory_space<semaphore_mem>>
    %dma_wait3A_138 = tpu.memref_squeeze %dma_wait3A_137 : memref<1x!tpu.dma_semaphore, #tpu.memory_space<semaphore_mem>> -> memref<!tpu.dma_semaphore, #tpu.memory_space<semaphore_mem>>
    %dma_wait3A_139 = arith.constant 0 : i32
    %dma_wait3A_140 = tpu.memref_slice %arg7[%add3A_128, %dma_wait3A_139] : memref<10240x128xf32, #tpu.memory_space<vmem_shared>> -> memref<128x128xf32, #tpu.memory_space<vmem_shared>>
    %dma_wait3A_141 = arith.constant 0 : i32
    %dma_wait3A_142 = arith.constant 0 : i32
    %dma_wait3A_143 = tpu.memref_slice %arg6[%dma_wait3A_129, %dma_wait3A_141, %dma_wait3A_142] : memref<2x128x128xf32, #tpu.memory_space<vmem>> -> memref<1x128x128xf32, #tpu.memory_space<vmem>>
    %dma_wait3A_144 = tpu.memref_squeeze %dma_wait3A_143 : memref<1x128x128xf32, #tpu.memory_space<vmem>> -> memref<128x128xf32, #tpu.memory_space<vmem>>
    tpu.wait_dma2 semaphore(%dma_wait3A_138 : memref<!tpu.dma_semaphore, #tpu.memory_space<semaphore_mem>>) src(%dma_wait3A_144 : memref<128x128xf32, #tpu.memory_space<vmem>>) dst(%dma_wait3A_140 : memref<128x128xf32, #tpu.memory_space<vmem_shared>>)
    %mul3A_145 = arith.constant 640 : i32
    %mul3A_146 = arith.muli %arg1, %mul3A_145 : i32
    %add3A_147 = arith.constant 256 : i32
    %add3A_148 = arith.addi %mul3A_146, %add3A_147 : i32
    %dma_wait3A_149 = arith.constant 0 : i32
    %dma_wait3A_150 = arith.constant 2 : i32
    %dma_wait3A_151 = arith.constant 0 : i32
    %dma_wait3A_152 = arith.constant 0 : i32
    %dma_wait3A_153 = tpu.memref_slice %arg6[%dma_wait3A_149, %dma_wait3A_151, %dma_wait3A_152] : memref<2x128x128xf32, #tpu.memory_space<vmem>> -> memref<1x128x128xf32, #tpu.memory_space<vmem>>
    %dma_wait3A_154 = tpu.memref_squeeze %dma_wait3A_153 : memref<1x128x128xf32, #tpu.memory_space<vmem>> -> memref<128x128xf32, #tpu.memory_space<vmem>>
    %dma_wait3A_155 = arith.constant 0 : i32
    %dma_wait3A_156 = tpu.memref_slice %arg7[%add3A_148, %dma_wait3A_155] : memref<10240x128xf32, #tpu.memory_space<vmem_shared>> -> memref<128x128xf32, #tpu.memory_space<vmem_shared>>
    %dma_wait3A_157 = tpu.memref_slice %arg11[%dma_wait3A_150] : memref<5x!tpu.dma_semaphore, #tpu.memory_space<semaphore_mem>> -> memref<1x!tpu.dma_semaphore, #tpu.memory_space<semaphore_mem>>
    %dma_wait3A_158 = tpu.memref_squeeze %dma_wait3A_157 : memref<1x!tpu.dma_semaphore, #tpu.memory_space<semaphore_mem>> -> memref<!tpu.dma_semaphore, #tpu.memory_space<semaphore_mem>>
    %dma_wait3A_159 = arith.constant 0 : i32
    %dma_wait3A_160 = tpu.memref_slice %arg7[%add3A_148, %dma_wait3A_159] : memref<10240x128xf32, #tpu.memory_space<vmem_shared>> -> memref<128x128xf32, #tpu.memory_space<vmem_shared>>
    %dma_wait3A_161 = arith.constant 0 : i32
    %dma_wait3A_162 = arith.constant 0 : i32
    %dma_wait3A_163 = tpu.memref_slice %arg6[%dma_wait3A_149, %dma_wait3A_161, %dma_wait3A_162] : memref<2x128x128xf32, #tpu.memory_space<vmem>> -> memref<1x128x128xf32, #tpu.memory_space<vmem>>
    %dma_wait3A_164 = tpu.memref_squeeze %dma_wait3A_163 : memref<1x128x128xf32, #tpu.memory_space<vmem>> -> memref<128x128xf32, #tpu.memory_space<vmem>>
    tpu.wait_dma2 semaphore(%dma_wait3A_158 : memref<!tpu.dma_semaphore, #tpu.memory_space<semaphore_mem>>) src(%dma_wait3A_164 : memref<128x128xf32, #tpu.memory_space<vmem>>) dst(%dma_wait3A_160 : memref<128x128xf32, #tpu.memory_space<vmem_shared>>)
    %mul3A_165 = arith.constant 640 : i32
    %mul3A_166 = arith.muli %arg1, %mul3A_165 : i32
    %add3A_167 = arith.constant 384 : i32
    %add3A_168 = arith.addi %mul3A_166, %add3A_167 : i32
    %dma_wait3A_169 = arith.constant 0 : i32
    %dma_wait3A_170 = arith.constant 3 : i32
    %dma_wait3A_171 = arith.constant 0 : i32
    %dma_wait3A_172 = arith.constant 0 : i32
    %dma_wait3A_173 = tpu.memref_slice %arg6[%dma_wait3A_169, %dma_wait3A_171, %dma_wait3A_172] : memref<2x128x128xf32, #tpu.memory_space<vmem>> -> memref<1x128x128xf32, #tpu.memory_space<vmem>>
    %dma_wait3A_174 = tpu.memref_squeeze %dma_wait3A_173 : memref<1x128x128xf32, #tpu.memory_space<vmem>> -> memref<128x128xf32, #tpu.memory_space<vmem>>
    %dma_wait3A_175 = arith.constant 0 : i32
    %dma_wait3A_176 = tpu.memref_slice %arg7[%add3A_168, %dma_wait3A_175] : memref<10240x128xf32, #tpu.memory_space<vmem_shared>> -> memref<128x128xf32, #tpu.memory_space<vmem_shared>>
    %dma_wait3A_177 = tpu.memref_slice %arg11[%dma_wait3A_170] : memref<5x!tpu.dma_semaphore, #tpu.memory_space<semaphore_mem>> -> memref<1x!tpu.dma_semaphore, #tpu.memory_space<semaphore_mem>>
    %dma_wait3A_178 = tpu.memref_squeeze %dma_wait3A_177 : memref<1x!tpu.dma_semaphore, #tpu.memory_space<semaphore_mem>> -> memref<!tpu.dma_semaphore, #tpu.memory_space<semaphore_mem>>
    %dma_wait3A_179 = arith.constant 0 : i32
    %dma_wait3A_180 = tpu.memref_slice %arg7[%add3A_168, %dma_wait3A_179] : memref<10240x128xf32, #tpu.memory_space<vmem_shared>> -> memref<128x128xf32, #tpu.memory_space<vmem_shared>>
    %dma_wait3A_181 = arith.constant 0 : i32
    %dma_wait3A_182 = arith.constant 0 : i32
    %dma_wait3A_183 = tpu.memref_slice %arg6[%dma_wait3A_169, %dma_wait3A_181, %dma_wait3A_182] : memref<2x128x128xf32, #tpu.memory_space<vmem>> -> memref<1x128x128xf32, #tpu.memory_space<vmem>>
    %dma_wait3A_184 = tpu.memref_squeeze %dma_wait3A_183 : memref<1x128x128xf32, #tpu.memory_space<vmem>> -> memref<128x128xf32, #tpu.memory_space<vmem>>
    tpu.wait_dma2 semaphore(%dma_wait3A_178 : memref<!tpu.dma_semaphore, #tpu.memory_space<semaphore_mem>>) src(%dma_wait3A_184 : memref<128x128xf32, #tpu.memory_space<vmem>>) dst(%dma_wait3A_180 : memref<128x128xf32, #tpu.memory_space<vmem_shared>>)
    %mul3A_185 = arith.constant 640 : i32
    %mul3A_186 = arith.muli %arg1, %mul3A_185 : i32
    %add3A_187 = arith.constant 512 : i32
    %add3A_188 = arith.addi %mul3A_186, %add3A_187 : i32
    %dma_wait3A_189 = arith.constant 0 : i32
    %dma_wait3A_190 = arith.constant 4 : i32
    %dma_wait3A_191 = arith.constant 0 : i32
    %dma_wait3A_192 = arith.constant 0 : i32
    %dma_wait3A_193 = tpu.memref_slice %arg6[%dma_wait3A_189, %dma_wait3A_191, %dma_wait3A_192] : memref<2x128x128xf32, #tpu.memory_space<vmem>> -> memref<1x128x128xf32, #tpu.memory_space<vmem>>
    %dma_wait3A_194 = tpu.memref_squeeze %dma_wait3A_193 : memref<1x128x128xf32, #tpu.memory_space<vmem>> -> memref<128x128xf32, #tpu.memory_space<vmem>>
    %dma_wait3A_195 = arith.constant 0 : i32
    %dma_wait3A_196 = tpu.memref_slice %arg7[%add3A_188, %dma_wait3A_195] : memref<10240x128xf32, #tpu.memory_space<vmem_shared>> -> memref<128x128xf32, #tpu.memory_space<vmem_shared>>
    %dma_wait3A_197 = tpu.memref_slice %arg11[%dma_wait3A_190] : memref<5x!tpu.dma_semaphore, #tpu.memory_space<semaphore_mem>> -> memref<1x!tpu.dma_semaphore, #tpu.memory_space<semaphore_mem>>
    %dma_wait3A_198 = tpu.memref_squeeze %dma_wait3A_197 : memref<1x!tpu.dma_semaphore, #tpu.memory_space<semaphore_mem>> -> memref<!tpu.dma_semaphore, #tpu.memory_space<semaphore_mem>>
    %dma_wait3A_199 = arith.constant 0 : i32
    %dma_wait3A_200 = tpu.memref_slice %arg7[%add3A_188, %dma_wait3A_199] : memref<10240x128xf32, #tpu.memory_space<vmem_shared>> -> memref<128x128xf32, #tpu.memory_space<vmem_shared>>
    %dma_wait3A_201 = arith.constant 0 : i32
    %dma_wait3A_202 = arith.constant 0 : i32
    %dma_wait3A_203 = tpu.memref_slice %arg6[%dma_wait3A_189, %dma_wait3A_201, %dma_wait3A_202] : memref<2x128x128xf32, #tpu.memory_space<vmem>> -> memref<1x128x128xf32, #tpu.memory_space<vmem>>
    %dma_wait3A_204 = tpu.memref_squeeze %dma_wait3A_203 : memref<1x128x128xf32, #tpu.memory_space<vmem>> -> memref<128x128xf32, #tpu.memory_space<vmem>>
    tpu.wait_dma2 semaphore(%dma_wait3A_198 : memref<!tpu.dma_semaphore, #tpu.memory_space<semaphore_mem>>) src(%dma_wait3A_204 : memref<128x128xf32, #tpu.memory_space<vmem>>) dst(%dma_wait3A_200 : memref<128x128xf32, #tpu.memory_space<vmem_shared>>)
    %barrier3A = arith.constant 0 : index
    tpu.barrier barrier_id(%barrier3A)
    %dma_start3A_205 = arith.constant 0 : i32
    %dma_start3A_206 = arith.constant 0 : i32
    %dma_start3A_207 = arith.constant 0 : i32
    %dma_start3A_208 = arith.constant 0 : i32
    %dma_start3A_209 = arith.constant 0 : i32
    %dma_start3A_210 = arith.constant 0 : i32
    %dma_start3A_211 = tpu.memref_slice %arg6[%dma_start3A_207, %dma_start3A_209, %dma_start3A_210] : memref<2x128x128xf32, #tpu.memory_space<vmem>> -> memref<1x128x128xf32, #tpu.memory_space<vmem>>
    %dma_start3A_212 = tpu.memref_squeeze %dma_start3A_211 : memref<1x128x128xf32, #tpu.memory_space<vmem>> -> memref<128x128xf32, #tpu.memory_space<vmem>>
    %dma_start3A_213 = arith.constant 0 : i32
    %dma_start3A_214 = tpu.memref_slice %arg5[%dma_start3A_205, %dma_start3A_206, %dma_start3A_213] : memref<3x2x128xi32, #tpu.memory_space<vmem>> -> memref<1x1x128xi32, #tpu.memory_space<vmem>>
    %dma_start3A_215 = tpu.memref_squeeze %dma_start3A_214 : memref<1x1x128xi32, #tpu.memory_space<vmem>> -> memref<128xi32, #tpu.memory_space<vmem>>
    %dma_start3A_216 = arith.constant 0 : i32
    %dma_start3A_217 = arith.constant 0 : i32
    %dma_start3A_218 = tpu.memref_slice %arg2[%dma_start3A_216, %dma_start3A_217] : memref<10000x128xf32, #tpu.memory_space<hbm>> -> memref<10000x128xf32, #tpu.memory_space<hbm>>
    %dma_start3A_219 = tpu.memref_slice %arg8[%dma_start3A_208] : memref<2x!tpu.dma_semaphore, #tpu.memory_space<semaphore_mem>> -> memref<1x!tpu.dma_semaphore, #tpu.memory_space<semaphore_mem>>
    %dma_start3A_220 = tpu.memref_squeeze %dma_start3A_219 : memref<1x!tpu.dma_semaphore, #tpu.memory_space<semaphore_mem>> -> memref<!tpu.dma_semaphore, #tpu.memory_space<semaphore_mem>>
    tpu.enqueue_indirect_dma source(%dma_start3A_218 : memref<10000x128xf32, #tpu.memory_space<hbm>>) target(%dma_start3A_212 : memref<128x128xf32, #tpu.memory_space<vmem>>) offsets(%dma_start3A_215 : memref<128xi32, #tpu.memory_space<vmem>>) semaphore(%dma_start3A_220 : memref<!tpu.dma_semaphore, #tpu.memory_space<semaphore_mem>>)
    %dma_start3A_221 = arith.constant 1 : i32
    %dma_start3A_222 = arith.constant 1 : i32
    %dma_start3A_223 = arith.constant 1 : i32
    %dma_start3A_224 = arith.constant 0 : i32
    %dma_start3A_225 = arith.constant 0 : i32
    %dma_start3A_226 = tpu.memref_slice %arg5[%dma_start3A_222, %dma_start3A_224, %dma_start3A_225] : memref<3x2x128xi32, #tpu.memory_space<vmem>> -> memref<1x2x128xi32, #tpu.memory_space<vmem>>
    %dma_start3A_227 = tpu.memref_squeeze %dma_start3A_226 : memref<1x2x128xi32, #tpu.memory_space<vmem>> -> memref<2x128xi32, #tpu.memory_space<vmem>>
    %dma_start3A_228 = arith.constant 0 : i32
    %dma_start3A_229 = arith.constant 0 : i32
    %dma_start3A_230 = tpu.memref_slice %arg3[%add3A, %dma_start3A_221, %dma_start3A_228, %dma_start3A_229] : memref<32x80x2x128xi32, #tpu.memory_space<hbm>> -> memref<1x1x2x128xi32, #tpu.memory_space<hbm>>
    %dma_start3A_231 = tpu.memref_squeeze %dma_start3A_230 : memref<1x1x2x128xi32, #tpu.memory_space<hbm>> -> memref<2x128xi32, #tpu.memory_space<hbm>>
    %dma_start3A_232 = tpu.memref_slice %arg9[%dma_start3A_223] : memref<3x!tpu.dma_semaphore, #tpu.memory_space<semaphore_mem>> -> memref<1x!tpu.dma_semaphore, #tpu.memory_space<semaphore_mem>>
    %dma_start3A_233 = tpu.memref_squeeze %dma_start3A_232 : memref<1x!tpu.dma_semaphore, #tpu.memory_space<semaphore_mem>> -> memref<!tpu.dma_semaphore, #tpu.memory_space<semaphore_mem>>
    %dma_start3A_234 = arith.constant 0 : i32
    %dma_start3A_235 = arith.constant 0 : i32
    %dma_start3A_236 = tpu.memref_slice %arg5[%dma_start3A_222, %dma_start3A_234, %dma_start3A_235] : memref<3x2x128xi32, #tpu.memory_space<vmem>> -> memref<1x2x128xi32, #tpu.memory_space<vmem>>
    %dma_start3A_237 = tpu.memref_squeeze %dma_start3A_236 : memref<1x2x128xi32, #tpu.memory_space<vmem>> -> memref<2x128xi32, #tpu.memory_space<vmem>>
    %dma_start3A_238 = arith.constant 0 : i32
    %dma_start3A_239 = arith.constant 0 : i32
    %dma_start3A_240 = tpu.memref_slice %arg3[%add3A, %dma_start3A_221, %dma_start3A_238, %dma_start3A_239] : memref<32x80x2x128xi32, #tpu.memory_space<hbm>> -> memref<1x1x2x128xi32, #tpu.memory_space<hbm>>
    %dma_start3A_241 = tpu.memref_squeeze %dma_start3A_240 : memref<1x1x2x128xi32, #tpu.memory_space<hbm>> -> memref<2x128xi32, #tpu.memory_space<hbm>>
    tpu.enqueue_dma source(%dma_start3A_241 : memref<2x128xi32, #tpu.memory_space<hbm>>) target(%dma_start3A_237 : memref<2x128xi32, #tpu.memory_space<vmem>>) target_semaphore(%dma_start3A_233 : memref<!tpu.dma_semaphore, #tpu.memory_space<semaphore_mem>>)
    %scan3A_242 = arith.constant 0 : i32
    %scan3A_243 = arith.constant 0 : i32
    %scan3A_244 = arith.constant 80 : i32
    %scan3A_245 = arith.addi %scan3A_243, %scan3A_244 : i32
    %scan3A_246 = arith.constant 1 : i32
    scf.for %scan3A_401 = %scan3A_243 to %scan3A_245 step %scan3A_246  : i32 {
      %rem3A = arith.constant 2 : i32
      %rem3A_402 = arith.remsi %scan3A_401, %rem3A : i32
      %sub3A = arith.constant 1 : i32
      %sub3A_403 = arith.subi %sub3A, %rem3A_402 : i32
      %rem3A_404 = arith.constant 3 : i32
      %rem3A_405 = arith.remsi %scan3A_401, %rem3A_404 : i32
      %add3A_406 = arith.constant 1 : i32
      %add3A_407 = arith.addi %scan3A_401, %add3A_406 : i32
      %rem3A_408 = arith.constant 3 : i32
      %rem3A_409 = arith.remsi %add3A_407, %rem3A_408 : i32
      %add3A_410 = arith.constant 1 : i32
      %add3A_411 = arith.addi %scan3A_401, %add3A_410 : i32
      %lt3A = arith.constant 80 : i32
      %lt3A_412 = arith.cmpi slt, %add3A_411, %lt3A : i32
      %ge3A = arith.constant 1 : i32
      %ge3A_413 = arith.cmpi sge, %scan3A_401, %ge3A : i32
      %and3A = arith.andi %lt3A_412, %ge3A_413 : i1
      %convert_element_type3A = arith.extui %and3A : i1 to i32
      %cond3A = arith.constant 0 : i32
      %cond3A_414 = arith.cmpi ne, %convert_element_type3A, %cond3A : i32
      scf.if %cond3A_414 {
        %add3A_455 = arith.constant 2 : i32
        %add3A_456 = arith.addi %scan3A_401, %add3A_455 : i32
        %rem3A_457 = arith.constant 3 : i32
        %rem3A_458 = arith.remsi %add3A_456, %rem3A_457 : i32
        %dma_wait3A_459 = arith.constant 1 : i32
        %dma_wait3A_460 = arith.constant 0 : i32
        %dma_wait3A_461 = arith.constant 0 : i32
        %dma_wait3A_462 = tpu.memref_slice %arg6[%sub3A_403, %dma_wait3A_460, %dma_wait3A_461] : memref<2x128x128xf32, #tpu.memory_space<vmem>> -> memref<1x128x128xf32, #tpu.memory_space<vmem>>
        %dma_wait3A_463 = tpu.memref_squeeze %dma_wait3A_462 : memref<1x128x128xf32, #tpu.memory_space<vmem>> -> memref<128x128xf32, #tpu.memory_space<vmem>>
        %dma_wait3A_464 = arith.constant 0 : i32
        %dma_wait3A_465 = tpu.memref_slice %arg5[%rem3A_458, %dma_wait3A_459, %dma_wait3A_464] : memref<3x2x128xi32, #tpu.memory_space<vmem>> -> memref<1x1x128xi32, #tpu.memory_space<vmem>>
        %dma_wait3A_466 = tpu.memref_squeeze %dma_wait3A_465 : memref<1x1x128xi32, #tpu.memory_space<vmem>> -> memref<128xi32, #tpu.memory_space<vmem>>
        %dma_wait3A_467 = arith.constant 0 : i32
        %dma_wait3A_468 = arith.constant 0 : i32
        %dma_wait3A_469 = tpu.memref_slice %arg7[%dma_wait3A_467, %dma_wait3A_468] : memref<10240x128xf32, #tpu.memory_space<vmem_shared>> -> memref<10240x128xf32, #tpu.memory_space<vmem_shared>>
        %dma_wait3A_470 = tpu.memref_slice %arg10[%sub3A_403] : memref<2x!tpu.dma_semaphore, #tpu.memory_space<semaphore_mem>> -> memref<1x!tpu.dma_semaphore, #tpu.memory_space<semaphore_mem>>
        %dma_wait3A_471 = tpu.memref_squeeze %dma_wait3A_470 : memref<1x!tpu.dma_semaphore, #tpu.memory_space<semaphore_mem>> -> memref<!tpu.dma_semaphore, #tpu.memory_space<semaphore_mem>>
        tpu.wait_indirect_dma semaphore(%dma_wait3A_471 : memref<!tpu.dma_semaphore, #tpu.memory_space<semaphore_mem>>) src(%dma_wait3A_463 : memref<128x128xf32, #tpu.memory_space<vmem>>) dst(%dma_wait3A_469 : memref<10240x128xf32, #tpu.memory_space<vmem_shared>>)
      } else {
      }
      %add3A_415 = arith.constant 1 : i32
      %add3A_416 = arith.addi %scan3A_401, %add3A_415 : i32
      %lt3A_417 = arith.constant 80 : i32
      %lt3A_418 = arith.cmpi slt, %add3A_416, %lt3A_417 : i32
      %convert_element_type3A_419 = arith.extui %lt3A_418 : i1 to i32
      %cond3A_420 = arith.constant 0 : i32
      %cond3A_421 = arith.cmpi ne, %convert_element_type3A_419, %cond3A_420 : i32
      scf.if %cond3A_421 {
        %add3A_455 = arith.constant 1 : i32
        %add3A_456 = arith.addi %scan3A_401, %add3A_455 : i32
        %dma_wait3A_457 = arith.constant 0 : i32
        %dma_wait3A_458 = arith.constant 0 : i32
        %dma_wait3A_459 = tpu.memref_slice %arg5[%rem3A_409, %dma_wait3A_457, %dma_wait3A_458] : memref<3x2x128xi32, #tpu.memory_space<vmem>> -> memref<1x2x128xi32, #tpu.memory_space<vmem>>
        %dma_wait3A_460 = tpu.memref_squeeze %dma_wait3A_459 : memref<1x2x128xi32, #tpu.memory_space<vmem>> -> memref<2x128xi32, #tpu.memory_space<vmem>>
        %dma_wait3A_461 = arith.constant 0 : i32
        %dma_wait3A_462 = arith.constant 0 : i32
        %dma_wait3A_463 = tpu.memref_slice %arg3[%add3A, %add3A_456, %dma_wait3A_461, %dma_wait3A_462] : memref<32x80x2x128xi32, #tpu.memory_space<hbm>> -> memref<1x1x2x128xi32, #tpu.memory_space<hbm>>
        %dma_wait3A_464 = tpu.memref_squeeze %dma_wait3A_463 : memref<1x1x2x128xi32, #tpu.memory_space<hbm>> -> memref<2x128xi32, #tpu.memory_space<hbm>>
        %dma_wait3A_465 = tpu.memref_slice %arg9[%rem3A_409] : memref<3x!tpu.dma_semaphore, #tpu.memory_space<semaphore_mem>> -> memref<1x!tpu.dma_semaphore, #tpu.memory_space<semaphore_mem>>
        %dma_wait3A_466 = tpu.memref_squeeze %dma_wait3A_465 : memref<1x!tpu.dma_semaphore, #tpu.memory_space<semaphore_mem>> -> memref<!tpu.dma_semaphore, #tpu.memory_space<semaphore_mem>>
        %dma_wait3A_467 = arith.constant 0 : i32
        %dma_wait3A_468 = arith.constant 0 : i32
        %dma_wait3A_469 = tpu.memref_slice %arg5[%rem3A_409, %dma_wait3A_467, %dma_wait3A_468] : memref<3x2x128xi32, #tpu.memory_space<vmem>> -> memref<1x2x128xi32, #tpu.memory_space<vmem>>
        %dma_wait3A_470 = tpu.memref_squeeze %dma_wait3A_469 : memref<1x2x128xi32, #tpu.memory_space<vmem>> -> memref<2x128xi32, #tpu.memory_space<vmem>>
        %dma_wait3A_471 = arith.constant 0 : i32
        %dma_wait3A_472 = arith.constant 0 : i32
        %dma_wait3A_473 = tpu.memref_slice %arg3[%add3A, %add3A_456, %dma_wait3A_471, %dma_wait3A_472] : memref<32x80x2x128xi32, #tpu.memory_space<hbm>> -> memref<1x1x2x128xi32, #tpu.memory_space<hbm>>
        %dma_wait3A_474 = tpu.memref_squeeze %dma_wait3A_473 : memref<1x1x2x128xi32, #tpu.memory_space<hbm>> -> memref<2x128xi32, #tpu.memory_space<hbm>>
        tpu.wait_dma2 semaphore(%dma_wait3A_466 : memref<!tpu.dma_semaphore, #tpu.memory_space<semaphore_mem>>) src(%dma_wait3A_474 : memref<2x128xi32, #tpu.memory_space<hbm>>) dst(%dma_wait3A_470 : memref<2x128xi32, #tpu.memory_space<vmem>>)
        %dma_start3A_475 = arith.constant 0 : i32
        %dma_start3A_476 = arith.constant 0 : i32
        %dma_start3A_477 = arith.constant 0 : i32
        %dma_start3A_478 = tpu.memref_slice %arg6[%sub3A_403, %dma_start3A_476, %dma_start3A_477] : memref<2x128x128xf32, #tpu.memory_space<vmem>> -> memref<1x128x128xf32, #tpu.memory_space<vmem>>
        %dma_start3A_479 = tpu.memref_squeeze %dma_start3A_478 : memref<1x128x128xf32, #tpu.memory_space<vmem>> -> memref<128x128xf32, #tpu.memory_space<vmem>>
        %dma_start3A_480 = arith.constant 0 : i32
        %dma_start3A_481 = tpu.memref_slice %arg5[%rem3A_409, %dma_start3A_475, %dma_start3A_480] : memref<3x2x128xi32, #tpu.memory_space<vmem>> -> memref<1x1x128xi32, #tpu.memory_space<vmem>>
        %dma_start3A_482 = tpu.memref_squeeze %dma_start3A_481 : memref<1x1x128xi32, #tpu.memory_space<vmem>> -> memref<128xi32, #tpu.memory_space<vmem>>
        %dma_start3A_483 = arith.constant 0 : i32
        %dma_start3A_484 = arith.constant 0 : i32
        %dma_start3A_485 = tpu.memref_slice %arg2[%dma_start3A_483, %dma_start3A_484] : memref<10000x128xf32, #tpu.memory_space<hbm>> -> memref<10000x128xf32, #tpu.memory_space<hbm>>
        %dma_start3A_486 = tpu.memref_slice %arg8[%sub3A_403] : memref<2x!tpu.dma_semaphore, #tpu.memory_space<semaphore_mem>> -> memref<1x!tpu.dma_semaphore, #tpu.memory_space<semaphore_mem>>
        %dma_start3A_487 = tpu.memref_squeeze %dma_start3A_486 : memref<1x!tpu.dma_semaphore, #tpu.memory_space<semaphore_mem>> -> memref<!tpu.dma_semaphore, #tpu.memory_space<semaphore_mem>>
        tpu.enqueue_indirect_dma source(%dma_start3A_485 : memref<10000x128xf32, #tpu.memory_space<hbm>>) target(%dma_start3A_479 : memref<128x128xf32, #tpu.memory_space<vmem>>) offsets(%dma_start3A_482 : memref<128xi32, #tpu.memory_space<vmem>>) semaphore(%dma_start3A_487 : memref<!tpu.dma_semaphore, #tpu.memory_space<semaphore_mem>>)
      } else {
      }
      %dma_wait3A_422 = arith.constant 0 : i32
      %dma_wait3A_423 = arith.constant 0 : i32
      %dma_wait3A_424 = arith.constant 0 : i32
      %dma_wait3A_425 = tpu.memref_slice %arg6[%rem3A_402, %dma_wait3A_423, %dma_wait3A_424] : memref<2x128x128xf32, #tpu.memory_space<vmem>> -> memref<1x128x128xf32, #tpu.memory_space<vmem>>
      %dma_wait3A_426 = tpu.memref_squeeze %dma_wait3A_425 : memref<1x128x128xf32, #tpu.memory_space<vmem>> -> memref<128x128xf32, #tpu.memory_space<vmem>>
      %dma_wait3A_427 = arith.constant 0 : i32
      %dma_wait3A_428 = tpu.memref_slice %arg5[%rem3A_405, %dma_wait3A_422, %dma_wait3A_427] : memref<3x2x128xi32, #tpu.memory_space<vmem>> -> memref<1x1x128xi32, #tpu.memory_space<vmem>>
      %dma_wait3A_429 = tpu.memref_squeeze %dma_wait3A_428 : memref<1x1x128xi32, #tpu.memory_space<vmem>> -> memref<128xi32, #tpu.memory_space<vmem>>
      %dma_wait3A_430 = arith.constant 0 : i32
      %dma_wait3A_431 = arith.constant 0 : i32
      %dma_wait3A_432 = tpu.memref_slice %arg2[%dma_wait3A_430, %dma_wait3A_431] : memref<10000x128xf32, #tpu.memory_space<hbm>> -> memref<10000x128xf32, #tpu.memory_space<hbm>>
      %dma_wait3A_433 = tpu.memref_slice %arg8[%rem3A_402] : memref<2x!tpu.dma_semaphore, #tpu.memory_space<semaphore_mem>> -> memref<1x!tpu.dma_semaphore, #tpu.memory_space<semaphore_mem>>
      %dma_wait3A_434 = tpu.memref_squeeze %dma_wait3A_433 : memref<1x!tpu.dma_semaphore, #tpu.memory_space<semaphore_mem>> -> memref<!tpu.dma_semaphore, #tpu.memory_space<semaphore_mem>>
      tpu.wait_indirect_dma semaphore(%dma_wait3A_434 : memref<!tpu.dma_semaphore, #tpu.memory_space<semaphore_mem>>) src(%dma_wait3A_432 : memref<10000x128xf32, #tpu.memory_space<hbm>>) dst(%dma_wait3A_426 : memref<128x128xf32, #tpu.memory_space<vmem>>)
      %dma_start3A_435 = arith.constant 1 : i32
      %dma_start3A_436 = arith.constant 0 : i32
      %dma_start3A_437 = arith.constant 0 : i32
      %dma_start3A_438 = tpu.memref_slice %arg6[%rem3A_402, %dma_start3A_436, %dma_start3A_437] : memref<2x128x128xf32, #tpu.memory_space<vmem>> -> memref<1x128x128xf32, #tpu.memory_space<vmem>>
      %dma_start3A_439 = tpu.memref_squeeze %dma_start3A_438 : memref<1x128x128xf32, #tpu.memory_space<vmem>> -> memref<128x128xf32, #tpu.memory_space<vmem>>
      %dma_start3A_440 = arith.constant 0 : i32
      %dma_start3A_441 = tpu.memref_slice %arg5[%rem3A_405, %dma_start3A_435, %dma_start3A_440] : memref<3x2x128xi32, #tpu.memory_space<vmem>> -> memref<1x1x128xi32, #tpu.memory_space<vmem>>
      %dma_start3A_442 = tpu.memref_squeeze %dma_start3A_441 : memref<1x1x128xi32, #tpu.memory_space<vmem>> -> memref<128xi32, #tpu.memory_space<vmem>>
      %dma_start3A_443 = arith.constant 0 : i32
      %dma_start3A_444 = arith.constant 0 : i32
      %dma_start3A_445 = tpu.memref_slice %arg7[%dma_start3A_443, %dma_start3A_444] : memref<10240x128xf32, #tpu.memory_space<vmem_shared>> -> memref<10240x128xf32, #tpu.memory_space<vmem_shared>>
      %dma_start3A_446 = tpu.memref_slice %arg10[%rem3A_402] : memref<2x!tpu.dma_semaphore, #tpu.memory_space<semaphore_mem>> -> memref<1x!tpu.dma_semaphore, #tpu.memory_space<semaphore_mem>>
      %dma_start3A_447 = tpu.memref_squeeze %dma_start3A_446 : memref<1x!tpu.dma_semaphore, #tpu.memory_space<semaphore_mem>> -> memref<!tpu.dma_semaphore, #tpu.memory_space<semaphore_mem>>
      tpu.enqueue_indirect_dma source(%dma_start3A_439 : memref<128x128xf32, #tpu.memory_space<vmem>>) target(%dma_start3A_445 : memref<10240x128xf32, #tpu.memory_space<vmem_shared>>) offsets(%dma_start3A_442 : memref<128xi32, #tpu.memory_space<vmem>>) semaphore(%dma_start3A_447 : memref<!tpu.dma_semaphore, #tpu.memory_space<semaphore_mem>>) {add = true}
      %add3A_448 = arith.constant 2 : i32
      %add3A_449 = arith.addi %scan3A_401, %add3A_448 : i32
      %lt3A_450 = arith.constant 80 : i32
      %lt3A_451 = arith.cmpi slt, %add3A_449, %lt3A_450 : i32
      %convert_element_type3A_452 = arith.extui %lt3A_451 : i1 to i32
      %cond3A_453 = arith.constant 0 : i32
      %cond3A_454 = arith.cmpi ne, %convert_element_type3A_452, %cond3A_453 : i32
      scf.if %cond3A_454 {
        %add3A_455 = arith.constant 2 : i32
        %add3A_456 = arith.addi %scan3A_401, %add3A_455 : i32
        %add3A_457 = arith.constant 2 : i32
        %add3A_458 = arith.addi %scan3A_401, %add3A_457 : i32
        %rem3A_459 = arith.constant 3 : i32
        %rem3A_460 = arith.remsi %add3A_458, %rem3A_459 : i32
        %add3A_461 = arith.constant 2 : i32
        %add3A_462 = arith.addi %scan3A_401, %add3A_461 : i32
        %rem3A_463 = arith.constant 3 : i32
        %rem3A_464 = arith.remsi %add3A_462, %rem3A_463 : i32
        %dma_start3A_465 = arith.constant 0 : i32
        %dma_start3A_466 = arith.constant 0 : i32
        %dma_start3A_467 = tpu.memref_slice %arg5[%rem3A_460, %dma_start3A_465, %dma_start3A_466] : memref<3x2x128xi32, #tpu.memory_space<vmem>> -> memref<1x2x128xi32, #tpu.memory_space<vmem>>
        %dma_start3A_468 = tpu.memref_squeeze %dma_start3A_467 : memref<1x2x128xi32, #tpu.memory_space<vmem>> -> memref<2x128xi32, #tpu.memory_space<vmem>>
        %dma_start3A_469 = arith.constant 0 : i32
        %dma_start3A_470 = arith.constant 0 : i32
        %dma_start3A_471 = tpu.memref_slice %arg3[%add3A, %add3A_456, %dma_start3A_469, %dma_start3A_470] : memref<32x80x2x128xi32, #tpu.memory_space<hbm>> -> memref<1x1x2x128xi32, #tpu.memory_space<hbm>>
        %dma_start3A_472 = tpu.memref_squeeze %dma_start3A_471 : memref<1x1x2x128xi32, #tpu.memory_space<hbm>> -> memref<2x128xi32, #tpu.memory_space<hbm>>
        %dma_start3A_473 = tpu.memref_slice %arg9[%rem3A_464] : memref<3x!tpu.dma_semaphore, #tpu.memory_space<semaphore_mem>> -> memref<1x!tpu.dma_semaphore, #tpu.memory_space<semaphore_mem>>
        %dma_start3A_474 = tpu.memref_squeeze %dma_start3A_473 : memref<1x!tpu.dma_semaphore, #tpu.memory_space<semaphore_mem>> -> memref<!tpu.dma_semaphore, #tpu.memory_space<semaphore_mem>>
        %dma_start3A_475 = arith.constant 0 : i32
        %dma_start3A_476 = arith.constant 0 : i32
        %dma_start3A_477 = tpu.memref_slice %arg5[%rem3A_460, %dma_start3A_475, %dma_start3A_476] : memref<3x2x128xi32, #tpu.memory_space<vmem>> -> memref<1x2x128xi32, #tpu.memory_space<vmem>>
        %dma_start3A_478 = tpu.memref_squeeze %dma_start3A_477 : memref<1x2x128xi32, #tpu.memory_space<vmem>> -> memref<2x128xi32, #tpu.memory_space<vmem>>
        %dma_start3A_479 = arith.constant 0 : i32
        %dma_start3A_480 = arith.constant 0 : i32
        %dma_start3A_481 = tpu.memref_slice %arg3[%add3A, %add3A_456, %dma_start3A_479, %dma_start3A_480] : memref<32x80x2x128xi32, #tpu.memory_space<hbm>> -> memref<1x1x2x128xi32, #tpu.memory_space<hbm>>
        %dma_start3A_482 = tpu.memref_squeeze %dma_start3A_481 : memref<1x1x2x128xi32, #tpu.memory_space<hbm>> -> memref<2x128xi32, #tpu.memory_space<hbm>>
        tpu.enqueue_dma source(%dma_start3A_482 : memref<2x128xi32, #tpu.memory_space<hbm>>) target(%dma_start3A_478 : memref<2x128xi32, #tpu.memory_space<vmem>>) target_semaphore(%dma_start3A_474 : memref<!tpu.dma_semaphore, #tpu.memory_space<semaphore_mem>>)
      } else {
      }
    }
    %scan3A_247 = arith.constant 80 : i32
    %dma_wait3A_248 = arith.constant 0 : i32
    %dma_wait3A_249 = arith.constant 0 : i32
    %dma_wait3A_250 = arith.constant 1 : i32
    %dma_wait3A_251 = arith.constant 0 : i32
    %dma_wait3A_252 = arith.constant 0 : i32
    %dma_wait3A_253 = arith.constant 0 : i32
    %dma_wait3A_254 = tpu.memref_slice %arg6[%dma_wait3A_248, %dma_wait3A_252, %dma_wait3A_253] : memref<2x128x128xf32, #tpu.memory_space<vmem>> -> memref<1x128x128xf32, #tpu.memory_space<vmem>>
    %dma_wait3A_255 = tpu.memref_squeeze %dma_wait3A_254 : memref<1x128x128xf32, #tpu.memory_space<vmem>> -> memref<128x128xf32, #tpu.memory_space<vmem>>
    %dma_wait3A_256 = arith.constant 0 : i32
    %dma_wait3A_257 = tpu.memref_slice %arg5[%dma_wait3A_249, %dma_wait3A_250, %dma_wait3A_256] : memref<3x2x128xi32, #tpu.memory_space<vmem>> -> memref<1x1x128xi32, #tpu.memory_space<vmem>>
    %dma_wait3A_258 = tpu.memref_squeeze %dma_wait3A_257 : memref<1x1x128xi32, #tpu.memory_space<vmem>> -> memref<128xi32, #tpu.memory_space<vmem>>
    %dma_wait3A_259 = arith.constant 0 : i32
    %dma_wait3A_260 = arith.constant 0 : i32
    %dma_wait3A_261 = tpu.memref_slice %arg7[%dma_wait3A_259, %dma_wait3A_260] : memref<10240x128xf32, #tpu.memory_space<vmem_shared>> -> memref<10240x128xf32, #tpu.memory_space<vmem_shared>>
    %dma_wait3A_262 = tpu.memref_slice %arg10[%dma_wait3A_251] : memref<2x!tpu.dma_semaphore, #tpu.memory_space<semaphore_mem>> -> memref<1x!tpu.dma_semaphore, #tpu.memory_space<semaphore_mem>>
    %dma_wait3A_263 = tpu.memref_squeeze %dma_wait3A_262 : memref<1x!tpu.dma_semaphore, #tpu.memory_space<semaphore_mem>> -> memref<!tpu.dma_semaphore, #tpu.memory_space<semaphore_mem>>
    tpu.wait_indirect_dma semaphore(%dma_wait3A_263 : memref<!tpu.dma_semaphore, #tpu.memory_space<semaphore_mem>>) src(%dma_wait3A_255 : memref<128x128xf32, #tpu.memory_space<vmem>>) dst(%dma_wait3A_261 : memref<10240x128xf32, #tpu.memory_space<vmem_shared>>)
    %dma_wait3A_264 = arith.constant 1 : i32
    %dma_wait3A_265 = arith.constant 1 : i32
    %dma_wait3A_266 = arith.constant 1 : i32
    %dma_wait3A_267 = arith.constant 1 : i32
    %dma_wait3A_268 = arith.constant 0 : i32
    %dma_wait3A_269 = arith.constant 0 : i32
    %dma_wait3A_270 = tpu.memref_slice %arg6[%dma_wait3A_264, %dma_wait3A_268, %dma_wait3A_269] : memref<2x128x128xf32, #tpu.memory_space<vmem>> -> memref<1x128x128xf32, #tpu.memory_space<vmem>>
    %dma_wait3A_271 = tpu.memref_squeeze %dma_wait3A_270 : memref<1x128x128xf32, #tpu.memory_space<vmem>> -> memref<128x128xf32, #tpu.memory_space<vmem>>
    %dma_wait3A_272 = arith.constant 0 : i32
    %dma_wait3A_273 = tpu.memref_slice %arg5[%dma_wait3A_265, %dma_wait3A_266, %dma_wait3A_272] : memref<3x2x128xi32, #tpu.memory_space<vmem>> -> memref<1x1x128xi32, #tpu.memory_space<vmem>>
    %dma_wait3A_274 = tpu.memref_squeeze %dma_wait3A_273 : memref<1x1x128xi32, #tpu.memory_space<vmem>> -> memref<128xi32, #tpu.memory_space<vmem>>
    %dma_wait3A_275 = arith.constant 0 : i32
    %dma_wait3A_276 = arith.constant 0 : i32
    %dma_wait3A_277 = tpu.memref_slice %arg7[%dma_wait3A_275, %dma_wait3A_276] : memref<10240x128xf32, #tpu.memory_space<vmem_shared>> -> memref<10240x128xf32, #tpu.memory_space<vmem_shared>>
    %dma_wait3A_278 = tpu.memref_slice %arg10[%dma_wait3A_267] : memref<2x!tpu.dma_semaphore, #tpu.memory_space<semaphore_mem>> -> memref<1x!tpu.dma_semaphore, #tpu.memory_space<semaphore_mem>>
    %dma_wait3A_279 = tpu.memref_squeeze %dma_wait3A_278 : memref<1x!tpu.dma_semaphore, #tpu.memory_space<semaphore_mem>> -> memref<!tpu.dma_semaphore, #tpu.memory_space<semaphore_mem>>
    tpu.wait_indirect_dma semaphore(%dma_wait3A_279 : memref<!tpu.dma_semaphore, #tpu.memory_space<semaphore_mem>>) src(%dma_wait3A_271 : memref<128x128xf32, #tpu.memory_space<vmem>>) dst(%dma_wait3A_277 : memref<10240x128xf32, #tpu.memory_space<vmem_shared>>)
    %barrier3A_280 = arith.constant 0 : index
    tpu.barrier barrier_id(%barrier3A_280)
    %mul3A_281 = arith.constant 640 : i32
    %mul3A_282 = arith.muli %arg1, %mul3A_281 : i32
    %add3A_283 = arith.constant 0 : i32
    %add3A_284 = arith.addi %mul3A_282, %add3A_283 : i32
    %dma_start3A_285 = arith.constant 0 : i32
    %dma_start3A_286 = tpu.memref_slice %arg11[%dma_start3A_285] : memref<5x!tpu.dma_semaphore, #tpu.memory_space<semaphore_mem>> -> memref<1x!tpu.dma_semaphore, #tpu.memory_space<semaphore_mem>>
    %dma_start3A_287 = tpu.memref_squeeze %dma_start3A_286 : memref<1x!tpu.dma_semaphore, #tpu.memory_space<semaphore_mem>> -> memref<!tpu.dma_semaphore, #tpu.memory_space<semaphore_mem>>
    %dma_start3A_288 = arith.constant 0 : i32
    %dma_start3A_289 = tpu.memref_slice %arg4[%arg0, %add3A_284, %dma_start3A_288] : memref<2x10240x128xf32, #tpu.memory_space<hbm>> -> memref<1x128x128xf32, #tpu.memory_space<hbm>>
    %dma_start3A_290 = tpu.memref_squeeze %dma_start3A_289 : memref<1x128x128xf32, #tpu.memory_space<hbm>> -> memref<128x128xf32, #tpu.memory_space<hbm>>
    %dma_start3A_291 = arith.constant 0 : i32
    %dma_start3A_292 = tpu.memref_slice %arg7[%add3A_284, %dma_start3A_291] : memref<10240x128xf32, #tpu.memory_space<vmem_shared>> -> memref<128x128xf32, #tpu.memory_space<vmem_shared>>
    tpu.enqueue_dma source(%dma_start3A_292 : memref<128x128xf32, #tpu.memory_space<vmem_shared>>) target(%dma_start3A_290 : memref<128x128xf32, #tpu.memory_space<hbm>>) target_semaphore(%dma_start3A_287 : memref<!tpu.dma_semaphore, #tpu.memory_space<semaphore_mem>>)
    %mul3A_293 = arith.constant 640 : i32
    %mul3A_294 = arith.muli %arg1, %mul3A_293 : i32
    %add3A_295 = arith.constant 128 : i32
    %add3A_296 = arith.addi %mul3A_294, %add3A_295 : i32
    %dma_start3A_297 = arith.constant 1 : i32
    %dma_start3A_298 = tpu.memref_slice %arg11[%dma_start3A_297] : memref<5x!tpu.dma_semaphore, #tpu.memory_space<semaphore_mem>> -> memref<1x!tpu.dma_semaphore, #tpu.memory_space<semaphore_mem>>
    %dma_start3A_299 = tpu.memref_squeeze %dma_start3A_298 : memref<1x!tpu.dma_semaphore, #tpu.memory_space<semaphore_mem>> -> memref<!tpu.dma_semaphore, #tpu.memory_space<semaphore_mem>>
    %dma_start3A_300 = arith.constant 0 : i32
    %dma_start3A_301 = tpu.memref_slice %arg4[%arg0, %add3A_296, %dma_start3A_300] : memref<2x10240x128xf32, #tpu.memory_space<hbm>> -> memref<1x128x128xf32, #tpu.memory_space<hbm>>
    %dma_start3A_302 = tpu.memref_squeeze %dma_start3A_301 : memref<1x128x128xf32, #tpu.memory_space<hbm>> -> memref<128x128xf32, #tpu.memory_space<hbm>>
    %dma_start3A_303 = arith.constant 0 : i32
    %dma_start3A_304 = tpu.memref_slice %arg7[%add3A_296, %dma_start3A_303] : memref<10240x128xf32, #tpu.memory_space<vmem_shared>> -> memref<128x128xf32, #tpu.memory_space<vmem_shared>>
    tpu.enqueue_dma source(%dma_start3A_304 : memref<128x128xf32, #tpu.memory_space<vmem_shared>>) target(%dma_start3A_302 : memref<128x128xf32, #tpu.memory_space<hbm>>) target_semaphore(%dma_start3A_299 : memref<!tpu.dma_semaphore, #tpu.memory_space<semaphore_mem>>)
    %mul3A_305 = arith.constant 640 : i32
    %mul3A_306 = arith.muli %arg1, %mul3A_305 : i32
    %add3A_307 = arith.constant 256 : i32
    %add3A_308 = arith.addi %mul3A_306, %add3A_307 : i32
    %dma_start3A_309 = arith.constant 2 : i32
    %dma_start3A_310 = tpu.memref_slice %arg11[%dma_start3A_309] : memref<5x!tpu.dma_semaphore, #tpu.memory_space<semaphore_mem>> -> memref<1x!tpu.dma_semaphore, #tpu.memory_space<semaphore_mem>>
    %dma_start3A_311 = tpu.memref_squeeze %dma_start3A_310 : memref<1x!tpu.dma_semaphore, #tpu.memory_space<semaphore_mem>> -> memref<!tpu.dma_semaphore, #tpu.memory_space<semaphore_mem>>
    %dma_start3A_312 = arith.constant 0 : i32
    %dma_start3A_313 = tpu.memref_slice %arg4[%arg0, %add3A_308, %dma_start3A_312] : memref<2x10240x128xf32, #tpu.memory_space<hbm>> -> memref<1x128x128xf32, #tpu.memory_space<hbm>>
    %dma_start3A_314 = tpu.memref_squeeze %dma_start3A_313 : memref<1x128x128xf32, #tpu.memory_space<hbm>> -> memref<128x128xf32, #tpu.memory_space<hbm>>
    %dma_start3A_315 = arith.constant 0 : i32
    %dma_start3A_316 = tpu.memref_slice %arg7[%add3A_308, %dma_start3A_315] : memref<10240x128xf32, #tpu.memory_space<vmem_shared>> -> memref<128x128xf32, #tpu.memory_space<vmem_shared>>
    tpu.enqueue_dma source(%dma_start3A_316 : memref<128x128xf32, #tpu.memory_space<vmem_shared>>) target(%dma_start3A_314 : memref<128x128xf32, #tpu.memory_space<hbm>>) target_semaphore(%dma_start3A_311 : memref<!tpu.dma_semaphore, #tpu.memory_space<semaphore_mem>>)
    %mul3A_317 = arith.constant 640 : i32
    %mul3A_318 = arith.muli %arg1, %mul3A_317 : i32
    %add3A_319 = arith.constant 384 : i32
    %add3A_320 = arith.addi %mul3A_318, %add3A_319 : i32
    %dma_start3A_321 = arith.constant 3 : i32
    %dma_start3A_322 = tpu.memref_slice %arg11[%dma_start3A_321] : memref<5x!tpu.dma_semaphore, #tpu.memory_space<semaphore_mem>> -> memref<1x!tpu.dma_semaphore, #tpu.memory_space<semaphore_mem>>
    %dma_start3A_323 = tpu.memref_squeeze %dma_start3A_322 : memref<1x!tpu.dma_semaphore, #tpu.memory_space<semaphore_mem>> -> memref<!tpu.dma_semaphore, #tpu.memory_space<semaphore_mem>>
    %dma_start3A_324 = arith.constant 0 : i32
    %dma_start3A_325 = tpu.memref_slice %arg4[%arg0, %add3A_320, %dma_start3A_324] : memref<2x10240x128xf32, #tpu.memory_space<hbm>> -> memref<1x128x128xf32, #tpu.memory_space<hbm>>
    %dma_start3A_326 = tpu.memref_squeeze %dma_start3A_325 : memref<1x128x128xf32, #tpu.memory_space<hbm>> -> memref<128x128xf32, #tpu.memory_space<hbm>>
    %dma_start3A_327 = arith.constant 0 : i32
    %dma_start3A_328 = tpu.memref_slice %arg7[%add3A_320, %dma_start3A_327] : memref<10240x128xf32, #tpu.memory_space<vmem_shared>> -> memref<128x128xf32, #tpu.memory_space<vmem_shared>>
    tpu.enqueue_dma source(%dma_start3A_328 : memref<128x128xf32, #tpu.memory_space<vmem_shared>>) target(%dma_start3A_326 : memref<128x128xf32, #tpu.memory_space<hbm>>) target_semaphore(%dma_start3A_323 : memref<!tpu.dma_semaphore, #tpu.memory_space<semaphore_mem>>)
    %mul3A_329 = arith.constant 640 : i32
    %mul3A_330 = arith.muli %arg1, %mul3A_329 : i32
    %add3A_331 = arith.constant 512 : i32
    %add3A_332 = arith.addi %mul3A_330, %add3A_331 : i32
    %dma_start3A_333 = arith.constant 4 : i32
    %dma_start3A_334 = tpu.memref_slice %arg11[%dma_start3A_333] : memref<5x!tpu.dma_semaphore, #tpu.memory_space<semaphore_mem>> -> memref<1x!tpu.dma_semaphore, #tpu.memory_space<semaphore_mem>>
    %dma_start3A_335 = tpu.memref_squeeze %dma_start3A_334 : memref<1x!tpu.dma_semaphore, #tpu.memory_space<semaphore_mem>> -> memref<!tpu.dma_semaphore, #tpu.memory_space<semaphore_mem>>
    %dma_start3A_336 = arith.constant 0 : i32
    %dma_start3A_337 = tpu.memref_slice %arg4[%arg0, %add3A_332, %dma_start3A_336] : memref<2x10240x128xf32, #tpu.memory_space<hbm>> -> memref<1x128x128xf32, #tpu.memory_space<hbm>>
    %dma_start3A_338 = tpu.memref_squeeze %dma_start3A_337 : memref<1x128x128xf32, #tpu.memory_space<hbm>> -> memref<128x128xf32, #tpu.memory_space<hbm>>
    %dma_start3A_339 = arith.constant 0 : i32
    %dma_start3A_340 = tpu.memref_slice %arg7[%add3A_332, %dma_start3A_339] : memref<10240x128xf32, #tpu.memory_space<vmem_shared>> -> memref<128x128xf32, #tpu.memory_space<vmem_shared>>
    tpu.enqueue_dma source(%dma_start3A_340 : memref<128x128xf32, #tpu.memory_space<vmem_shared>>) target(%dma_start3A_338 : memref<128x128xf32, #tpu.memory_space<hbm>>) target_semaphore(%dma_start3A_335 : memref<!tpu.dma_semaphore, #tpu.memory_space<semaphore_mem>>)
    %mul3A_341 = arith.constant 640 : i32
    %mul3A_342 = arith.muli %arg1, %mul3A_341 : i32
    %add3A_343 = arith.constant 0 : i32
    %add3A_344 = arith.addi %mul3A_342, %add3A_343 : i32
    %dma_wait3A_345 = arith.constant 0 : i32
    %dma_wait3A_346 = tpu.memref_slice %arg11[%dma_wait3A_345] : memref<5x!tpu.dma_semaphore, #tpu.memory_space<semaphore_mem>> -> memref<1x!tpu.dma_semaphore, #tpu.memory_space<semaphore_mem>>
    %dma_wait3A_347 = tpu.memref_squeeze %dma_wait3A_346 : memref<1x!tpu.dma_semaphore, #tpu.memory_space<semaphore_mem>> -> memref<!tpu.dma_semaphore, #tpu.memory_space<semaphore_mem>>
    %dma_wait3A_348 = arith.constant 0 : i32
    %dma_wait3A_349 = tpu.memref_slice %arg4[%arg0, %add3A_344, %dma_wait3A_348] : memref<2x10240x128xf32, #tpu.memory_space<hbm>> -> memref<1x128x128xf32, #tpu.memory_space<hbm>>
    %dma_wait3A_350 = tpu.memref_squeeze %dma_wait3A_349 : memref<1x128x128xf32, #tpu.memory_space<hbm>> -> memref<128x128xf32, #tpu.memory_space<hbm>>
    %dma_wait3A_351 = arith.constant 0 : i32
    %dma_wait3A_352 = tpu.memref_slice %arg7[%add3A_344, %dma_wait3A_351] : memref<10240x128xf32, #tpu.memory_space<vmem_shared>> -> memref<128x128xf32, #tpu.memory_space<vmem_shared>>
    tpu.wait_dma2 semaphore(%dma_wait3A_347 : memref<!tpu.dma_semaphore, #tpu.memory_space<semaphore_mem>>) src(%dma_wait3A_352 : memref<128x128xf32, #tpu.memory_space<vmem_shared>>) dst(%dma_wait3A_350 : memref<128x128xf32, #tpu.memory_space<hbm>>)
    %mul3A_353 = arith.constant 640 : i32
    %mul3A_354 = arith.muli %arg1, %mul3A_353 : i32
    %add3A_355 = arith.constant 128 : i32
    %add3A_356 = arith.addi %mul3A_354, %add3A_355 : i32
    %dma_wait3A_357 = arith.constant 1 : i32
    %dma_wait3A_358 = tpu.memref_slice %arg11[%dma_wait3A_357] : memref<5x!tpu.dma_semaphore, #tpu.memory_space<semaphore_mem>> -> memref<1x!tpu.dma_semaphore, #tpu.memory_space<semaphore_mem>>
    %dma_wait3A_359 = tpu.memref_squeeze %dma_wait3A_358 : memref<1x!tpu.dma_semaphore, #tpu.memory_space<semaphore_mem>> -> memref<!tpu.dma_semaphore, #tpu.memory_space<semaphore_mem>>
    %dma_wait3A_360 = arith.constant 0 : i32
    %dma_wait3A_361 = tpu.memref_slice %arg4[%arg0, %add3A_356, %dma_wait3A_360] : memref<2x10240x128xf32, #tpu.memory_space<hbm>> -> memref<1x128x128xf32, #tpu.memory_space<hbm>>
    %dma_wait3A_362 = tpu.memref_squeeze %dma_wait3A_361 : memref<1x128x128xf32, #tpu.memory_space<hbm>> -> memref<128x128xf32, #tpu.memory_space<hbm>>
    %dma_wait3A_363 = arith.constant 0 : i32
    %dma_wait3A_364 = tpu.memref_slice %arg7[%add3A_356, %dma_wait3A_363] : memref<10240x128xf32, #tpu.memory_space<vmem_shared>> -> memref<128x128xf32, #tpu.memory_space<vmem_shared>>
    tpu.wait_dma2 semaphore(%dma_wait3A_359 : memref<!tpu.dma_semaphore, #tpu.memory_space<semaphore_mem>>) src(%dma_wait3A_364 : memref<128x128xf32, #tpu.memory_space<vmem_shared>>) dst(%dma_wait3A_362 : memref<128x128xf32, #tpu.memory_space<hbm>>)
    %mul3A_365 = arith.constant 640 : i32
    %mul3A_366 = arith.muli %arg1, %mul3A_365 : i32
    %add3A_367 = arith.constant 256 : i32
    %add3A_368 = arith.addi %mul3A_366, %add3A_367 : i32
    %dma_wait3A_369 = arith.constant 2 : i32
    %dma_wait3A_370 = tpu.memref_slice %arg11[%dma_wait3A_369] : memref<5x!tpu.dma_semaphore, #tpu.memory_space<semaphore_mem>> -> memref<1x!tpu.dma_semaphore, #tpu.memory_space<semaphore_mem>>
    %dma_wait3A_371 = tpu.memref_squeeze %dma_wait3A_370 : memref<1x!tpu.dma_semaphore, #tpu.memory_space<semaphore_mem>> -> memref<!tpu.dma_semaphore, #tpu.memory_space<semaphore_mem>>
    %dma_wait3A_372 = arith.constant 0 : i32
    %dma_wait3A_373 = tpu.memref_slice %arg4[%arg0, %add3A_368, %dma_wait3A_372] : memref<2x10240x128xf32, #tpu.memory_space<hbm>> -> memref<1x128x128xf32, #tpu.memory_space<hbm>>
    %dma_wait3A_374 = tpu.memref_squeeze %dma_wait3A_373 : memref<1x128x128xf32, #tpu.memory_space<hbm>> -> memref<128x128xf32, #tpu.memory_space<hbm>>
    %dma_wait3A_375 = arith.constant 0 : i32
    %dma_wait3A_376 = tpu.memref_slice %arg7[%add3A_368, %dma_wait3A_375] : memref<10240x128xf32, #tpu.memory_space<vmem_shared>> -> memref<128x128xf32, #tpu.memory_space<vmem_shared>>
    tpu.wait_dma2 semaphore(%dma_wait3A_371 : memref<!tpu.dma_semaphore, #tpu.memory_space<semaphore_mem>>) src(%dma_wait3A_376 : memref<128x128xf32, #tpu.memory_space<vmem_shared>>) dst(%dma_wait3A_374 : memref<128x128xf32, #tpu.memory_space<hbm>>)
    %mul3A_377 = arith.constant 640 : i32
    %mul3A_378 = arith.muli %arg1, %mul3A_377 : i32
    %add3A_379 = arith.constant 384 : i32
    %add3A_380 = arith.addi %mul3A_378, %add3A_379 : i32
    %dma_wait3A_381 = arith.constant 3 : i32
    %dma_wait3A_382 = tpu.memref_slice %arg11[%dma_wait3A_381] : memref<5x!tpu.dma_semaphore, #tpu.memory_space<semaphore_mem>> -> memref<1x!tpu.dma_semaphore, #tpu.memory_space<semaphore_mem>>
    %dma_wait3A_383 = tpu.memref_squeeze %dma_wait3A_382 : memref<1x!tpu.dma_semaphore, #tpu.memory_space<semaphore_mem>> -> memref<!tpu.dma_semaphore, #tpu.memory_space<semaphore_mem>>
    %dma_wait3A_384 = arith.constant 0 : i32
    %dma_wait3A_385 = tpu.memref_slice %arg4[%arg0, %add3A_380, %dma_wait3A_384] : memref<2x10240x128xf32, #tpu.memory_space<hbm>> -> memref<1x128x128xf32, #tpu.memory_space<hbm>>
    %dma_wait3A_386 = tpu.memref_squeeze %dma_wait3A_385 : memref<1x128x128xf32, #tpu.memory_space<hbm>> -> memref<128x128xf32, #tpu.memory_space<hbm>>
    %dma_wait3A_387 = arith.constant 0 : i32
    %dma_wait3A_388 = tpu.memref_slice %arg7[%add3A_380, %dma_wait3A_387] : memref<10240x128xf32, #tpu.memory_space<vmem_shared>> -> memref<128x128xf32, #tpu.memory_space<vmem_shared>>
    tpu.wait_dma2 semaphore(%dma_wait3A_383 : memref<!tpu.dma_semaphore, #tpu.memory_space<semaphore_mem>>) src(%dma_wait3A_388 : memref<128x128xf32, #tpu.memory_space<vmem_shared>>) dst(%dma_wait3A_386 : memref<128x128xf32, #tpu.memory_space<hbm>>)
    %mul3A_389 = arith.constant 640 : i32
    %mul3A_390 = arith.muli %arg1, %mul3A_389 : i32
    %add3A_391 = arith.constant 512 : i32
    %add3A_392 = arith.addi %mul3A_390, %add3A_391 : i32
    %dma_wait3A_393 = arith.constant 4 : i32
    %dma_wait3A_394 = tpu.memref_slice %arg11[%dma_wait3A_393] : memref<5x!tpu.dma_semaphore, #tpu.memory_space<semaphore_mem>> -> memref<1x!tpu.dma_semaphore, #tpu.memory_space<semaphore_mem>>
    %dma_wait3A_395 = tpu.memref_squeeze %dma_wait3A_394 : memref<1x!tpu.dma_semaphore, #tpu.memory_space<semaphore_mem>> -> memref<!tpu.dma_semaphore, #tpu.memory_space<semaphore_mem>>
    %dma_wait3A_396 = arith.constant 0 : i32
    %dma_wait3A_397 = tpu.memref_slice %arg4[%arg0, %add3A_392, %dma_wait3A_396] : memref<2x10240x128xf32, #tpu.memory_space<hbm>> -> memref<1x128x128xf32, #tpu.memory_space<hbm>>
    %dma_wait3A_398 = tpu.memref_squeeze %dma_wait3A_397 : memref<1x128x128xf32, #tpu.memory_space<hbm>> -> memref<128x128xf32, #tpu.memory_space<hbm>>
    %dma_wait3A_399 = arith.constant 0 : i32
    %dma_wait3A_400 = tpu.memref_slice %arg7[%add3A_392, %dma_wait3A_399] : memref<10240x128xf32, #tpu.memory_space<vmem_shared>> -> memref<128x128xf32, #tpu.memory_space<vmem_shared>>
    tpu.wait_dma2 semaphore(%dma_wait3A_395 : memref<!tpu.dma_semaphore, #tpu.memory_space<semaphore_mem>>) src(%dma_wait3A_400 : memref<128x128xf32, #tpu.memory_space<vmem_shared>>) dst(%dma_wait3A_398 : memref<128x128xf32, #tpu.memory_space<hbm>>)
    return
  }
}

module attributes {stable_mosaic.version = 14 : i64} {
  func.func @_tc_a_body(%arg0: i32, %arg1: memref<5000x128xf32, #tpu.memory_space<vmem>>, %arg2: memref<128x128xf32, #tpu.memory_space<vmem>>, %arg3: memref<2x5000x1xf32, #tpu.memory_space<vmem>>, %arg4: memref<5000x128xf32, #tpu.memory_space<vmem>>) attributes {dimension_semantics = [#tpu.dimension_semantics<arbitrary>], iteration_bounds = array<i64: 2>, scalar_prefetch = 0 : i64, scratch_operands = 0 : i64, tpu.core_type = #tpu.core_type<tc>, window_params = [{transform_indices = @transform_0, window_bounds = array<i64: 5000, 128>}, {pipeline_mode = #tpu.pipeline_mode<synchronous>, transform_indices = @transform_1, window_bounds = array<i64: 128, 128>}, {transform_indices = @transform_2, window_bounds = array<i64: 2, 5000, 1>}, {transform_indices = @transform_3, window_bounds = array<i64: 5000, 128>}]} {
    %get3A = arith.constant 0 : index
    %get3A_0 = arith.constant 0 : index
    %get3A_1 = arith.constant 0 : index
    %get3A_2 = vector.load %arg3[%get3A, %get3A_0, %get3A_1] : memref<2x5000x1xf32, #tpu.memory_space<vmem>>, vector<2x5000x1xf32>
    %slice3A = vector.extract_strided_slice %get3A_2 {offsets = [0, 0, 0], sizes = [1, 5000, 1], strides = [1, 1, 1]} : vector<2x5000x1xf32> to vector<1x5000x1xf32>
    %squeeze3A = vector.shape_cast %slice3A : vector<1x5000x1xf32> to vector<5000x1xf32>
    %slice3A_3 = vector.extract_strided_slice %get3A_2 {offsets = [1, 0, 0], sizes = [1, 5000, 1], strides = [1, 1, 1]} : vector<2x5000x1xf32> to vector<1x5000x1xf32>
    %squeeze3A_4 = vector.shape_cast %slice3A_3 : vector<1x5000x1xf32> to vector<5000x1xf32>
    %add3A = arith.addf %squeeze3A, %squeeze3A_4 : vector<5000x1xf32>
    %add3A_5 = arith.constant 1.000000e+00 : f32
    %add3A_6 = vector.broadcast %add3A_5 : f32 to vector<5000x1xf32>
    %add3A_7 = arith.addf %add3A, %add3A_6 : vector<5000x1xf32>
    %rsqrt3A = math.rsqrt %add3A_7 : vector<5000x1xf32>
    %get3A_8 = arith.constant 0 : index
    %get3A_9 = arith.constant 0 : index
    %get3A_10 = vector.load %arg1[%get3A_8, %get3A_9] : memref<5000x128xf32, #tpu.memory_space<vmem>>, vector<5000x128xf32>
    %get3A_11 = arith.constant 0 : index
    %get3A_12 = arith.constant 0 : index
    %get3A_13 = vector.load %arg2[%get3A_11, %get3A_12] : memref<128x128xf32, #tpu.memory_space<vmem>>, vector<128x128xf32>
    %dot_general3A = arith.constant dense<0.000000e+00> : vector<5000x128xf32>
    %dot_general3A_14 = tpu.matmul %get3A_10, %get3A_13, %dot_general3A {dimension_numbers = #tpu.dot_dimension_numbers<[1], [0], [0], [1], [0, 0, 1, 1], [], []>, transpose_lhs_hint = false} : vector<5000x128xf32>, vector<128x128xf32>, vector<5000x128xf32> -> vector<5000x128xf32>
    %mul3A = vector.broadcast %rsqrt3A : vector<5000x1xf32> to vector<5000x128xf32>
    %mul3A_15 = arith.mulf %dot_general3A_14, %mul3A : vector<5000x128xf32>
    %swap3A = arith.constant 0 : index
    %swap3A_16 = arith.constant 0 : index
    %swap3A_17 = vector.load %arg4[%swap3A, %swap3A_16] : memref<5000x128xf32, #tpu.memory_space<vmem>>, vector<5000x128xf32>
    tpu.vector_store %arg4[%swap3A, %swap3A_16], %mul3A_15 {strides = array<i32>} : memref<5000x128xf32, #tpu.memory_space<vmem>>, vector<5000x128xf32>,
    return
  }
  func.func @transform_0(%arg0: i32) -> (i32, i32) {
    %c0_i32 = arith.constant 0 : i32
    %c0_i32_0 = arith.constant 0 : i32
    return %arg0, %c0_i32 : i32, i32
  }
  func.func @transform_1(%arg0: i32) -> (i32, i32) {
    %c0_i32 = arith.constant 0 : i32
    %c0_i32_0 = arith.constant 0 : i32
    %c0_i32_1 = arith.constant 0 : i32
    return %c0_i32, %c0_i32_0 : i32, i32
  }
  func.func @transform_2(%arg0: i32) -> (i32, i32, i32) {
    %c0_i32 = arith.constant 0 : i32
    %c0_i32_0 = arith.constant 0 : i32
    %c0_i32_1 = arith.constant 0 : i32
    return %c0_i32, %arg0, %c0_i32_0 : i32, i32, i32
  }
  func.func @transform_3(%arg0: i32) -> (i32, i32) {
    %c0_i32 = arith.constant 0 : i32
    %c0_i32_0 = arith.constant 0 : i32
    return %arg0, %c0_i32 : i32, i32
  }
}

module attributes {stable_mosaic.version = 14 : i64} {
  func.func @_tc_b_body(%arg0: i32, %arg1: memref<2x5000x128xf32, #tpu.memory_space<vmem>>, %arg2: memref<5000x128xf32, #tpu.memory_space<vmem>>, %arg3: memref<2x5000x1xf32, #tpu.memory_space<vmem>>, %arg4: memref<1x128xf32, #tpu.memory_space<vmem>>, %arg5: memref<128x128xf32, #tpu.memory_space<vmem>>, %arg6: memref<5000x128xf32, #tpu.memory_space<vmem>>) attributes {dimension_semantics = [#tpu.dimension_semantics<arbitrary>], iteration_bounds = array<i64: 2>, scalar_prefetch = 0 : i64, scratch_operands = 0 : i64, tpu.core_type = #tpu.core_type<tc>, window_params = [{transform_indices = @transform_0, window_bounds = array<i64: 2, 5000, 128>}, {transform_indices = @transform_1, window_bounds = array<i64: 5000, 128>}, {transform_indices = @transform_2, window_bounds = array<i64: 2, 5000, 1>}, {pipeline_mode = #tpu.pipeline_mode<synchronous>, transform_indices = @transform_3, window_bounds = array<i64: 1, 128>}, {pipeline_mode = #tpu.pipeline_mode<synchronous>, transform_indices = @transform_4, window_bounds = array<i64: 128, 128>}, {transform_indices = @transform_5, window_bounds = array<i64: 5000, 128>}]} {
    %get3A = arith.constant 0 : index
    %get3A_0 = arith.constant 0 : index
    %get3A_1 = arith.constant 0 : index
    %get3A_2 = vector.load %arg3[%get3A, %get3A_0, %get3A_1] : memref<2x5000x1xf32, #tpu.memory_space<vmem>>, vector<2x5000x1xf32>
    %slice3A = vector.extract_strided_slice %get3A_2 {offsets = [0, 0, 0], sizes = [1, 5000, 1], strides = [1, 1, 1]} : vector<2x5000x1xf32> to vector<1x5000x1xf32>
    %squeeze3A = vector.shape_cast %slice3A : vector<1x5000x1xf32> to vector<5000x1xf32>
    %slice3A_3 = vector.extract_strided_slice %get3A_2 {offsets = [1, 0, 0], sizes = [1, 5000, 1], strides = [1, 1, 1]} : vector<2x5000x1xf32> to vector<1x5000x1xf32>
    %squeeze3A_4 = vector.shape_cast %slice3A_3 : vector<1x5000x1xf32> to vector<5000x1xf32>
    %add3A = arith.addf %squeeze3A, %squeeze3A_4 : vector<5000x1xf32>
    %add3A_5 = arith.constant 1.000000e+00 : f32
    %add3A_6 = vector.broadcast %add3A_5 : f32 to vector<5000x1xf32>
    %add3A_7 = arith.addf %add3A, %add3A_6 : vector<5000x1xf32>
    %rsqrt3A = math.rsqrt %add3A_7 : vector<5000x1xf32>
    %get3A_8 = arith.constant 0 : index
    %get3A_9 = arith.constant 0 : index
    %get3A_10 = arith.constant 0 : index
    %get3A_11 = vector.load %arg1[%get3A_8, %get3A_9, %get3A_10] : memref<2x5000x128xf32, #tpu.memory_space<vmem>>, vector<2x5000x128xf32>
    %slice3A_12 = vector.extract_strided_slice %get3A_11 {offsets = [0, 0, 0], sizes = [1, 5000, 128], strides = [1, 1, 1]} : vector<2x5000x128xf32> to vector<1x5000x128xf32>
    %squeeze3A_13 = vector.shape_cast %slice3A_12 : vector<1x5000x128xf32> to vector<5000x128xf32>
    %slice3A_14 = vector.extract_strided_slice %get3A_11 {offsets = [1, 0, 0], sizes = [1, 5000, 128], strides = [1, 1, 1]} : vector<2x5000x128xf32> to vector<1x5000x128xf32>
    %squeeze3A_15 = vector.shape_cast %slice3A_14 : vector<1x5000x128xf32> to vector<5000x128xf32>
    %add3A_16 = arith.addf %squeeze3A_13, %squeeze3A_15 : vector<5000x128xf32>
    %get3A_17 = arith.constant 0 : index
    %get3A_18 = arith.constant 0 : index
    %get3A_19 = vector.load %arg2[%get3A_17, %get3A_18] : memref<5000x128xf32, #tpu.memory_space<vmem>>, vector<5000x128xf32>
    %add3A_20 = arith.addf %add3A_16, %get3A_19 : vector<5000x128xf32>
    %mul3A = vector.broadcast %rsqrt3A : vector<5000x1xf32> to vector<5000x128xf32>
    %mul3A_21 = arith.mulf %add3A_20, %mul3A : vector<5000x128xf32>
    %get3A_22 = arith.constant 0 : index
    %get3A_23 = arith.constant 0 : index
    %get3A_24 = vector.load %arg4[%get3A_22, %get3A_23] : memref<1x128xf32, #tpu.memory_space<vmem>>, vector<1x128xf32>
    %add3A_25 = vector.broadcast %get3A_24 : vector<1x128xf32> to vector<5000x128xf32>
    %add3A_26 = arith.addf %mul3A_21, %add3A_25 : vector<5000x128xf32>
    %max3A = arith.constant 0.000000e+00 : f32
    %max3A_27 = vector.broadcast %max3A : f32 to vector<5000x128xf32>
    %max3A_28 = arith.maximumf %add3A_26, %max3A_27 : vector<5000x128xf32>
    %get3A_29 = arith.constant 0 : index
    %get3A_30 = arith.constant 0 : index
    %get3A_31 = vector.load %arg5[%get3A_29, %get3A_30] : memref<128x128xf32, #tpu.memory_space<vmem>>, vector<128x128xf32>
    %dot_general3A = arith.constant dense<0.000000e+00> : vector<5000x128xf32>
    %dot_general3A_32 = tpu.matmul %max3A_28, %get3A_31, %dot_general3A {dimension_numbers = #tpu.dot_dimension_numbers<[1], [0], [0], [1], [0, 0, 1, 1], [], []>, transpose_lhs_hint = false} : vector<5000x128xf32>, vector<128x128xf32>, vector<5000x128xf32> -> vector<5000x128xf32>
    %mul3A_33 = vector.broadcast %rsqrt3A : vector<5000x1xf32> to vector<5000x128xf32>
    %mul3A_34 = arith.mulf %dot_general3A_32, %mul3A_33 : vector<5000x128xf32>
    %swap3A = arith.constant 0 : index
    %swap3A_35 = arith.constant 0 : index
    %swap3A_36 = vector.load %arg6[%swap3A, %swap3A_35] : memref<5000x128xf32, #tpu.memory_space<vmem>>, vector<5000x128xf32>
    tpu.vector_store %arg6[%swap3A, %swap3A_35], %mul3A_34 {strides = array<i32>} : memref<5000x128xf32, #tpu.memory_space<vmem>>, vector<5000x128xf32>,
    return
  }
  func.func @transform_0(%arg0: i32) -> (i32, i32, i32) {
    %c0_i32 = arith.constant 0 : i32
    %c0_i32_0 = arith.constant 0 : i32
    %c0_i32_1 = arith.constant 0 : i32
    return %c0_i32, %arg0, %c0_i32_0 : i32, i32, i32
  }
  func.func @transform_1(%arg0: i32) -> (i32, i32) {
    %c0_i32 = arith.constant 0 : i32
    %c0_i32_0 = arith.constant 0 : i32
    return %arg0, %c0_i32 : i32, i32
  }
  func.func @transform_2(%arg0: i32) -> (i32, i32, i32) {
    %c0_i32 = arith.constant 0 : i32
    %c0_i32_0 = arith.constant 0 : i32
    %c0_i32_1 = arith.constant 0 : i32
    return %c0_i32, %arg0, %c0_i32_0 : i32, i32, i32
  }
  func.func @transform_3(%arg0: i32) -> (i32, i32) {
    %c0_i32 = arith.constant 0 : i32
    %c0_i32_0 = arith.constant 0 : i32
    %c0_i32_1 = arith.constant 0 : i32
    return %c0_i32, %c0_i32_0 : i32, i32
  }
  func.func @transform_4(%arg0: i32) -> (i32, i32) {
    %c0_i32 = arith.constant 0 : i32
    %c0_i32_0 = arith.constant 0 : i32
    %c0_i32_1 = arith.constant 0 : i32
    return %c0_i32, %c0_i32_0 : i32, i32
  }
  func.func @transform_5(%arg0: i32) -> (i32, i32) {
    %c0_i32 = arith.constant 0 : i32
    %c0_i32_0 = arith.constant 0 : i32
    return %arg0, %c0_i32 : i32, i32
  }
}

module attributes {stable_mosaic.version = 14 : i64} {
  func.func @_tc_c_body(%arg0: i32, %arg1: memref<2x5000x128xf32, #tpu.memory_space<vmem>>, %arg2: memref<5000x128xf32, #tpu.memory_space<vmem>>, %arg3: memref<2x5000x1xf32, #tpu.memory_space<vmem>>, %arg4: memref<1x128xf32, #tpu.memory_space<vmem>>, %arg5: memref<1x1x5000xi32, #tpu.memory_space<vmem>>, %arg6: memref<128x10xf32, #tpu.memory_space<vmem>>, %arg7: memref<1x10xf32, #tpu.memory_space<vmem>>, %arg8: memref<64x10xf32, #tpu.memory_space<vmem>>, %arg9: memref<64x128xf32, #tpu.memory_space<vmem>>, %arg10: memref<64x128xf32, #tpu.memory_space<vmem>>) attributes {dimension_semantics = [#tpu.dimension_semantics<arbitrary>], iteration_bounds = array<i64: 2>, scalar_prefetch = 0 : i64, scratch_operands = 2 : i64, tpu.core_type = #tpu.core_type<tc>, window_params = [{transform_indices = @transform_0, window_bounds = array<i64: 2, 5000, 128>}, {transform_indices = @transform_1, window_bounds = array<i64: 5000, 128>}, {transform_indices = @transform_2, window_bounds = array<i64: 2, 5000, 1>}, {pipeline_mode = #tpu.pipeline_mode<synchronous>, transform_indices = @transform_3, window_bounds = array<i64: 1, 128>}, {transform_indices = @transform_4, window_bounds = array<i64: 1, 1, 5000>}, {pipeline_mode = #tpu.pipeline_mode<synchronous>, transform_indices = @transform_5, window_bounds = array<i64: 128, 10>}, {pipeline_mode = #tpu.pipeline_mode<synchronous>, transform_indices = @transform_6, window_bounds = array<i64: 1, 10>}, {pipeline_mode = #tpu.pipeline_mode<synchronous>, transform_indices = @transform_7, window_bounds = array<i64: 64, 10>}]} {
    %eq3A = arith.constant 0 : i32
    %eq3A_0 = arith.cmpi eq, %arg0, %eq3A : i32
    %convert_element_type3A = arith.extui %eq3A_0 : i1 to i32
    %cond3A = arith.constant 0 : i32
    %cond3A_1 = arith.cmpi ne, %convert_element_type3A, %cond3A : i32
    scf.if %cond3A_1 {
      %broadcast_in_dim3A_60 = arith.constant 0.000000e+00 : f32
      %broadcast_in_dim3A_61 = vector.broadcast %broadcast_in_dim3A_60 : f32 to vector<64x128xf32>
      %swap3A_62 = arith.constant 0 : index
      %swap3A_63 = arith.constant 0 : index
      %swap3A_64 = vector.load %arg9[%swap3A_62, %swap3A_63] : memref<64x128xf32, #tpu.memory_space<vmem>>, vector<64x128xf32>
      tpu.vector_store %arg9[%swap3A_62, %swap3A_63], %broadcast_in_dim3A_61 {strides = array<i32>} : memref<64x128xf32, #tpu.memory_space<vmem>>, vector<64x128xf32>,
      %broadcast_in_dim3A_65 = arith.constant 0.000000e+00 : f32
      %broadcast_in_dim3A_66 = vector.broadcast %broadcast_in_dim3A_65 : f32 to vector<64x128xf32>
      %swap3A_67 = arith.constant 0 : index
      %swap3A_68 = arith.constant 0 : index
      %swap3A_69 = vector.load %arg10[%swap3A_67, %swap3A_68] : memref<64x128xf32, #tpu.memory_space<vmem>>, vector<64x128xf32>
      tpu.vector_store %arg10[%swap3A_67, %swap3A_68], %broadcast_in_dim3A_66 {strides = array<i32>} : memref<64x128xf32, #tpu.memory_space<vmem>>, vector<64x128xf32>,
    } else {
    }
    %get3A = arith.constant 0 : index
    %get3A_2 = arith.constant 0 : index
    %get3A_3 = arith.constant 0 : index
    %get3A_4 = vector.load %arg3[%get3A, %get3A_2, %get3A_3] : memref<2x5000x1xf32, #tpu.memory_space<vmem>>, vector<2x5000x1xf32>
    %slice3A = vector.extract_strided_slice %get3A_4 {offsets = [0, 0, 0], sizes = [1, 5000, 1], strides = [1, 1, 1]} : vector<2x5000x1xf32> to vector<1x5000x1xf32>
    %squeeze3A = vector.shape_cast %slice3A : vector<1x5000x1xf32> to vector<5000x1xf32>
    %slice3A_5 = vector.extract_strided_slice %get3A_4 {offsets = [1, 0, 0], sizes = [1, 5000, 1], strides = [1, 1, 1]} : vector<2x5000x1xf32> to vector<1x5000x1xf32>
    %squeeze3A_6 = vector.shape_cast %slice3A_5 : vector<1x5000x1xf32> to vector<5000x1xf32>
    %add3A = arith.addf %squeeze3A, %squeeze3A_6 : vector<5000x1xf32>
    %add3A_7 = arith.constant 1.000000e+00 : f32
    %add3A_8 = vector.broadcast %add3A_7 : f32 to vector<5000x1xf32>
    %add3A_9 = arith.addf %add3A, %add3A_8 : vector<5000x1xf32>
    %rsqrt3A = math.rsqrt %add3A_9 : vector<5000x1xf32>
    %get3A_10 = arith.constant 0 : index
    %get3A_11 = arith.constant 0 : index
    %get3A_12 = arith.constant 0 : index
    %get3A_13 = vector.load %arg1[%get3A_10, %get3A_11, %get3A_12] : memref<2x5000x128xf32, #tpu.memory_space<vmem>>, vector<2x5000x128xf32>
    %slice3A_14 = vector.extract_strided_slice %get3A_13 {offsets = [0, 0, 0], sizes = [1, 5000, 128], strides = [1, 1, 1]} : vector<2x5000x128xf32> to vector<1x5000x128xf32>
    %squeeze3A_15 = vector.shape_cast %slice3A_14 : vector<1x5000x128xf32> to vector<5000x128xf32>
    %slice3A_16 = vector.extract_strided_slice %get3A_13 {offsets = [1, 0, 0], sizes = [1, 5000, 128], strides = [1, 1, 1]} : vector<2x5000x128xf32> to vector<1x5000x128xf32>
    %squeeze3A_17 = vector.shape_cast %slice3A_16 : vector<1x5000x128xf32> to vector<5000x128xf32>
    %add3A_18 = arith.addf %squeeze3A_15, %squeeze3A_17 : vector<5000x128xf32>
    %get3A_19 = arith.constant 0 : index
    %get3A_20 = arith.constant 0 : index
    %get3A_21 = vector.load %arg2[%get3A_19, %get3A_20] : memref<5000x128xf32, #tpu.memory_space<vmem>>, vector<5000x128xf32>
    %add3A_22 = arith.addf %add3A_18, %get3A_21 : vector<5000x128xf32>
    %mul3A = vector.broadcast %rsqrt3A : vector<5000x1xf32> to vector<5000x128xf32>
    %mul3A_23 = arith.mulf %add3A_22, %mul3A : vector<5000x128xf32>
    %get3A_24 = arith.constant 0 : index
    %get3A_25 = arith.constant 0 : index
    %get3A_26 = vector.load %arg4[%get3A_24, %get3A_25] : memref<1x128xf32, #tpu.memory_space<vmem>>, vector<1x128xf32>
    %add3A_27 = vector.broadcast %get3A_26 : vector<1x128xf32> to vector<5000x128xf32>
    %add3A_28 = arith.addf %mul3A_23, %add3A_27 : vector<5000x128xf32>
    %get3A_29 = arith.constant 0 : index
    %get3A_30 = arith.constant 0 : index
    %get3A_31 = arith.constant 0 : index
    %get3A_32 = vector.load %arg5[%get3A_29, %get3A_30, %get3A_31] : memref<1x1x5000xi32, #tpu.memory_space<vmem>>, vector<1x1x5000xi32>
    %get3A_33 = vector.shape_cast %get3A_32 : vector<1x1x5000xi32> to vector<1x5000xi32>
    %iota3A = tpu.iota {dimensions = array<i32: 0>} : vector<64x5000xi32>
    %eq3A_34 = vector.broadcast %get3A_33 : vector<1x5000xi32> to vector<64x5000xi32>
    %eq3A_35 = arith.cmpi eq, %iota3A, %eq3A_34 : vector<64x5000xi32>
    %convert_element_type3A_36 = arith.extui %eq3A_35 : vector<64x5000xi1> to vector<64x5000xi32>
    %convert_element_type3A_37 = arith.sitofp %convert_element_type3A_36 : vector<64x5000xi32> to vector<64x5000xf32>
    %get3A_38 = arith.constant 0 : index
    %get3A_39 = arith.constant 0 : index
    %get3A_40 = vector.load %arg9[%get3A_38, %get3A_39] : memref<64x128xf32, #tpu.memory_space<vmem>>, vector<64x128xf32>
    %dot_general3A = arith.constant dense<0.000000e+00> : vector<64x128xf32>
    %dot_general3A_41 = tpu.matmul %convert_element_type3A_37, %add3A_28, %dot_general3A {dimension_numbers = #tpu.dot_dimension_numbers<[1], [0], [0], [1], [0, 0, 1, 1], [], []>, transpose_lhs_hint = false} : vector<64x5000xf32>, vector<5000x128xf32>, vector<64x128xf32> -> vector<64x128xf32>
    %add3A_42 = arith.addf %get3A_40, %dot_general3A_41 : vector<64x128xf32>
    %swap3A = arith.constant 0 : index
    %swap3A_43 = arith.constant 0 : index
    %swap3A_44 = vector.load %arg9[%swap3A, %swap3A_43] : memref<64x128xf32, #tpu.memory_space<vmem>>, vector<64x128xf32>
    tpu.vector_store %arg9[%swap3A, %swap3A_43], %add3A_42 {strides = array<i32>} : memref<64x128xf32, #tpu.memory_space<vmem>>, vector<64x128xf32>,
    %get3A_45 = arith.constant 0 : index
    %get3A_46 = arith.constant 0 : index
    %get3A_47 = vector.load %arg10[%get3A_45, %get3A_46] : memref<64x128xf32, #tpu.memory_space<vmem>>, vector<64x128xf32>
    %reduce_sum3A = arith.constant dense<0.000000e+00> : vector<64xf32>
    %reduce_sum3A_48 = vector.multi_reduction <add>, %convert_element_type3A_37, %reduce_sum3A [1] : vector<64x5000xf32> to vector<64xf32>
    %broadcast_in_dim3A = vector.shape_cast %reduce_sum3A_48 : vector<64xf32> to vector<64x1xf32>
    %broadcast_in_dim3A_49 = vector.shape_cast %broadcast_in_dim3A : vector<64x1xf32> to vector<64x1xf32>
    %broadcast_in_dim3A_50 = vector.broadcast %broadcast_in_dim3A_49 : vector<64x1xf32> to vector<64x128xf32>
    %add3A_51 = arith.addf %get3A_47, %broadcast_in_dim3A_50 : vector<64x128xf32>
    %swap3A_52 = arith.constant 0 : index
    %swap3A_53 = arith.constant 0 : index
    %swap3A_54 = vector.load %arg10[%swap3A_52, %swap3A_53] : memref<64x128xf32, #tpu.memory_space<vmem>>, vector<64x128xf32>
    tpu.vector_store %arg10[%swap3A_52, %swap3A_53], %add3A_51 {strides = array<i32>} : memref<64x128xf32, #tpu.memory_space<vmem>>, vector<64x128xf32>,
    %eq3A_55 = arith.constant 1 : i32
    %eq3A_56 = arith.cmpi eq, %arg0, %eq3A_55 : i32
    %convert_element_type3A_57 = arith.extui %eq3A_56 : i1 to i32
    %cond3A_58 = arith.constant 0 : i32
    %cond3A_59 = arith.cmpi ne, %convert_element_type3A_57, %cond3A_58 : i32
    scf.if %cond3A_59 {
      %get3A_60 = arith.constant 0 : index
      %get3A_61 = arith.constant 0 : index
      %get3A_62 = vector.load %arg9[%get3A_60, %get3A_61] : memref<64x128xf32, #tpu.memory_space<vmem>>, vector<64x128xf32>
      %get3A_63 = arith.constant 0 : index
      %get3A_64 = arith.constant 0 : index
      %get3A_65 = vector.load %arg10[%get3A_63, %get3A_64] : memref<64x128xf32, #tpu.memory_space<vmem>>, vector<64x128xf32>
      %max3A = arith.constant 1.000000e+00 : f32
      %max3A_66 = vector.broadcast %max3A : f32 to vector<64x128xf32>
      %max3A_67 = arith.maximumf %get3A_65, %max3A_66 : vector<64x128xf32>
      %div3A = arith.divf %get3A_62, %max3A_67 : vector<64x128xf32>
      %get3A_68 = arith.constant 0 : index
      %get3A_69 = arith.constant 0 : index
      %get3A_70 = vector.load %arg6[%get3A_68, %get3A_69] : memref<128x10xf32, #tpu.memory_space<vmem>>, vector<128x10xf32>
      %dot_general3A_71 = arith.constant dense<0.000000e+00> : vector<64x10xf32>
      %dot_general3A_72 = tpu.matmul %div3A, %get3A_70, %dot_general3A_71 {dimension_numbers = #tpu.dot_dimension_numbers<[1], [0], [0], [1], [0, 0, 1, 1], [], []>, transpose_lhs_hint = false} : vector<64x128xf32>, vector<128x10xf32>, vector<64x10xf32> -> vector<64x10xf32>
      %get3A_73 = arith.constant 0 : index
      %get3A_74 = arith.constant 0 : index
      %get3A_75 = vector.load %arg7[%get3A_73, %get3A_74] : memref<1x10xf32, #tpu.memory_space<vmem>>, vector<1x10xf32>
      %add3A_76 = vector.broadcast %get3A_75 : vector<1x10xf32> to vector<64x10xf32>
      %add3A_77 = arith.addf %dot_general3A_72, %add3A_76 : vector<64x10xf32>
      %swap3A_78 = arith.constant 0 : index
      %swap3A_79 = arith.constant 0 : index
      %swap3A_80 = vector.load %arg8[%swap3A_78, %swap3A_79] : memref<64x10xf32, #tpu.memory_space<vmem>>, vector<64x10xf32>
      tpu.vector_store %arg8[%swap3A_78, %swap3A_79], %add3A_77 {strides = array<i32>} : memref<64x10xf32, #tpu.memory_space<vmem>>, vector<64x10xf32>,
    } else {
    }
    return
  }
  func.func @transform_0(%arg0: i32) -> (i32, i32, i32) {
    %c0_i32 = arith.constant 0 : i32
    %c0_i32_0 = arith.constant 0 : i32
    %c0_i32_1 = arith.constant 0 : i32
    return %c0_i32, %arg0, %c0_i32_0 : i32, i32, i32
  }
  func.func @transform_1(%arg0: i32) -> (i32, i32) {
    %c0_i32 = arith.constant 0 : i32
    %c0_i32_0 = arith.constant 0 : i32
    return %arg0, %c0_i32 : i32, i32
  }
  func.func @transform_2(%arg0: i32) -> (i32, i32, i32) {
    %c0_i32 = arith.constant 0 : i32
    %c0_i32_0 = arith.constant 0 : i32
    %c0_i32_1 = arith.constant 0 : i32
    return %c0_i32, %arg0, %c0_i32_0 : i32, i32, i32
  }
  func.func @transform_3(%arg0: i32) -> (i32, i32) {
    %c0_i32 = arith.constant 0 : i32
    %c0_i32_0 = arith.constant 0 : i32
    %c0_i32_1 = arith.constant 0 : i32
    return %c0_i32, %c0_i32_0 : i32, i32
  }
  func.func @transform_4(%arg0: i32) -> (i32, i32, i32) {
    %c0_i32 = arith.constant 0 : i32
    %c0_i32_0 = arith.constant 0 : i32
    %c0_i32_1 = arith.constant 0 : i32
    return %arg0, %c0_i32, %c0_i32_0 : i32, i32, i32
  }
  func.func @transform_5(%arg0: i32) -> (i32, i32) {
    %c0_i32 = arith.constant 0 : i32
    %c0_i32_0 = arith.constant 0 : i32
    %c0_i32_1 = arith.constant 0 : i32
    return %c0_i32, %c0_i32_0 : i32, i32
  }
  func.func @transform_6(%arg0: i32) -> (i32, i32) {
    %c0_i32 = arith.constant 0 : i32
    %c0_i32_0 = arith.constant 0 : i32
    %c0_i32_1 = arith.constant 0 : i32
    return %c0_i32, %c0_i32_0 : i32, i32
  }
  func.func @transform_7(%arg0: i32) -> (i32, i32) {
    %c0_i32 = arith.constant 0 : i32
    %c0_i32_0 = arith.constant 0 : i32
    %c0_i32_1 = arith.constant 0 : i32
    return %c0_i32, %c0_i32_0 : i32, i32
  }
}

</mosaic_0001>

<sc_bundles>
// kernel: kernel.11.cloned.1.call-start
scs
__scs_entry_jumppad:
0x0: {  	(pc) =	sbr.rel $0x88, $3  }
0x1: {  	(tag) =	ssettag $0x0;
	lr =	simm.s32 $0x1  }
0x2: {  	[smem:$0x3F98] =	sst lr;
	_ =	strace $0xD0000000  }
0x3: {  	_ = 	snop  }
0x4: {  	_ = 	snop  }
0x5: {  	_ = 	snop  }
0x6: {  	_ = 	snop  }
0x7: {  	_ = 	snop  }
__scs_overlays_trampoline_lowered:
0x8: {  	[smem:$0x3FA7] =	sst s0  }
0x9: {  	[smem:$0x3FA8] =	sst s1  }
0xa: {  	[smem:$0x3FA9] =	sst s2  }
0xb: {  	[smem:$0x3FAA] =	sst s3  }
0xc: {  	[smem:$0x3FAB] =	sst s4  }
0xd: {  	[smem:$0x3FAC] =	sst s5  }
0xe: {  	[smem:$0x3FAD] =	sst s6  }
0xf: {  	[smem:$0x3FAE] =	sst s7  }
0x10: {  	[smem:$0x3FAF] =	sst s8  }
0x11: {  	[smem:$0x3FB0] =	sst s9;
	s0 =	simm.s32 @!p0 $0x0  }
0x12: {  	s1 =	sld [smem:$0x3F96];
	s0 =	simm.s32 @p0 $0x1  }
0x13: {  	[smem:$0x3FB1] =	sst s0;
	s0 =	simm.s32 @!p1 $0x0  }
0x14: {  	s2 =	sld [smem:$0x3F95];
	s0 =	simm.s32 @p1 $0x1  }
0x15: {  	[smem:$0x3FB2] =	sst s0;
	s0 =	simm.s32 @!p2 $0x0  }
0x16: {  	s3 =	sld [smem:$0x3FDB];
	s0 =	simm.s32 @p2 $0x1  }
0x17: {  	s4 =	simm.s32 $0x1BF5;
	[smem:$0x3FB4] =	sst s0  }
0x18: {  	s0 =	sld [smem:$0x3F97];
	_ =	swait.ge [sflag:s4], $0x0  }
0x19: {  	s7 =	sld [smem:$0x3F98]  }
0x1a: {  	s8 =	sadd.s32 $0xFFFFE003, lr  }
0x1b: {  	s9 =	sadd.s32 $0xFFFFFEF7, lr;
	s5 =	simm.s32 $0xFFFFFFFF;
	p2 =	slt.u32 s8, $0xFFFFF086  }
0x1c: {  	p1 =	slt.u32 s9, $0xF7A;
	s5 =	simm.s32 @!p2 $0x0  }
0x1d: {  	s5 =	simm.s32 @p1 $0x1;
	p0 =	seq.s32 s7, s2  }
0x1e: {  	s7 =	smul.u32 @!p0 $0xF7A, s2;
	p2 =	seq.s32 @!p0 s5, $0x0  }
0x1f: {  	s9 =	smul.u32 $0xF7A, s1;
	s8 =	simm.s32 @!p0 $0x1BF5;
	p2 =	por !p2, p0  }
0x20: {  	[sflag:s8] =	ssyncset.s32 @!p0 $0xFFFFF086;
	s6 =	sadd.s32 @!p0 s3, s7;
	s7 =	simm.s32 @!p0 $0x108  }
0x21: {  	s3 =	sadd.s32 s3, s9;
	s6 =	sadd.s32 @!p0 $0x88, s6;
	s7 =	simm.s32 @p2 $0x1082  }
0x22: {  	[simem:s7], [sflag:s8] =	dma.local @!p0 [hbm:s6], $0xF7A  }
0x23: {  	s9 =	sor.u32 $0xD0000000, s2;
	s6 =	simm.s32 $0x108;
	_ =	swait.ge @!p0 [sflag:s8], $0x0  }
0x24: {  	s3 =	sadd.s32 $0x88, s3;
	s6 =	simm.s32 @!p1 $0x1082;
	[sflag:s4] =	ssyncset.s32 $0xFFFFF086  }
0x25: {  	[simem:s6], [sflag:s4] =	dma.local [hbm:s3], $0xF7A  }
0x26: {  	[smem:$0x3F98] =	sst s1;
	(tag) =	ssettag s2;
	_ =	strace s9  }
0x27: {  	s1 =	sld [smem:$0x3FA8]  }
0x28: {  	s2 =	sld [smem:$0x3FA9]  }
0x29: {  	s4 =	sld [smem:$0x3FAB]  }
0x2a: {  	p0 =	seq.s32 s5, $0x0;
	s5 =	sld [smem:$0x3FAC]  }
0x2b: {  	s6 =	sld [smem:$0x3FAD]  }
0x2c: {  	s7 =	sld [smem:$0x3FAE]  }
0x2d: {  	s3 =	simm.s32 $0x108;
	s8 =	sld [smem:$0x3FAF]  }
0x2e: {  	s3 =	simm.s32 @!p0 $0x1082;
	s9 =	sld [smem:$0x3FB0]  }
0x2f: {  	lr =	sadd.s32 s0, s3;
	s0 =	sld [smem:$0x3FA7]  }
0x30: {  	s3 =	sld [smem:$0x3FAA]  }
0x31: {  	[smem:$0x3FB3] =	sst s10  }
0x32: {  	s10 =	sld [smem:$0x3FB1];
	_ =	sdelay $0x3  }
0x33: {  	p0 =	seq.s32 s10, $0x1;
	s10 =	sld [smem:$0x3FB3];
	_ =	sdelay $0x3  }
0x34: {  	[smem:$0x3FB3] =	sst s10  }
0x35: {  	s10 =	sld [smem:$0x3FB2];
	_ =	sdelay $0x3  }
0x36: {  	p1 =	seq.s32 s10, $0x1;
	s10 =	sld [smem:$0x3FB3];
	_ =	sdelay $0x3  }
0x37: {  	[smem:$0x3FB3] =	sst s10  }
0x38: {  	s10 =	sld [smem:$0x3FB4]  }
0x39: {  	_ = 	snop;
	(pc) =	sbr.ind lr, $3  }
0x3a: {  	_ = 	snop  }
0x3b: {  	_ = 	snop  }
0x3c: {  	p2 =	seq.s32 s10, $0x1;
	s10 =	sld [smem:$0x3FB3]  }
0x3d: {  	_ =	shalt  }
0x3e: {  	_ =	shalt  }
0x3f: {  	_ =	shalt  }
0x40: {  	_ =	shalt  }
0x41: {  	_ =	shalt  }
0x42: {  	_ =	shalt  }
0x43: {  	_ =	shalt  }
0x44: {  	_ =	shalt  }
0x45: {  	_ =	shalt  }
0x46: {  	_ =	shalt  }
0x47: {  	_ =	shalt  }
0x48: {  	_ =	shalt  }
0x49: {  	_ =	shalt  }
0x4a: {  	_ =	shalt  }
0x4b: {  	_ =	shalt  }
0x4c: {  	_ =	shalt  }
0x4d: {  	_ =	shalt  }
0x4e: {  	_ =	shalt  }
0x4f: {  	_ =	shalt  }
0x50: {  	_ =	shalt  }
0x51: {  	_ =	shalt  }
0x52: {  	_ =	shalt  }
0x53: {  	_ =	shalt  }
0x54: {  	_ =	shalt  }
0x55: {  	_ =	shalt  }
0x56: {  	_ =	shalt  }
0x57: {  	_ =	shalt  }
0x58: {  	_ =	shalt  }
0x59: {  	_ =	shalt  }
0x5a: {  	_ =	shalt  }
0x5b: {  	_ =	shalt  }
0x5c: {  	_ =	shalt  }
0x5d: {  	_ =	shalt  }
0x5e: {  	_ =	shalt  }
0x5f: {  	_ =	shalt  }
0x60: {  	_ =	shalt  }
0x61: {  	_ =	shalt  }
0x62: {  	_ =	shalt  }
0x63: {  	_ =	shalt  }
0x64: {  	_ =	shalt  }
0x65: {  	_ =	shalt  }
0x66: {  	_ =	shalt  }
0x67: {  	_ =	shalt  }
0x68: {  	_ =	shalt  }
0x69: {  	_ =	shalt  }
0x6a: {  	_ =	shalt  }
0x6b: {  	_ =	shalt  }
0x6c: {  	_ =	shalt  }
0x6d: {  	_ =	shalt  }
0x6e: {  	_ =	shalt  }
0x6f: {  	_ =	shalt  }
0x70: {  	_ =	shalt  }
0x71: {  	_ =	shalt  }
0x72: {  	_ =	shalt  }
0x73: {  	_ =	shalt  }
0x74: {  	_ =	shalt  }
0x75: {  	_ =	shalt  }
0x76: {  	_ =	shalt  }
0x77: {  	_ =	shalt  }
0x78: {  	_ =	shalt  }
0x79: {  	_ =	shalt  }
0x7a: {  	_ =	shalt  }
0x7b: {  	_ =	shalt  }
0x7c: {  	_ =	shalt  }
0x7d: {  	_ =	shalt  }
0x7e: {  	_ =	shalt  }
0x7f: {  	_ =	shalt  }
0x80: {  	_ =	shalt  }
0x81: {  	_ =	shalt  }
0x82: {  	_ =	shalt  }
0x83: {  	_ =	shalt  }
0x84: {  	_ =	shalt  }
0x85: {  	_ =	shalt  }
0x86: {  	_ =	shalt  }
0x87: {  	_ =	shalt  }
.Lfunc_end0:
.L_simem_size_0:
called_computation.1_lowered:
.L_overlay_start_0:
0x88: {  	s2 =	sld [smem:$0x3FD9]  }
0x89: {  	s3 =	sld [smem:$0x3FFE];
	_ =	sdelay $0x1  }
0x8a: {  	s1 =	srdreg.scid  }
0x8b: {  	s0 =	sand.u32 $0x1, s1  }
0x8c: {  	s16 =	sshll.u32 s0, $0xA;
	s2 =	sadd.s32 s3, s2  }
0x8d: {  	s2 =	sadd.s32 s2, s16  }
0x8e: {  	[smem:$0x3FBF] =	sst s2  }
0x8f: {  	_ = 	snop  }
0x90: {  	(tm) =	ssettm $0x1  }
0x91: {  	s17 =	sld [smem:$0x3FFB];
	_ =	sdelay $0x3  }
0x92: {  	_ =	strace s17  }
0x93: {  	s2 =	sld [smem:$0x3FFC];
	_ =	sdelay $0x3  }
0x94: {  	_ =	strace s2  }
0x95: {  	s2 =	sld [smem:$0x3FFD];
	_ =	sdelay $0x3  }
0x96: {  	_ =	strace s2  }
0x97: {  	_ =	strace $0x8FFFFFFF  }
0x98: {  	s18 =	sld [smem:$0x3FDB];
	_ =	sdelay $0x1  }
0x99: {  	s19 =	simm.s32 $_scs_section_size  }
0x9a: {  	s4 =	simm.s32 $_size__tile_overlayer_lowered;
	s5 =	simm.s32 $_tile_overlayer_lowered  }
0x9b: {  	s22 =	simm.s32 $0x1BFF;
	s21 =	sshll.u32 s5, $0x1;
	s2 =	sadd.s32 s19, s18  }
0x9c: {  	s6 =	simm.s32 $0x0;
	s20 =	sshll.u32 s4, $0x1;
	s4 =	sadd.s32 s21, s2  }
0x9d: {  	[timem:s6], [sflag:s22] =	dma.local [hbm:s4], s20  }
0x9e: {  	_ =	swait.ge [sflag:s22], s20  }
0x9f: {  	s3 =	ssub.s32 $0x0, s20;
	[sflag:s22] =	ssyncset.done $0x0  }
0xa0: {  	[sflag:s22] =	ssyncadd.s32 s3;
	_ =	sdelay $0x1  }
0xa1: {  	s23 =	simm.s32 $0x1B8B  }
0xa2: {  	_ =	swait.ge [sflag:s23], $0x1  }
0xa3: {  	[sflag:s23] =	ssyncset.done $0x0  }
0xa4: {  	s25 =	simm.s32 $0x1B8E;
	s24 =	sld [smem:$0x3FFE];
	[sflag:s23] =	ssyncadd.s32 $0xFFFFFFFF  }
0xa5: {  	s26 =	simm.s32 $execute0_lowered;
	[smem:$0x3FD2] =	sst s25  }
0xa6: {  	s4 =	sshll.u32 s26, $0x1;
	_ =	strace $0x80000049;
	[dreg:$0x1] =	wrdreg $0xFFFFFFFF  }
0xa7: {  	s28 =	simm.s32 $_size_execute0_lowered;
	s2 =	sadd.s32 s2, s4;
	[dreg:$0x0] =	wrdreg $0x0  }
0xa8: {  	s4 =	sshll.u32 s28, $0x1;
	[dreg:$0x2] =	wrdreg s2  }
0xa9: {  	[dreg:$0x3] =	wrdreg s4  }
0xaa: {  	[dreg:$0x4] =	wrdreg $0xC0  }
0xab: {  	_ =	task [dreg:s6], $0x5FFFF  }
0xac: {  	[dreg:$0x1] =	wrdreg $0xFFFFFFFF  }
0xad: {  	[dreg:$0x0] =	wrdreg $0x60  }
0xae: {  	[dreg:$0x2] =	wrdreg s24  }
0xaf: {  	[dreg:$0x3] =	wrdreg $0x83000  }
0xb0: {  	[dreg:$0x4] =	wrdreg $0x9  }
0xb1: {  	_ =	task.clear_ibuf [dreg:s6], $0x5FFFF;
	_ =	strace $0x90000049  }
0xb2: {  	s29 =	simm.s32 $0x9;
	_ =	strace $0x8000004B  }
0xb3: {  	_ =	swait.ge [sflag:s29], $0x1  }
0xb4: {  	[sflag:s29] =	ssyncadd.s32 $0xFFFFFFFF  }
0xb5: {  	_ =	strace $0x9000004B  }
0xb6: {  	_ =	sfence  }
0xb7: {  	s30 =	sld [smem:$0x0];
	_ =	sdelay $0x2  }
0xb8: {  	s31 =	sshll.u32 s1, $0xD;
	s1 =	sshrl.u32 s1, $0x2  }
0xb9: {  	s3 =	sand.u32 $0x4000, s31;
	s1 =	sadd.s32 s1, s30  }
0xba: {  	s0 =	sor.u32 s3, s0;
	s1 =	sshll.u32 s1, $0x11  }
0xbb: {  	s0 =	sor.u32 s1, s0  }
0xbc: {  	s0 =	sadd.s32 $0x8F2B, s0  }
0xbd: {  	[sflag:s0] =	ssyncadd.remote.s32 $0x1  }
0xbe: {  	_ =	sfence.sel $0xFFFF  }
0xbf: {  	[dreg:$0x0] =	wrdreg $0xFFFFFFFF;
	(pc) =	sbr.abs _section_cstart, $3  }
0xc0: {  	[dreg:$0x1] =	wrdreg $0xFFFFFFFF  }
0xc1: {  	_ =	task.clear_ibuf [dreg:s6], $0x2FFFF;
	_ =	strace $0x9FFFFFFF  }
0xc2: {  	(tm) =	ssettm $0x7FFFFFFF  }
0xc3: {  	_ =	shalt  }
tec
execute0_lowered:
.L_overlay_start_1:
0x0: {  	(tag) =	ssettag $0x1  }
0x1: {  	s0 =	rddreg [dreg:$0x0]  }
0x2: {  	s1 =	rddreg [dreg:$0x1];
	s2 =	simm.s32 $0x0  }
0x3: {  	s3 =	srdreg.scid;
	s18 =	stileid.u32;
	s20 =	simm.s32 $0xD  }
0x4: {  	s21 =	simm.s32 $0x8;
	s22 =	simm.s32 $0x9;
	s29 =	simm.s32 $0x6  }
0x5: {  	s30 =	simm.s32 $0x7;
	s31 =	simm.s32 $0x0;
	[smem:$0x7FF] =	sst s2  }
0x6: {  	s4 =	sadd.s32 $0x16400, s0;
	s9 =	sadd.s32 $0x2400, s0;
	s6 =	smul.u32 $0x50000, s18  }
0x7: {  	s3 =	sand.u32 $0x1, s3;
	s0 =	sadd.s32 $0x3D600, s0;
	s11 =	smul.u32 $0x14000, s18  }
0x8: {  	s8 =	sshll.u32 s18, $0x1;
	s18 =	smul.u32 $0xA000, s18;
	_ =	strace $0x8000004A  }
0x9: {  	s5 =	ssub.s32 $0x2, s3;
	s23 =	sor.u32 s3, s8;
	s16 =	smul.u32 $0x140000, s3  }
0xa: {  	s3 =	smul.u32 $0x5000, s3;
	s7 =	sshrl.u32 s5, $0x1;
	s6 =	sshrl.u32 s6, $0x2  }
0xb: {  	s13 =	sadd.s32 $0x4000, s11;
	s14 =	sadd.s32 $0x8000, s11;
	s8 =	smul.u32 $0x5000, s23  }
0xc: {  	s15 =	sadd.s32 $0xC000, s11;
	s17 =	sadd.s32 $0x10000, s11;
	s23 =	simm.s32 $0xA  }
0xd: {  	s12 =	ssub.s32 s5, s7;
	s5 =	sadd.s32 s6, s1;
	s6 =	sadd.s32 s13, s1  }
0xe: {  	s7 =	sadd.s32 s14, s1;
	s11 =	sadd.s32 s11, s16;
	s13 =	sadd.s32 s16, s13  }
0xf: {  	s14 =	sadd.s32 s16, s14;
	s26 =	sadd.s32 s16, s15;
	s3 =	sadd.s32 s3, s18  }
0x10: {  	s16 =	sadd.s32 s16, s17;
	s10 =	sshrl.u32 s8, $0x3;
	s8 =	sadd.s32 s15, s1  }
0x11: {  	s11 =	sshrl.u32 s11, $0x3;
	s13 =	sshrl.u32 s13, $0x3;
	s25 =	sshrl.u32 s14, $0x3  }
0x12: {  	s3 =	sor.u32 $0x200, s3;
	s28 =	sshrl.u32 s16, $0x3;
	s19 =	sadd.s32 s9, s10  }
0x13: {  	s10 =	sadd.s32 s17, s1;
	s11 =	sadd.s32 s0, s11;
	s24 =	sadd.s32 s0, s13  }
0x14: {  	s3 =	sshrl.u32 s3, $0x3;
	s16 =	sadd.s32 s0, s28;
	[dreg:$0x3] =	wrdreg s19  }
.Ltmp0:
0x15: {  	s17 =	smax.u32 s12, $0x1;
	[dreg:$0x5] =	wrdreg s11;
	(pc) =	sbr.rel .LBB2_1-.Ltmp0, $4  }
0x16: {  	s19 =	sadd.s32 $0x20, s19;
	[dreg:$0x6] =	wrdreg s24;
	s11 =	sadd.s32 s0, s25  }
0x17: {  	s3 =	sadd.s32 s3, s9;
	s24 =	simm.s32 $0xB;
	[dreg:$0x4] =	wrdreg s19  }
0x18: {  	s25 =	simm.s32 $0xC;
	[dreg:$0x7] =	wrdreg s11;
	s11 =	sshrl.u32 s26, $0x3  }
0x19: {  	v0 =	vimm.f32 $0.0e+00;
	s19 =	simm.s32 $0x300;
	s26 =	simm.s32 $0x80;
	s15 =	sadd.s32 s0, s11  }
.LBB2_9:
0x1a: {  	_ =	swait.ge [sflag:s29], $0x4000  }
0x1b: {  	[sflag:s29] =	ssyncset.done $0x0  }
0x1c: {  	[sflag:s29] =	ssyncadd.s32 $0xFFFFC000  }
0x1d: {  	_ =	swait.ge [sflag:s30], $0x4000  }
0x1e: {  	s0 =	stileid.u32;
	s11 =	sshrl.u32 s5, $0x3;
	[sflag:s30] =	ssyncset.done $0x0  }
0x1f: {  	s28 =	sshrl.u32 s6, $0x3;
	s0 =	sshll.u32 s0, $0x6;
	[sflag:s30] =	ssyncadd.s32 $0xFFFFC000  }
0x20: {  	s13 =	sshrl.u32 s7, $0x3;
	s9 =	sor.u32 $0x1C08, s0;
	[bflag:$0x0] =	sbarrier.arrive $0xFFFF  }
0x21: {  	s18 =	sor.u32 $0x1C09, s0;
	s14 =	sor.u32 $0x1C0B, s0;
	s12 =	rddreg [dreg:$0x5]  }
0x22: {  	[hbm:s12], [sflag:s9] =	dma.local [spmem:s11], $0x800  }
0x23: {  	s11 =	sor.u32 $0x1C0A, s0;
	s0 =	sor.u32 $0x1C0C, s0;
	s12 =	rddreg [dreg:$0x6]  }
0x24: {  	[hbm:s12], [sflag:s18] =	dma.local [spmem:s28], $0x800  }
0x25: {  	s18 =	sshrl.u32 s8, $0x3;
	s28 =	sshrl.u32 s10, $0x3;
	s12 =	rddreg [dreg:$0x7]  }
0x26: {  	[hbm:s12], [sflag:s11] =	dma.local [spmem:s13], $0x800  }
0x27: {  	[hbm:s15], [sflag:s14] =	dma.local [spmem:s18], $0x800  }
0x28: {  	[hbm:s16], [sflag:s0] =	dma.local [spmem:s28], $0x800  }
0x29: {  	_ =	swait.ge [sflag:s21], $0x800  }
0x2a: {  	[sflag:s21] =	ssyncset.done $0x0  }
0x2b: {  	[sflag:s21] =	ssyncadd.s32 $0xFFFFF800  }
0x2c: {  	_ =	swait.ge [sflag:s22], $0x800  }
0x2d: {  	[sflag:s22] =	ssyncset.done $0x0  }
0x2e: {  	[sflag:s22] =	ssyncadd.s32 $0xFFFFF800  }
0x2f: {  	_ =	swait.ge [sflag:s23], $0x800  }
0x30: {  	[sflag:s23] =	ssyncset.done $0x0  }
0x31: {  	s31 =	sadd.s32 $0x1, s31;
	[sflag:s23] =	ssyncadd.s32 $0xFFFFF800  }
0x32: {  	p0 =	sne.s32 s31, s17;
	_ =	swait.ge [sflag:s24], $0x800  }
.Ltmp1:
0x33: {  	[sflag:s24] =	ssyncset.done $0x0;
	(pc) =	sbr.rel @!p0 .LBB2_10-.Ltmp1, $4  }
0x34: {  	[sflag:s24] =	ssyncadd.s32 $0xFFFFF800  }
0x35: {  	_ =	swait.ge [sflag:s25], $0x800  }
0x36: {  	[sflag:s25] =	ssyncset.done $0x0  }
0x37: {  	[sflag:s25] =	ssyncadd.s32 $0xFFFFF800  }
.LBB2_1:
0x38: {  	s0 =	simm.s32 $0x0;
	s9 =	simm.s32 $0x200  }
.LBB2_2:
0x39: {  	p0 =	sne.s32 s9, $0xFE00;
	[tilespmem:s0+$0x370] =	vst v0  }
0x3a: {  	[tilespmem:s0+$0x300] =	vst v0  }
0x3b: {  	[tilespmem:s0+$0x310] =	vst v0  }
.Ltmp2:
0x3c: {  	[tilespmem:s0+$0x320] =	vst v0;
	(pc) =	sbr.rel @p0 .LBB2_2-.Ltmp2, $4  }
0x3d: {  	[tilespmem:s0+$0x330] =	vst v0  }
0x3e: {  	[tilespmem:s0+$0x340] =	vst v0  }
0x3f: {  	[tilespmem:s0+$0x350] =	vst v0  }
0x40: {  	[tilespmem:s0+$0x360] =	vst v0;
	s0 =	sshra.s32 s9, $0x2;
	s9 =	sadd.s32 $0x200, s9  }
0x41: {  	[tilespmem:s0+$0x370] =	vst v0  }
0x42: {  	[tilespmem:s0+$0x300] =	vst v0  }
0x43: {  	[tilespmem:s0+$0x310] =	vst v0  }
0x44: {  	[tilespmem:s0+$0x320] =	vst v0  }
0x45: {  	[tilespmem:s0+$0x330] =	vst v0  }
0x46: {  	[tilespmem:s0+$0x340] =	vst v0  }
0x47: {  	[tilespmem:s0+$0x350] =	vst v0  }
0x48: {  	[tilespmem:s0+$0x360] =	vst v0  }
0x49: {  	[spmem:s5] =	stream.linear.scatter [tilespmem:s19], [sflag:$0x8], $0x4000, $0x38;
	[tilespmem:$0x1C300] =	vst v63  }
0x4a: {  	_ = 	snop  }
0x4b: {  	[spmem:s6] =	stream.linear.scatter [tilespmem:s19], [sflag:$0x9], $0x4000, $0x38;
	[tilespmem:$0x1C300] =	vst v63  }
0x4c: {  	_ = 	snop  }
0x4d: {  	[spmem:s7] =	stream.linear.scatter [tilespmem:s19], [sflag:$0xA], $0x4000, $0x38;
	[tilespmem:$0x1C300] =	vst v63  }
0x4e: {  	_ = 	snop  }
0x4f: {  	[spmem:s8] =	stream.linear.scatter [tilespmem:s19], [sflag:$0xB], $0x4000, $0x38;
	[tilespmem:$0x1C300] =	vst v63  }
0x50: {  	_ = 	snop  }
0x51: {  	[spmem:s10] =	stream.linear.scatter [tilespmem:s19], [sflag:$0xC], $0x4000, $0x38;
	[tilespmem:$0x1C300] =	vst v63  }
0x52: {  	s18 =	rddreg [dreg:$0x3]  }
0x53: {  	[tilespmem:s2], [sflag:$0xD] =	stream.linear.gather [hbm4b:s18+s2], $0x100, $0x38;
	[tilespmem:$0x1C300] =	vst v63  }
0x54: {  	_ =	swait.ge [sflag:s20], $0x100  }
0x55: {  	[sflag:s20] =	ssyncset.done $0x0  }
0x56: {  	[sflag:s20] =	ssyncadd.s32 $0xFFFFFF00  }
0x57: {  	_ =	swait.ge [sflag:s21], $0x4000  }
0x58: {  	[sflag:s21] =	ssyncset.done $0x0  }
0x59: {  	[sflag:s21] =	ssyncadd.s32 $0xFFFFC000  }
0x5a: {  	_ =	swait.ge [sflag:s22], $0x4000  }
0x5b: {  	[sflag:s22] =	ssyncset.done $0x0  }
0x5c: {  	[sflag:s22] =	ssyncadd.s32 $0xFFFFC000  }
0x5d: {  	_ =	swait.ge [sflag:s23], $0x4000  }
0x5e: {  	[sflag:s23] =	ssyncset.done $0x0  }
0x5f: {  	[sflag:s23] =	ssyncadd.s32 $0xFFFFC000  }
0x60: {  	_ =	swait.ge [sflag:s24], $0x4000  }
0x61: {  	[sflag:s24] =	ssyncset.done $0x0  }
0x62: {  	[sflag:s24] =	ssyncadd.s32 $0xFFFFC000  }
0x63: {  	_ =	swait.ge [sflag:s25], $0x4000  }
0x64: {  	[sflag:s25] =	ssyncset.done $0x0  }
.Ltmp3:
0x65: {  	[sflag:s25] =	ssyncadd.s32 $0xFFFFC000;
	(pc) =	sbr.rel .LBB2_4-.Ltmp3, $4  }
0x66: {  	s9 =	simm.s32 $0x100;
	[bflag:$0x0] =	sbarrier.arrive $0xFFFF  }
0x67: {  	[tilespmem:s19], [sflag:$0x1] =	stream.indirect.gather [hbm4b:s4+s26], $0x80, s2, s26, $0xb8;
	[tilespmem:$0x1C300] =	vst v63  }
0x68: {  	s0 =	simm.s32 $0x2;
	s18 =	smov.u32 s3;
	s28 =	rddreg [dreg:$0x4]  }
0x69: {  	[tilespmem:s9], [sflag:$0x4] =	stream.linear.gather [hbm4b:s28+s2], $0x100, $0x38;
	[tilespmem:$0x1C300] =	vst v63  }
.LBB2_7:
0x6a: {  	s13 =	sadd.s32 $0xFFFFFF55, s9  }
0x6b: {  	s13 =	sshrl.u32 s13, $0x9  }
0x6c: {  	s13 =	sand.u32 $0x7F, s13  }
0x6d: {  	s13 =	smul.u32 $0x3, s13;
	_ =	sdelay $0x1  }
0x6e: {  	s13 =	sxor.u32 $0xFFFFFFFF, s13  }
0x6f: {  	s13 =	sadd.s32 s0, s13  }
0x70: {  	s13 =	sand.u32 $0xFF, s13  }
0x71: {  	s14 =	sadd.s32 $0x3, s13  }
0x72: {  	_ =	swait.ge [sflag:s14], $0x100  }
0x73: {  	[sflag:s14] =	ssyncset.done $0x0  }
0x74: {  	[sflag:s14] =	ssyncadd.s32 $0xFFFFFF00;
	s14 =	sshll.u32 s12, $0xE  }
0x75: {  	s13 =	sshll.u32 s13, $0x8;
	s12 =	sadd.s32 $0x1, s12;
	s14 =	sor.u32 $0x300, s14  }
0x76: {  	[tilespmem:s14], [sflag:s12] =	stream.indirect.gather [hbm4b:s4+s26], $0x80, s13, s26, $0xb8;
	[tilespmem:$0x1C300] =	vst v63  }
.LBB2_8:
0x77: {  	s9 =	sadd.s32 $0xFFFFFEAA, s9  }
0x78: {  	s9 =	sshrl.u32 s9, $0x9  }
0x79: {  	s9 =	sand.u32 $0x7F, s9  }
0x7a: {  	p0 =	sgt.u32 s11, $0x4D;
	s9 =	smul.u32 $0x3, s9  }
0x7b: {  	s14 =	sadd.s32 $0x1, s28;
	s13 =	sshll.u32 s28, $0xE;
	s12 =	smul.u32 @!p0 $0xAB, s0  }
0x7c: {  	s28 =	sor.u32 $0x6, s28;
	_ =	swait.ge [sflag:s14], $0x4000;
	s9 =	ssub.s32 s11, s9  }
0x7d: {  	s13 =	sor.u32 $0x300, s13;
	s12 =	sshrl.u32 @!p0 s12, $0x9;
	s9 =	sand.u32 $0xFF, s9  }
0x7e: {  	[sflag:s14] =	ssyncset.done $0x0;
	s11 =	sand.u32 @!p0 $0x7F, s12;
	s9 =	sshll.u32 s9, $0x8  }
0x7f: {  	[sflag:s14] =	ssyncadd.s32 $0xFFFFC000;
	s11 =	smul.u32 @!p0 $0x3, s11;
	s9 =	sor.u32 $0x80, s9  }
0x80: {  	[spmem:s1] =	stream.indirect.scatter.add.f32 [tilespmem:s13], [sflag:s28], $0x80, s9, s26, $0xb8;
	[tilespmem:$0x1C300] =	vst v63  }
0x81: {  	s9 =	ssub.s32 @!p0 s0, s11  }
0x82: {  	s12 =	simm.s32 @!p0 $0x0;
	s9 =	sand.u32 @!p0 $0xFF, s9  }
0x83: {  	s0 =	sadd.s32 $0x1, s0;
	s11 =	sshll.u32 @!p0 s9, $0x8;
	s9 =	sadd.s32 @!p0 $0x3, s9  }
0x84: {  	[tilespmem:s11], [sflag:s9] =	stream.linear.gather @!p0 [hbm4b:s18+s12], $0x100, $0x38;
	[tilespmem:$0x1C300] =	vst v63  }
0x85: {  	p0 =	sne.s32 s0, $0x52  }
.Ltmp4:
0x86: {  	_ = 	snop;
	(pc) =	sbr.rel @!p0 .LBB2_9-.Ltmp4, $2  }
0x87: {  	_ =	sdelay $0x2  }
0x88: {  	s18 =	sadd.s32 $0x20, s18  }
.LBB2_4:
0x89: {  	s11 =	sadd.s32 $0xFFFFFFFE, s0  }
0x8a: {  	p0 =	seq.s32 s11, $0x0  }
.Ltmp5:
0x8b: {  	_ = 	snop;
	(pc) =	sbr.rel @p0 .LBB2_7-.Ltmp5, $3  }
0x8c: {  	_ =	sdelay $0x1  }
0x8d: {  	s9 =	smul.u32 $0xAB, s0;
	s28 =	sand.u32 $0x1, s11  }
0x8e: {  	s12 =	sxor.u32 $0x1, s28  }
0x8f: {  	p0 =	seq.s32 s11, $0x4F  }
.Ltmp6:
0x90: {  	_ = 	snop;
	(pc) =	sbr.rel @p0 .LBB2_8-.Ltmp6, $1  }
0x91: {  	_ =	sdelay $0x3  }
.Ltmp7:
0x92: {  	(pc) =	sbr.rel .LBB2_7-.Ltmp7, $4  }
0x93: {  	s13 =	sor.u32 $0x6, s12  }
0x94: {  	_ =	swait.ge [sflag:s13], $0x4000  }
0x95: {  	[sflag:s13] =	ssyncset.done $0x0  }
0x96: {  	[sflag:s13] =	ssyncadd.s32 $0xFFFFC000  }
.LBB2_10:
0x97: {  	_ =	sfence.sel $0x180000  }
0x98: {  	[bflag:$0x0] =	sbarrier.arrive $0xFFFF  }
0x99: {  	_ =	strace $0x9000004A  }
0x9a: {  	s0 =	stileid.u32;
	[bflag:$0x2] =	sbarrier.arrive $0xFFFF  }
0x9b: {  	p0 =	sne.s32 s0, $0x0;
	s0 =	rddreg [dreg:$0x2]  }
0x9c: {  	s0 =	sadd.s32 @!p0 $0x100000, s0  }
0x9d: {  	[sflag:s0] =	ssyncadd.tile.s32 @!p0 $0x1;
	_ =	shalt  }
.Lfunc_end2:
_tile_overlayer_lowered:
.L_overlay_start_2:
0x9e: {  	(tag) =	ssettag $0x2  }
0x9f: {  	s0 =	rddreg [dreg:$0x0];
	s2 =	stileid.u32  }
0xa0: {  	s1 =	rddreg [dreg:$0x1];
	p0 =	sne.s32 s2, $0x0  }
0xa1: {  	s3 =	rddreg [dreg:$0x2];
	[bflag:$0x3] =	sbarrier.arrive $0xFFFF;
	s2 =	simm.s32 @!p0 $0x1C0D  }
0xa2: {  	[timem:s3], [sflag:s2] =	dma.local @!p0 [hbm:s0], s1  }
0xa3: {  	s0 =	simm.s32 @!p0 $0xD  }
0xa4: {  	_ =	swait.ge @!p0 [sflag:s0], s1  }
0xa5: {  	s1 =	ssub.s32 @!p0 $0x0, s1;
	[sflag:s0] =	ssyncset.done @!p0 $0x0  }
0xa6: {  	[sflag:s0] =	ssyncadd.s32 @!p0 s1  }
0xa7: {  	[bflag:$0x3] =	sbarrier.arrive $0xFFFF  }
0xa8: {  	_ =	shalt  }

// kernel: kernel.14.cloned.1.call-start
scs
__scs_entry_jumppad:
0x0: {  	(pc) =	sbr.rel $0x88, $3  }
0x1: {  	(tag) =	ssettag $0x0;
	lr =	simm.s32 $0x1  }
0x2: {  	[smem:$0x3F98] =	sst lr;
	_ =	strace $0xD0000000  }
0x3: {  	_ = 	snop  }
0x4: {  	_ = 	snop  }
0x5: {  	_ = 	snop  }
0x6: {  	_ = 	snop  }
0x7: {  	_ = 	snop  }
__scs_overlays_trampoline_lowered:
0x8: {  	[smem:$0x3FA7] =	sst s0  }
0x9: {  	[smem:$0x3FA8] =	sst s1  }
0xa: {  	[smem:$0x3FA9] =	sst s2  }
0xb: {  	[smem:$0x3FAA] =	sst s3  }
0xc: {  	[smem:$0x3FAB] =	sst s4  }
0xd: {  	[smem:$0x3FAC] =	sst s5  }
0xe: {  	[smem:$0x3FAD] =	sst s6  }
0xf: {  	[smem:$0x3FAE] =	sst s7  }
0x10: {  	[smem:$0x3FAF] =	sst s8  }
0x11: {  	[smem:$0x3FB0] =	sst s9;
	s0 =	simm.s32 @!p0 $0x0  }
0x12: {  	s1 =	sld [smem:$0x3F96];
	s0 =	simm.s32 @p0 $0x1  }
0x13: {  	[smem:$0x3FB1] =	sst s0;
	s0 =	simm.s32 @!p1 $0x0  }
0x14: {  	s2 =	sld [smem:$0x3F95];
	s0 =	simm.s32 @p1 $0x1  }
0x15: {  	[smem:$0x3FB2] =	sst s0;
	s0 =	simm.s32 @!p2 $0x0  }
0x16: {  	s3 =	sld [smem:$0x3FDB];
	s0 =	simm.s32 @p2 $0x1  }
0x17: {  	s4 =	simm.s32 $0x1BF5;
	[smem:$0x3FB4] =	sst s0  }
0x18: {  	s0 =	sld [smem:$0x3F97];
	_ =	swait.ge [sflag:s4], $0x0  }
0x19: {  	s7 =	sld [smem:$0x3F98]  }
0x1a: {  	s8 =	sadd.s32 $0xFFFFE003, lr  }
0x1b: {  	s9 =	sadd.s32 $0xFFFFFEF7, lr;
	s5 =	simm.s32 $0xFFFFFFFF;
	p2 =	slt.u32 s8, $0xFFFFF086  }
0x1c: {  	p1 =	slt.u32 s9, $0xF7A;
	s5 =	simm.s32 @!p2 $0x0  }
0x1d: {  	s5 =	simm.s32 @p1 $0x1;
	p0 =	seq.s32 s7, s2  }
0x1e: {  	s7 =	smul.u32 @!p0 $0xF7A, s2;
	p2 =	seq.s32 @!p0 s5, $0x0  }
0x1f: {  	s9 =	smul.u32 $0xF7A, s1;
	s8 =	simm.s32 @!p0 $0x1BF5;
	p2 =	por !p2, p0  }
0x20: {  	[sflag:s8] =	ssyncset.s32 @!p0 $0xFFFFF086;
	s6 =	sadd.s32 @!p0 s3, s7;
	s7 =	simm.s32 @!p0 $0x108  }
0x21: {  	s3 =	sadd.s32 s3, s9;
	s6 =	sadd.s32 @!p0 $0x88, s6;
	s7 =	simm.s32 @p2 $0x1082  }
0x22: {  	[simem:s7], [sflag:s8] =	dma.local @!p0 [hbm:s6], $0xF7A  }
0x23: {  	s9 =	sor.u32 $0xD0000000, s2;
	s6 =	simm.s32 $0x108;
	_ =	swait.ge @!p0 [sflag:s8], $0x0  }
0x24: {  	s3 =	sadd.s32 $0x88, s3;
	s6 =	simm.s32 @!p1 $0x1082;
	[sflag:s4] =	ssyncset.s32 $0xFFFFF086  }
0x25: {  	[simem:s6], [sflag:s4] =	dma.local [hbm:s3], $0xF7A  }
0x26: {  	[smem:$0x3F98] =	sst s1;
	(tag) =	ssettag s2;
	_ =	strace s9  }
0x27: {  	s1 =	sld [smem:$0x3FA8]  }
0x28: {  	s2 =	sld [smem:$0x3FA9]  }
0x29: {  	s4 =	sld [smem:$0x3FAB]  }
0x2a: {  	p0 =	seq.s32 s5, $0x0;
	s5 =	sld [smem:$0x3FAC]  }
0x2b: {  	s6 =	sld [smem:$0x3FAD]  }
0x2c: {  	s7 =	sld [smem:$0x3FAE]  }
0x2d: {  	s3 =	simm.s32 $0x108;
	s8 =	sld [smem:$0x3FAF]  }
0x2e: {  	s3 =	simm.s32 @!p0 $0x1082;
	s9 =	sld [smem:$0x3FB0]  }
0x2f: {  	lr =	sadd.s32 s0, s3;
	s0 =	sld [smem:$0x3FA7]  }
0x30: {  	s3 =	sld [smem:$0x3FAA]  }
0x31: {  	[smem:$0x3FB3] =	sst s10  }
0x32: {  	s10 =	sld [smem:$0x3FB1];
	_ =	sdelay $0x3  }
0x33: {  	p0 =	seq.s32 s10, $0x1;
	s10 =	sld [smem:$0x3FB3];
	_ =	sdelay $0x3  }
0x34: {  	[smem:$0x3FB3] =	sst s10  }
0x35: {  	s10 =	sld [smem:$0x3FB2];
	_ =	sdelay $0x3  }
0x36: {  	p1 =	seq.s32 s10, $0x1;
	s10 =	sld [smem:$0x3FB3];
	_ =	sdelay $0x3  }
0x37: {  	[smem:$0x3FB3] =	sst s10  }
0x38: {  	s10 =	sld [smem:$0x3FB4]  }
0x39: {  	_ = 	snop;
	(pc) =	sbr.ind lr, $3  }
0x3a: {  	_ = 	snop  }
0x3b: {  	_ = 	snop  }
0x3c: {  	p2 =	seq.s32 s10, $0x1;
	s10 =	sld [smem:$0x3FB3]  }
0x3d: {  	_ =	shalt  }
0x3e: {  	_ =	shalt  }
0x3f: {  	_ =	shalt  }
0x40: {  	_ =	shalt  }
0x41: {  	_ =	shalt  }
0x42: {  	_ =	shalt  }
0x43: {  	_ =	shalt  }
0x44: {  	_ =	shalt  }
0x45: {  	_ =	shalt  }
0x46: {  	_ =	shalt  }
0x47: {  	_ =	shalt  }
0x48: {  	_ =	shalt  }
0x49: {  	_ =	shalt  }
0x4a: {  	_ =	shalt  }
0x4b: {  	_ =	shalt  }
0x4c: {  	_ =	shalt  }
0x4d: {  	_ =	shalt  }
0x4e: {  	_ =	shalt  }
0x4f: {  	_ =	shalt  }
0x50: {  	_ =	shalt  }
0x51: {  	_ =	shalt  }
0x52: {  	_ =	shalt  }
0x53: {  	_ =	shalt  }
0x54: {  	_ =	shalt  }
0x55: {  	_ =	shalt  }
0x56: {  	_ =	shalt  }
0x57: {  	_ =	shalt  }
0x58: {  	_ =	shalt  }
0x59: {  	_ =	shalt  }
0x5a: {  	_ =	shalt  }
0x5b: {  	_ =	shalt  }
0x5c: {  	_ =	shalt  }
0x5d: {  	_ =	shalt  }
0x5e: {  	_ =	shalt  }
0x5f: {  	_ =	shalt  }
0x60: {  	_ =	shalt  }
0x61: {  	_ =	shalt  }
0x62: {  	_ =	shalt  }
0x63: {  	_ =	shalt  }
0x64: {  	_ =	shalt  }
0x65: {  	_ =	shalt  }
0x66: {  	_ =	shalt  }
0x67: {  	_ =	shalt  }
0x68: {  	_ =	shalt  }
0x69: {  	_ =	shalt  }
0x6a: {  	_ =	shalt  }
0x6b: {  	_ =	shalt  }
0x6c: {  	_ =	shalt  }
0x6d: {  	_ =	shalt  }
0x6e: {  	_ =	shalt  }
0x6f: {  	_ =	shalt  }
0x70: {  	_ =	shalt  }
0x71: {  	_ =	shalt  }
0x72: {  	_ =	shalt  }
0x73: {  	_ =	shalt  }
0x74: {  	_ =	shalt  }
0x75: {  	_ =	shalt  }
0x76: {  	_ =	shalt  }
0x77: {  	_ =	shalt  }
0x78: {  	_ =	shalt  }
0x79: {  	_ =	shalt  }
0x7a: {  	_ =	shalt  }
0x7b: {  	_ =	shalt  }
0x7c: {  	_ =	shalt  }
0x7d: {  	_ =	shalt  }
0x7e: {  	_ =	shalt  }
0x7f: {  	_ =	shalt  }
0x80: {  	_ =	shalt  }
0x81: {  	_ =	shalt  }
0x82: {  	_ =	shalt  }
0x83: {  	_ =	shalt  }
0x84: {  	_ =	shalt  }
0x85: {  	_ =	shalt  }
0x86: {  	_ =	shalt  }
0x87: {  	_ =	shalt  }
.Lfunc_end0:
.L_simem_size_0:
called_computation.2_lowered:
.L_overlay_start_0:
0x88: {  	s2 =	sld [smem:$0x3FD9]  }
0x89: {  	s3 =	sld [smem:$0x3FFE];
	_ =	sdelay $0x1  }
0x8a: {  	s1 =	srdreg.scid  }
0x8b: {  	s0 =	sand.u32 $0x1, s1  }
0x8c: {  	s16 =	sshll.u32 s0, $0xA;
	s2 =	sadd.s32 s3, s2  }
0x8d: {  	s2 =	sadd.s32 s2, s16  }
0x8e: {  	[smem:$0x3FBF] =	sst s2  }
0x8f: {  	_ = 	snop  }
0x90: {  	(tm) =	ssettm $0x1  }
0x91: {  	s17 =	sld [smem:$0x3FFB];
	_ =	sdelay $0x3  }
0x92: {  	_ =	strace s17  }
0x93: {  	s2 =	sld [smem:$0x3FFC];
	_ =	sdelay $0x3  }
0x94: {  	_ =	strace s2  }
0x95: {  	s2 =	sld [smem:$0x3FFD];
	_ =	sdelay $0x3  }
0x96: {  	_ =	strace s2  }
0x97: {  	_ =	strace $0x8FFFFFFF  }
0x98: {  	s18 =	sld [smem:$0x3FDB];
	_ =	sdelay $0x1  }
0x99: {  	s19 =	simm.s32 $_scs_section_size  }
0x9a: {  	s4 =	simm.s32 $_size__tile_overlayer_lowered;
	s5 =	simm.s32 $_tile_overlayer_lowered  }
0x9b: {  	s22 =	simm.s32 $0x1BFF;
	s21 =	sshll.u32 s5, $0x1;
	s2 =	sadd.s32 s19, s18  }
0x9c: {  	s6 =	simm.s32 $0x0;
	s20 =	sshll.u32 s4, $0x1;
	s4 =	sadd.s32 s21, s2  }
0x9d: {  	[timem:s6], [sflag:s22] =	dma.local [hbm:s4], s20  }
0x9e: {  	_ =	swait.ge [sflag:s22], s20  }
0x9f: {  	s3 =	ssub.s32 $0x0, s20;
	[sflag:s22] =	ssyncset.done $0x0  }
0xa0: {  	[sflag:s22] =	ssyncadd.s32 s3;
	_ =	sdelay $0x1  }
0xa1: {  	s23 =	simm.s32 $0x1B8B  }
0xa2: {  	_ =	swait.ge [sflag:s23], $0x1  }
0xa3: {  	[sflag:s23] =	ssyncset.done $0x0  }
0xa4: {  	s25 =	simm.s32 $0x1B8E;
	s24 =	sld [smem:$0x3FFE];
	[sflag:s23] =	ssyncadd.s32 $0xFFFFFFFF  }
0xa5: {  	s26 =	simm.s32 $execute0_lowered;
	[smem:$0x3FD2] =	sst s25  }
0xa6: {  	s4 =	sshll.u32 s26, $0x1;
	_ =	strace $0x8000004C;
	[dreg:$0x1] =	wrdreg $0xFFFFFFFF  }
0xa7: {  	s28 =	simm.s32 $_size_execute0_lowered;
	s2 =	sadd.s32 s2, s4;
	[dreg:$0x0] =	wrdreg $0x0  }
0xa8: {  	s4 =	sshll.u32 s28, $0x1;
	[dreg:$0x2] =	wrdreg s2  }
0xa9: {  	[dreg:$0x3] =	wrdreg s4  }
0xaa: {  	[dreg:$0x4] =	wrdreg $0xC0  }
0xab: {  	_ =	task [dreg:s6], $0x5FFFF  }
0xac: {  	[dreg:$0x1] =	wrdreg $0xFFFFFFFF  }
0xad: {  	[dreg:$0x0] =	wrdreg $0x60  }
0xae: {  	[dreg:$0x2] =	wrdreg s24  }
0xaf: {  	[dreg:$0x3] =	wrdreg $0x83000  }
0xb0: {  	[dreg:$0x4] =	wrdreg $0x9  }
0xb1: {  	_ =	task.clear_ibuf [dreg:s6], $0x5FFFF;
	_ =	strace $0x9000004C  }
0xb2: {  	s29 =	simm.s32 $0x9;
	_ =	strace $0x8000004E  }
0xb3: {  	_ =	swait.ge [sflag:s29], $0x1  }
0xb4: {  	[sflag:s29] =	ssyncadd.s32 $0xFFFFFFFF  }
0xb5: {  	_ =	strace $0x9000004E  }
0xb6: {  	_ =	sfence  }
0xb7: {  	s30 =	sld [smem:$0x0];
	_ =	sdelay $0x2  }
0xb8: {  	s31 =	sshll.u32 s1, $0xD;
	s1 =	sshrl.u32 s1, $0x2  }
0xb9: {  	s3 =	sand.u32 $0x4000, s31;
	s1 =	sadd.s32 s1, s30  }
0xba: {  	s0 =	sor.u32 s3, s0;
	s1 =	sshll.u32 s1, $0x11  }
0xbb: {  	s0 =	sor.u32 s1, s0  }
0xbc: {  	s0 =	sadd.s32 $0x8F2B, s0  }
0xbd: {  	[sflag:s0] =	ssyncadd.remote.s32 $0x1  }
0xbe: {  	_ =	sfence.sel $0xFFFF  }
0xbf: {  	[dreg:$0x0] =	wrdreg $0xFFFFFFFF;
	(pc) =	sbr.abs _section_cstart, $3  }
0xc0: {  	[dreg:$0x1] =	wrdreg $0xFFFFFFFF  }
0xc1: {  	_ =	task.clear_ibuf [dreg:s6], $0x2FFFF;
	_ =	strace $0x9FFFFFFF  }
0xc2: {  	(tm) =	ssettm $0x7FFFFFFF  }
0xc3: {  	_ =	shalt  }
tec
execute0_lowered:
.L_overlay_start_1:
0x0: {  	(tag) =	ssettag $0x1  }
0x1: {  	s0 =	rddreg [dreg:$0x0]  }
0x2: {  	s1 =	rddreg [dreg:$0x1];
	s2 =	simm.s32 $0x0  }
0x3: {  	s3 =	srdreg.scid;
	s18 =	stileid.u32;
	s20 =	simm.s32 $0xD  }
0x4: {  	s21 =	simm.s32 $0x8;
	s22 =	simm.s32 $0x9;
	s29 =	simm.s32 $0x6  }
0x5: {  	s30 =	simm.s32 $0x7;
	s31 =	simm.s32 $0x0;
	[smem:$0x7FF] =	sst s2  }
0x6: {  	s4 =	sadd.s32 $0x16400, s0;
	s9 =	sadd.s32 $0x2400, s0;
	s6 =	smul.u32 $0x50000, s18  }
0x7: {  	s3 =	sand.u32 $0x1, s3;
	s0 =	sadd.s32 $0x3D600, s0;
	s11 =	smul.u32 $0x14000, s18  }
0x8: {  	s8 =	sshll.u32 s18, $0x1;
	s18 =	smul.u32 $0xA000, s18;
	_ =	strace $0x8000004D  }
0x9: {  	s5 =	ssub.s32 $0x2, s3;
	s23 =	sor.u32 s3, s8;
	s16 =	smul.u32 $0x140000, s3  }
0xa: {  	s3 =	smul.u32 $0x5000, s3;
	s7 =	sshrl.u32 s5, $0x1;
	s6 =	sshrl.u32 s6, $0x2  }
0xb: {  	s13 =	sadd.s32 $0x4000, s11;
	s14 =	sadd.s32 $0x8000, s11;
	s8 =	smul.u32 $0x5000, s23  }
0xc: {  	s15 =	sadd.s32 $0xC000, s11;
	s17 =	sadd.s32 $0x10000, s11;
	s23 =	simm.s32 $0xA  }
0xd: {  	s12 =	ssub.s32 s5, s7;
	s5 =	sadd.s32 s6, s1;
	s6 =	sadd.s32 s13, s1  }
0xe: {  	s7 =	sadd.s32 s14, s1;
	s11 =	sadd.s32 s11, s16;
	s13 =	sadd.s32 s16, s13  }
0xf: {  	s14 =	sadd.s32 s16, s14;
	s26 =	sadd.s32 s16, s15;
	s3 =	sadd.s32 s3, s18  }
0x10: {  	s16 =	sadd.s32 s16, s17;
	s10 =	sshrl.u32 s8, $0x3;
	s8 =	sadd.s32 s15, s1  }
0x11: {  	s11 =	sshrl.u32 s11, $0x3;
	s13 =	sshrl.u32 s13, $0x3;
	s25 =	sshrl.u32 s14, $0x3  }
0x12: {  	s3 =	sor.u32 $0x200, s3;
	s28 =	sshrl.u32 s16, $0x3;
	s19 =	sadd.s32 s9, s10  }
0x13: {  	s10 =	sadd.s32 s17, s1;
	s11 =	sadd.s32 s0, s11;
	s24 =	sadd.s32 s0, s13  }
0x14: {  	s3 =	sshrl.u32 s3, $0x3;
	s16 =	sadd.s32 s0, s28;
	[dreg:$0x3] =	wrdreg s19  }
.Ltmp0:
0x15: {  	s17 =	smax.u32 s12, $0x1;
	[dreg:$0x5] =	wrdreg s11;
	(pc) =	sbr.rel .LBB2_1-.Ltmp0, $4  }
0x16: {  	s19 =	sadd.s32 $0x20, s19;
	[dreg:$0x6] =	wrdreg s24;
	s11 =	sadd.s32 s0, s25  }
0x17: {  	s3 =	sadd.s32 s3, s9;
	s24 =	simm.s32 $0xB;
	[dreg:$0x4] =	wrdreg s19  }
0x18: {  	s25 =	simm.s32 $0xC;
	[dreg:$0x7] =	wrdreg s11;
	s11 =	sshrl.u32 s26, $0x3  }
0x19: {  	v0 =	vimm.f32 $0.0e+00;
	s19 =	simm.s32 $0x300;
	s26 =	simm.s32 $0x80;
	s15 =	sadd.s32 s0, s11  }
.LBB2_9:
0x1a: {  	_ =	swait.ge [sflag:s29], $0x4000  }
0x1b: {  	[sflag:s29] =	ssyncset.done $0x0  }
0x1c: {  	[sflag:s29] =	ssyncadd.s32 $0xFFFFC000  }
0x1d: {  	_ =	swait.ge [sflag:s30], $0x4000  }
0x1e: {  	s0 =	stileid.u32;
	s11 =	sshrl.u32 s5, $0x3;
	[sflag:s30] =	ssyncset.done $0x0  }
0x1f: {  	s28 =	sshrl.u32 s6, $0x3;
	s0 =	sshll.u32 s0, $0x6;
	[sflag:s30] =	ssyncadd.s32 $0xFFFFC000  }
0x20: {  	s13 =	sshrl.u32 s7, $0x3;
	s9 =	sor.u32 $0x1C08, s0;
	[bflag:$0x0] =	sbarrier.arrive $0xFFFF  }
0x21: {  	s18 =	sor.u32 $0x1C09, s0;
	s14 =	sor.u32 $0x1C0B, s0;
	s12 =	rddreg [dreg:$0x5]  }
0x22: {  	[hbm:s12], [sflag:s9] =	dma.local [spmem:s11], $0x800  }
0x23: {  	s11 =	sor.u32 $0x1C0A, s0;
	s0 =	sor.u32 $0x1C0C, s0;
	s12 =	rddreg [dreg:$0x6]  }
0x24: {  	[hbm:s12], [sflag:s18] =	dma.local [spmem:s28], $0x800  }
0x25: {  	s18 =	sshrl.u32 s8, $0x3;
	s28 =	sshrl.u32 s10, $0x3;
	s12 =	rddreg [dreg:$0x7]  }
0x26: {  	[hbm:s12], [sflag:s11] =	dma.local [spmem:s13], $0x800  }
0x27: {  	[hbm:s15], [sflag:s14] =	dma.local [spmem:s18], $0x800  }
0x28: {  	[hbm:s16], [sflag:s0] =	dma.local [spmem:s28], $0x800  }
0x29: {  	_ =	swait.ge [sflag:s21], $0x800  }
0x2a: {  	[sflag:s21] =	ssyncset.done $0x0  }
0x2b: {  	[sflag:s21] =	ssyncadd.s32 $0xFFFFF800  }
0x2c: {  	_ =	swait.ge [sflag:s22], $0x800  }
0x2d: {  	[sflag:s22] =	ssyncset.done $0x0  }
0x2e: {  	[sflag:s22] =	ssyncadd.s32 $0xFFFFF800  }
0x2f: {  	_ =	swait.ge [sflag:s23], $0x800  }
0x30: {  	[sflag:s23] =	ssyncset.done $0x0  }
0x31: {  	s31 =	sadd.s32 $0x1, s31;
	[sflag:s23] =	ssyncadd.s32 $0xFFFFF800  }
0x32: {  	p0 =	sne.s32 s31, s17;
	_ =	swait.ge [sflag:s24], $0x800  }
.Ltmp1:
0x33: {  	[sflag:s24] =	ssyncset.done $0x0;
	(pc) =	sbr.rel @!p0 .LBB2_10-.Ltmp1, $4  }
0x34: {  	[sflag:s24] =	ssyncadd.s32 $0xFFFFF800  }
0x35: {  	_ =	swait.ge [sflag:s25], $0x800  }
0x36: {  	[sflag:s25] =	ssyncset.done $0x0  }
0x37: {  	[sflag:s25] =	ssyncadd.s32 $0xFFFFF800  }
.LBB2_1:
0x38: {  	s0 =	simm.s32 $0x0;
	s9 =	simm.s32 $0x200  }
.LBB2_2:
0x39: {  	p0 =	sne.s32 s9, $0xFE00;
	[tilespmem:s0+$0x370] =	vst v0  }
0x3a: {  	[tilespmem:s0+$0x300] =	vst v0  }
0x3b: {  	[tilespmem:s0+$0x310] =	vst v0  }
.Ltmp2:
0x3c: {  	[tilespmem:s0+$0x320] =	vst v0;
	(pc) =	sbr.rel @p0 .LBB2_2-.Ltmp2, $4  }
0x3d: {  	[tilespmem:s0+$0x330] =	vst v0  }
0x3e: {  	[tilespmem:s0+$0x340] =	vst v0  }
0x3f: {  	[tilespmem:s0+$0x350] =	vst v0  }
0x40: {  	[tilespmem:s0+$0x360] =	vst v0;
	s0 =	sshra.s32 s9, $0x2;
	s9 =	sadd.s32 $0x200, s9  }
0x41: {  	[tilespmem:s0+$0x370] =	vst v0  }
0x42: {  	[tilespmem:s0+$0x300] =	vst v0  }
0x43: {  	[tilespmem:s0+$0x310] =	vst v0  }
0x44: {  	[tilespmem:s0+$0x320] =	vst v0  }
0x45: {  	[tilespmem:s0+$0x330] =	vst v0  }
0x46: {  	[tilespmem:s0+$0x340] =	vst v0  }
0x47: {  	[tilespmem:s0+$0x350] =	vst v0  }
0x48: {  	[tilespmem:s0+$0x360] =	vst v0  }
0x49: {  	[spmem:s5] =	stream.linear.scatter [tilespmem:s19], [sflag:$0x8], $0x4000, $0x38;
	[tilespmem:$0x1C300] =	vst v63  }
0x4a: {  	_ = 	snop  }
0x4b: {  	[spmem:s6] =	stream.linear.scatter [tilespmem:s19], [sflag:$0x9], $0x4000, $0x38;
	[tilespmem:$0x1C300] =	vst v63  }
0x4c: {  	_ = 	snop  }
0x4d: {  	[spmem:s7] =	stream.linear.scatter [tilespmem:s19], [sflag:$0xA], $0x4000, $0x38;
	[tilespmem:$0x1C300] =	vst v63  }
0x4e: {  	_ = 	snop  }
0x4f: {  	[spmem:s8] =	stream.linear.scatter [tilespmem:s19], [sflag:$0xB], $0x4000, $0x38;
	[tilespmem:$0x1C300] =	vst v63  }
0x50: {  	_ = 	snop  }
0x51: {  	[spmem:s10] =	stream.linear.scatter [tilespmem:s19], [sflag:$0xC], $0x4000, $0x38;
	[tilespmem:$0x1C300] =	vst v63  }
0x52: {  	s18 =	rddreg [dreg:$0x3]  }
0x53: {  	[tilespmem:s2], [sflag:$0xD] =	stream.linear.gather [hbm4b:s18+s2], $0x100, $0x38;
	[tilespmem:$0x1C300] =	vst v63  }
0x54: {  	_ =	swait.ge [sflag:s20], $0x100  }
0x55: {  	[sflag:s20] =	ssyncset.done $0x0  }
0x56: {  	[sflag:s20] =	ssyncadd.s32 $0xFFFFFF00  }
0x57: {  	_ =	swait.ge [sflag:s21], $0x4000  }
0x58: {  	[sflag:s21] =	ssyncset.done $0x0  }
0x59: {  	[sflag:s21] =	ssyncadd.s32 $0xFFFFC000  }
0x5a: {  	_ =	swait.ge [sflag:s22], $0x4000  }
0x5b: {  	[sflag:s22] =	ssyncset.done $0x0  }
0x5c: {  	[sflag:s22] =	ssyncadd.s32 $0xFFFFC000  }
0x5d: {  	_ =	swait.ge [sflag:s23], $0x4000  }
0x5e: {  	[sflag:s23] =	ssyncset.done $0x0  }
0x5f: {  	[sflag:s23] =	ssyncadd.s32 $0xFFFFC000  }
0x60: {  	_ =	swait.ge [sflag:s24], $0x4000  }
0x61: {  	[sflag:s24] =	ssyncset.done $0x0  }
0x62: {  	[sflag:s24] =	ssyncadd.s32 $0xFFFFC000  }
0x63: {  	_ =	swait.ge [sflag:s25], $0x4000  }
0x64: {  	[sflag:s25] =	ssyncset.done $0x0  }
.Ltmp3:
0x65: {  	[sflag:s25] =	ssyncadd.s32 $0xFFFFC000;
	(pc) =	sbr.rel .LBB2_4-.Ltmp3, $4  }
0x66: {  	s9 =	simm.s32 $0x100;
	[bflag:$0x0] =	sbarrier.arrive $0xFFFF  }
0x67: {  	[tilespmem:s19], [sflag:$0x1] =	stream.indirect.gather [hbm4b:s4+s26], $0x80, s2, s26, $0xb8;
	[tilespmem:$0x1C300] =	vst v63  }
0x68: {  	s0 =	simm.s32 $0x2;
	s18 =	smov.u32 s3;
	s28 =	rddreg [dreg:$0x4]  }
0x69: {  	[tilespmem:s9], [sflag:$0x4] =	stream.linear.gather [hbm4b:s28+s2], $0x100, $0x38;
	[tilespmem:$0x1C300] =	vst v63  }
.LBB2_7:
0x6a: {  	s13 =	sadd.s32 $0xFFFFFF55, s9  }
0x6b: {  	s13 =	sshrl.u32 s13, $0x9  }
0x6c: {  	s13 =	sand.u32 $0x7F, s13  }
0x6d: {  	s13 =	smul.u32 $0x3, s13;
	_ =	sdelay $0x1  }
0x6e: {  	s13 =	sxor.u32 $0xFFFFFFFF, s13  }
0x6f: {  	s13 =	sadd.s32 s0, s13  }
0x70: {  	s13 =	sand.u32 $0xFF, s13  }
0x71: {  	s14 =	sadd.s32 $0x3, s13  }
0x72: {  	_ =	swait.ge [sflag:s14], $0x100  }
0x73: {  	[sflag:s14] =	ssyncset.done $0x0  }
0x74: {  	[sflag:s14] =	ssyncadd.s32 $0xFFFFFF00;
	s14 =	sshll.u32 s12, $0xE  }
0x75: {  	s13 =	sshll.u32 s13, $0x8;
	s12 =	sadd.s32 $0x1, s12;
	s14 =	sor.u32 $0x300, s14  }
0x76: {  	[tilespmem:s14], [sflag:s12] =	stream.indirect.gather [hbm4b:s4+s26], $0x80, s13, s26, $0xb8;
	[tilespmem:$0x1C300] =	vst v63  }
.LBB2_8:
0x77: {  	s9 =	sadd.s32 $0xFFFFFEAA, s9  }
0x78: {  	s9 =	sshrl.u32 s9, $0x9  }
0x79: {  	s9 =	sand.u32 $0x7F, s9  }
0x7a: {  	p0 =	sgt.u32 s11, $0x4D;
	s9 =	smul.u32 $0x3, s9  }
0x7b: {  	s14 =	sadd.s32 $0x1, s28;
	s13 =	sshll.u32 s28, $0xE;
	s12 =	smul.u32 @!p0 $0xAB, s0  }
0x7c: {  	s28 =	sor.u32 $0x6, s28;
	_ =	swait.ge [sflag:s14], $0x4000;
	s9 =	ssub.s32 s11, s9  }
0x7d: {  	s13 =	sor.u32 $0x300, s13;
	s12 =	sshrl.u32 @!p0 s12, $0x9;
	s9 =	sand.u32 $0xFF, s9  }
0x7e: {  	[sflag:s14] =	ssyncset.done $0x0;
	s11 =	sand.u32 @!p0 $0x7F, s12;
	s9 =	sshll.u32 s9, $0x8  }
0x7f: {  	[sflag:s14] =	ssyncadd.s32 $0xFFFFC000;
	s11 =	smul.u32 @!p0 $0x3, s11;
	s9 =	sor.u32 $0x80, s9  }
0x80: {  	[spmem:s1] =	stream.indirect.scatter.add.f32 [tilespmem:s13], [sflag:s28], $0x80, s9, s26, $0xb8;
	[tilespmem:$0x1C300] =	vst v63  }
0x81: {  	s9 =	ssub.s32 @!p0 s0, s11  }
0x82: {  	s12 =	simm.s32 @!p0 $0x0;
	s9 =	sand.u32 @!p0 $0xFF, s9  }
0x83: {  	s0 =	sadd.s32 $0x1, s0;
	s11 =	sshll.u32 @!p0 s9, $0x8;
	s9 =	sadd.s32 @!p0 $0x3, s9  }
0x84: {  	[tilespmem:s11], [sflag:s9] =	stream.linear.gather @!p0 [hbm4b:s18+s12], $0x100, $0x38;
	[tilespmem:$0x1C300] =	vst v63  }
0x85: {  	p0 =	sne.s32 s0, $0x52  }
.Ltmp4:
0x86: {  	_ = 	snop;
	(pc) =	sbr.rel @!p0 .LBB2_9-.Ltmp4, $2  }
0x87: {  	_ =	sdelay $0x2  }
0x88: {  	s18 =	sadd.s32 $0x20, s18  }
.LBB2_4:
0x89: {  	s11 =	sadd.s32 $0xFFFFFFFE, s0  }
0x8a: {  	p0 =	seq.s32 s11, $0x0  }
.Ltmp5:
0x8b: {  	_ = 	snop;
	(pc) =	sbr.rel @p0 .LBB2_7-.Ltmp5, $3  }
0x8c: {  	_ =	sdelay $0x1  }
0x8d: {  	s9 =	smul.u32 $0xAB, s0;
	s28 =	sand.u32 $0x1, s11  }
0x8e: {  	s12 =	sxor.u32 $0x1, s28  }
0x8f: {  	p0 =	seq.s32 s11, $0x4F  }
.Ltmp6:
0x90: {  	_ = 	snop;
	(pc) =	sbr.rel @p0 .LBB2_8-.Ltmp6, $1  }
0x91: {  	_ =	sdelay $0x3  }
.Ltmp7:
0x92: {  	(pc) =	sbr.rel .LBB2_7-.Ltmp7, $4  }
0x93: {  	s13 =	sor.u32 $0x6, s12  }
0x94: {  	_ =	swait.ge [sflag:s13], $0x4000  }
0x95: {  	[sflag:s13] =	ssyncset.done $0x0  }
0x96: {  	[sflag:s13] =	ssyncadd.s32 $0xFFFFC000  }
.LBB2_10:
0x97: {  	_ =	sfence.sel $0x180000  }
0x98: {  	[bflag:$0x0] =	sbarrier.arrive $0xFFFF  }
0x99: {  	_ =	strace $0x9000004D  }
0x9a: {  	s0 =	stileid.u32;
	[bflag:$0x2] =	sbarrier.arrive $0xFFFF  }
0x9b: {  	p0 =	sne.s32 s0, $0x0;
	s0 =	rddreg [dreg:$0x2]  }
0x9c: {  	s0 =	sadd.s32 @!p0 $0x100000, s0  }
0x9d: {  	[sflag:s0] =	ssyncadd.tile.s32 @!p0 $0x1;
	_ =	shalt  }
.Lfunc_end2:
_tile_overlayer_lowered:
.L_overlay_start_2:
0x9e: {  	(tag) =	ssettag $0x2  }
0x9f: {  	s0 =	rddreg [dreg:$0x0];
	s2 =	stileid.u32  }
0xa0: {  	s1 =	rddreg [dreg:$0x1];
	p0 =	sne.s32 s2, $0x0  }
0xa1: {  	s3 =	rddreg [dreg:$0x2];
	[bflag:$0x3] =	sbarrier.arrive $0xFFFF;
	s2 =	simm.s32 @!p0 $0x1C0D  }
0xa2: {  	[timem:s3], [sflag:s2] =	dma.local @!p0 [hbm:s0], s1  }
0xa3: {  	s0 =	simm.s32 @!p0 $0xD  }
0xa4: {  	_ =	swait.ge @!p0 [sflag:s0], s1  }
0xa5: {  	s1 =	ssub.s32 @!p0 $0x0, s1;
	[sflag:s0] =	ssyncset.done @!p0 $0x0  }
0xa6: {  	[sflag:s0] =	ssyncadd.s32 @!p0 s1  }
0xa7: {  	[bflag:$0x3] =	sbarrier.arrive $0xFFFF  }
0xa8: {  	_ =	shalt  }

// kernel: kernel.8.cloned.1.call-start
scs
__scs_entry_jumppad:
0x0: {  	(pc) =	sbr.rel $0x88, $3  }
0x1: {  	(tag) =	ssettag $0x0;
	lr =	simm.s32 $0x1  }
0x2: {  	[smem:$0x3F98] =	sst lr;
	_ =	strace $0xD0000000  }
0x3: {  	_ = 	snop  }
0x4: {  	_ = 	snop  }
0x5: {  	_ = 	snop  }
0x6: {  	_ = 	snop  }
0x7: {  	_ = 	snop  }
__scs_overlays_trampoline_lowered:
0x8: {  	[smem:$0x3FA7] =	sst s0  }
0x9: {  	[smem:$0x3FA8] =	sst s1  }
0xa: {  	[smem:$0x3FA9] =	sst s2  }
0xb: {  	[smem:$0x3FAA] =	sst s3  }
0xc: {  	[smem:$0x3FAB] =	sst s4  }
0xd: {  	[smem:$0x3FAC] =	sst s5  }
0xe: {  	[smem:$0x3FAD] =	sst s6  }
0xf: {  	[smem:$0x3FAE] =	sst s7  }
0x10: {  	[smem:$0x3FAF] =	sst s8  }
0x11: {  	[smem:$0x3FB0] =	sst s9;
	s0 =	simm.s32 @!p0 $0x0  }
0x12: {  	s1 =	sld [smem:$0x3F96];
	s0 =	simm.s32 @p0 $0x1  }
0x13: {  	[smem:$0x3FB1] =	sst s0;
	s0 =	simm.s32 @!p1 $0x0  }
0x14: {  	s2 =	sld [smem:$0x3F95];
	s0 =	simm.s32 @p1 $0x1  }
0x15: {  	[smem:$0x3FB2] =	sst s0;
	s0 =	simm.s32 @!p2 $0x0  }
0x16: {  	s3 =	sld [smem:$0x3FDB];
	s0 =	simm.s32 @p2 $0x1  }
0x17: {  	s4 =	simm.s32 $0x1BF5;
	[smem:$0x3FB4] =	sst s0  }
0x18: {  	s0 =	sld [smem:$0x3F97];
	_ =	swait.ge [sflag:s4], $0x0  }
0x19: {  	s7 =	sld [smem:$0x3F98]  }
0x1a: {  	s8 =	sadd.s32 $0xFFFFE003, lr  }
0x1b: {  	s9 =	sadd.s32 $0xFFFFFEF7, lr;
	s5 =	simm.s32 $0xFFFFFFFF;
	p2 =	slt.u32 s8, $0xFFFFF086  }
0x1c: {  	p1 =	slt.u32 s9, $0xF7A;
	s5 =	simm.s32 @!p2 $0x0  }
0x1d: {  	s5 =	simm.s32 @p1 $0x1;
	p0 =	seq.s32 s7, s2  }
0x1e: {  	s7 =	smul.u32 @!p0 $0xF7A, s2;
	p2 =	seq.s32 @!p0 s5, $0x0  }
0x1f: {  	s9 =	smul.u32 $0xF7A, s1;
	s8 =	simm.s32 @!p0 $0x1BF5;
	p2 =	por !p2, p0  }
0x20: {  	[sflag:s8] =	ssyncset.s32 @!p0 $0xFFFFF086;
	s6 =	sadd.s32 @!p0 s3, s7;
	s7 =	simm.s32 @!p0 $0x108  }
0x21: {  	s3 =	sadd.s32 s3, s9;
	s6 =	sadd.s32 @!p0 $0x88, s6;
	s7 =	simm.s32 @p2 $0x1082  }
0x22: {  	[simem:s7], [sflag:s8] =	dma.local @!p0 [hbm:s6], $0xF7A  }
0x23: {  	s9 =	sor.u32 $0xD0000000, s2;
	s6 =	simm.s32 $0x108;
	_ =	swait.ge @!p0 [sflag:s8], $0x0  }
0x24: {  	s3 =	sadd.s32 $0x88, s3;
	s6 =	simm.s32 @!p1 $0x1082;
	[sflag:s4] =	ssyncset.s32 $0xFFFFF086  }
0x25: {  	[simem:s6], [sflag:s4] =	dma.local [hbm:s3], $0xF7A  }
0x26: {  	[smem:$0x3F98] =	sst s1;
	(tag) =	ssettag s2;
	_ =	strace s9  }
0x27: {  	s1 =	sld [smem:$0x3FA8]  }
0x28: {  	s2 =	sld [smem:$0x3FA9]  }
0x29: {  	s4 =	sld [smem:$0x3FAB]  }
0x2a: {  	p0 =	seq.s32 s5, $0x0;
	s5 =	sld [smem:$0x3FAC]  }
0x2b: {  	s6 =	sld [smem:$0x3FAD]  }
0x2c: {  	s7 =	sld [smem:$0x3FAE]  }
0x2d: {  	s3 =	simm.s32 $0x108;
	s8 =	sld [smem:$0x3FAF]  }
0x2e: {  	s3 =	simm.s32 @!p0 $0x1082;
	s9 =	sld [smem:$0x3FB0]  }
0x2f: {  	lr =	sadd.s32 s0, s3;
	s0 =	sld [smem:$0x3FA7]  }
0x30: {  	s3 =	sld [smem:$0x3FAA]  }
0x31: {  	[smem:$0x3FB3] =	sst s10  }
0x32: {  	s10 =	sld [smem:$0x3FB1];
	_ =	sdelay $0x3  }
0x33: {  	p0 =	seq.s32 s10, $0x1;
	s10 =	sld [smem:$0x3FB3];
	_ =	sdelay $0x3  }
0x34: {  	[smem:$0x3FB3] =	sst s10  }
0x35: {  	s10 =	sld [smem:$0x3FB2];
	_ =	sdelay $0x3  }
0x36: {  	p1 =	seq.s32 s10, $0x1;
	s10 =	sld [smem:$0x3FB3];
	_ =	sdelay $0x3  }
0x37: {  	[smem:$0x3FB3] =	sst s10  }
0x38: {  	s10 =	sld [smem:$0x3FB4]  }
0x39: {  	_ = 	snop;
	(pc) =	sbr.ind lr, $3  }
0x3a: {  	_ = 	snop  }
0x3b: {  	_ = 	snop  }
0x3c: {  	p2 =	seq.s32 s10, $0x1;
	s10 =	sld [smem:$0x3FB3]  }
0x3d: {  	_ =	shalt  }
0x3e: {  	_ =	shalt  }
0x3f: {  	_ =	shalt  }
0x40: {  	_ =	shalt  }
0x41: {  	_ =	shalt  }
0x42: {  	_ =	shalt  }
0x43: {  	_ =	shalt  }
0x44: {  	_ =	shalt  }
0x45: {  	_ =	shalt  }
0x46: {  	_ =	shalt  }
0x47: {  	_ =	shalt  }
0x48: {  	_ =	shalt  }
0x49: {  	_ =	shalt  }
0x4a: {  	_ =	shalt  }
0x4b: {  	_ =	shalt  }
0x4c: {  	_ =	shalt  }
0x4d: {  	_ =	shalt  }
0x4e: {  	_ =	shalt  }
0x4f: {  	_ =	shalt  }
0x50: {  	_ =	shalt  }
0x51: {  	_ =	shalt  }
0x52: {  	_ =	shalt  }
0x53: {  	_ =	shalt  }
0x54: {  	_ =	shalt  }
0x55: {  	_ =	shalt  }
0x56: {  	_ =	shalt  }
0x57: {  	_ =	shalt  }
0x58: {  	_ =	shalt  }
0x59: {  	_ =	shalt  }
0x5a: {  	_ =	shalt  }
0x5b: {  	_ =	shalt  }
0x5c: {  	_ =	shalt  }
0x5d: {  	_ =	shalt  }
0x5e: {  	_ =	shalt  }
0x5f: {  	_ =	shalt  }
0x60: {  	_ =	shalt  }
0x61: {  	_ =	shalt  }
0x62: {  	_ =	shalt  }
0x63: {  	_ =	shalt  }
0x64: {  	_ =	shalt  }
0x65: {  	_ =	shalt  }
0x66: {  	_ =	shalt  }
0x67: {  	_ =	shalt  }
0x68: {  	_ =	shalt  }
0x69: {  	_ =	shalt  }
0x6a: {  	_ =	shalt  }
0x6b: {  	_ =	shalt  }
0x6c: {  	_ =	shalt  }
0x6d: {  	_ =	shalt  }
0x6e: {  	_ =	shalt  }
0x6f: {  	_ =	shalt  }
0x70: {  	_ =	shalt  }
0x71: {  	_ =	shalt  }
0x72: {  	_ =	shalt  }
0x73: {  	_ =	shalt  }
0x74: {  	_ =	shalt  }
0x75: {  	_ =	shalt  }
0x76: {  	_ =	shalt  }
0x77: {  	_ =	shalt  }
0x78: {  	_ =	shalt  }
0x79: {  	_ =	shalt  }
0x7a: {  	_ =	shalt  }
0x7b: {  	_ =	shalt  }
0x7c: {  	_ =	shalt  }
0x7d: {  	_ =	shalt  }
0x7e: {  	_ =	shalt  }
0x7f: {  	_ =	shalt  }
0x80: {  	_ =	shalt  }
0x81: {  	_ =	shalt  }
0x82: {  	_ =	shalt  }
0x83: {  	_ =	shalt  }
0x84: {  	_ =	shalt  }
0x85: {  	_ =	shalt  }
0x86: {  	_ =	shalt  }
0x87: {  	_ =	shalt  }
.Lfunc_end0:
.L_simem_size_0:
called_computation_lowered:
.L_overlay_start_0:
0x88: {  	s2 =	sld [smem:$0x3FD9]  }
0x89: {  	s3 =	sld [smem:$0x3FFE];
	_ =	sdelay $0x1  }
0x8a: {  	s1 =	srdreg.scid  }
0x8b: {  	s0 =	sand.u32 $0x1, s1  }
0x8c: {  	s16 =	sshll.u32 s0, $0xA;
	s2 =	sadd.s32 s3, s2  }
0x8d: {  	s2 =	sadd.s32 s2, s16  }
0x8e: {  	[smem:$0x3FBF] =	sst s2  }
0x8f: {  	_ = 	snop  }
0x90: {  	(tm) =	ssettm $0x1  }
0x91: {  	s17 =	sld [smem:$0x3FFB];
	_ =	sdelay $0x3  }
0x92: {  	_ =	strace s17  }
0x93: {  	s2 =	sld [smem:$0x3FFC];
	_ =	sdelay $0x3  }
0x94: {  	_ =	strace s2  }
0x95: {  	s2 =	sld [smem:$0x3FFD];
	_ =	sdelay $0x3  }
0x96: {  	_ =	strace s2  }
0x97: {  	_ =	strace $0x8FFFFFFF  }
0x98: {  	s18 =	sld [smem:$0x3FDB];
	_ =	sdelay $0x1  }
0x99: {  	s19 =	simm.s32 $_scs_section_size  }
0x9a: {  	s4 =	simm.s32 $_size__tile_overlayer_lowered;
	s5 =	simm.s32 $_tile_overlayer_lowered  }
0x9b: {  	s22 =	simm.s32 $0x1BFF;
	s21 =	sshll.u32 s5, $0x1;
	s2 =	sadd.s32 s19, s18  }
0x9c: {  	s6 =	simm.s32 $0x0;
	s20 =	sshll.u32 s4, $0x1;
	s4 =	sadd.s32 s21, s2  }
0x9d: {  	[timem:s6], [sflag:s22] =	dma.local [hbm:s4], s20  }
0x9e: {  	_ =	swait.ge [sflag:s22], s20  }
0x9f: {  	s3 =	ssub.s32 $0x0, s20;
	[sflag:s22] =	ssyncset.done $0x0  }
0xa0: {  	[sflag:s22] =	ssyncadd.s32 s3;
	_ =	sdelay $0x1  }
0xa1: {  	s23 =	simm.s32 $0x1B8B  }
0xa2: {  	_ =	swait.ge [sflag:s23], $0x1  }
0xa3: {  	[sflag:s23] =	ssyncset.done $0x0  }
0xa4: {  	s25 =	simm.s32 $0x1B8E;
	s24 =	sld [smem:$0x3FFE];
	[sflag:s23] =	ssyncadd.s32 $0xFFFFFFFF  }
0xa5: {  	s26 =	simm.s32 $execute0_lowered;
	[smem:$0x3FD2] =	sst s25  }
0xa6: {  	s4 =	sshll.u32 s26, $0x1;
	_ =	strace $0x80000046;
	[dreg:$0x1] =	wrdreg $0xFFFFFFFF  }
0xa7: {  	s28 =	simm.s32 $_size_execute0_lowered;
	s2 =	sadd.s32 s2, s4;
	[dreg:$0x0] =	wrdreg $0x0  }
0xa8: {  	s4 =	sshll.u32 s28, $0x1;
	[dreg:$0x2] =	wrdreg s2  }
0xa9: {  	[dreg:$0x3] =	wrdreg s4  }
0xaa: {  	[dreg:$0x4] =	wrdreg $0xC0  }
0xab: {  	_ =	task [dreg:s6], $0x5FFFF  }
0xac: {  	[dreg:$0x1] =	wrdreg $0xFFFFFFFF  }
0xad: {  	[dreg:$0x0] =	wrdreg $0x60  }
0xae: {  	[dreg:$0x2] =	wrdreg s24  }
0xaf: {  	[dreg:$0x3] =	wrdreg $0x53000  }
0xb0: {  	[dreg:$0x4] =	wrdreg $0x9  }
0xb1: {  	_ =	task.clear_ibuf [dreg:s6], $0x5FFFF;
	_ =	strace $0x90000046  }
0xb2: {  	s29 =	simm.s32 $0x9;
	_ =	strace $0x80000048  }
0xb3: {  	_ =	swait.ge [sflag:s29], $0x1  }
0xb4: {  	[sflag:s29] =	ssyncadd.s32 $0xFFFFFFFF  }
0xb5: {  	_ =	strace $0x90000048  }
0xb6: {  	_ =	sfence  }
0xb7: {  	s30 =	sld [smem:$0x0];
	_ =	sdelay $0x2  }
0xb8: {  	s31 =	sshll.u32 s1, $0xD;
	s1 =	sshrl.u32 s1, $0x2  }
0xb9: {  	s3 =	sand.u32 $0x4000, s31;
	s1 =	sadd.s32 s1, s30  }
0xba: {  	s0 =	sor.u32 s3, s0;
	s1 =	sshll.u32 s1, $0x11  }
0xbb: {  	s0 =	sor.u32 s1, s0  }
0xbc: {  	s0 =	sadd.s32 $0x8F2B, s0  }
0xbd: {  	[sflag:s0] =	ssyncadd.remote.s32 $0x1  }
0xbe: {  	_ =	sfence.sel $0xFFFF  }
0xbf: {  	[dreg:$0x0] =	wrdreg $0xFFFFFFFF;
	(pc) =	sbr.abs _section_cstart, $3  }
0xc0: {  	[dreg:$0x1] =	wrdreg $0xFFFFFFFF  }
0xc1: {  	_ =	task.clear_ibuf [dreg:s6], $0x2FFFF;
	_ =	strace $0x9FFFFFFF  }
0xc2: {  	(tm) =	ssettm $0x7FFFFFFF  }
0xc3: {  	_ =	shalt  }
tec
execute0_lowered:
.L_overlay_start_1:
0x0: {  	(tag) =	ssettag $0x1  }
0x1: {  	s1 =	srdreg.scid;
	s4 =	rddreg [dreg:$0x0]  }
0x2: {  	s0 =	stileid.u32;
	s2 =	rddreg [dreg:$0x1];
	s3 =	simm.s32 $0x0  }
0x3: {  	s10 =	simm.s32 $0x80;
	s11 =	simm.s32 $0x5000;
	s12 =	simm.s32 $0x1  }
0x4: {  	s13 =	simm.s32 $0x2;
	s14 =	simm.s32 $0x3;
	s15 =	simm.s32 $0x4  }
0x5: {  	s16 =	simm.s32 $0x5;
	s17 =	simm.s32 $0x6;
	s18 =	simm.s32 $0x7  }
0x6: {  	s19 =	simm.s32 $0x8;
	s22 =	simm.s32 $0x20;
	s23 =	simm.s32 $0x10  }
0x7: {  	s24 =	simm.s32 $0x0;
	s5 =	sand.u32 $0x1, s1;
	s7 =	smul.u32 $0x500, s0  }
0x8: {  	s30 =	sshll.u32 s0, $0x1;
	[smem:$0x7FF] =	sst s3;
	s9 =	smul.u32 $0xA00, s0  }
0x9: {  	s20 =	sshll.u32 s0, $0x6;
	s6 =	sor.u32 s5, s30;
	_ =	strace $0x80000047  }
0xa: {  	s8 =	sshll.u32 s5, $0x7;
	s5 =	ssub.s32 $0x2, s5;
	s20 =	sor.u32 $0x1C09, s20  }
0xb: {  	s6 =	smul.u32 $0xA00, s6;
	s7 =	sor.u32 s8, s7;
	s31 =	sshrl.u32 s5, $0x1  }
0xc: {  	s9 =	sshrl.u32 s9, $0x2;
	s7 =	sshrl.u32 s7, $0x3;
	s8 =	ssub.s32 s5, s31  }
0xd: {  	s6 =	sadd.s32 s6, s4;
	s7 =	sadd.s32 s7, s4;
	s4 =	sadd.s32 s9, s2  }
0xe: {  	s9 =	simm.s32 $0x9;
	s5 =	sadd.s32 $0x2400, s6;
	s6 =	sadd.s32 $0x16400, s7  }
0xf: {  	v0 =	vimm.f32 $1.000000000e+00;
	v1 =	vimm.f32 $0.0e+00;
	s7 =	smax.u32 s8, $0x1;
	s8 =	simm.s32 $0x5080;
	s21 =	sshrl.u32 s4, $0x3  }
.LBB2_1:
0x10: {  	[tilespmem:$0x5000] =	vst v0  }
0x11: {  	[tilespmem:$0x5010] =	vst v0  }
0x12: {  	[tilespmem:$0x5020] =	vst v0  }
0x13: {  	[tilespmem:$0x5030] =	vst v0  }
0x14: {  	[tilespmem:$0x5040] =	vst v0  }
0x15: {  	[tilespmem:$0x5050] =	vst v0  }
0x16: {  	[tilespmem:$0x5060] =	vst v0  }
0x17: {  	[tilespmem:$0x5070] =	vst v0  }
0x18: {  	[tilespmem:$0x5080] =	vst v1  }
0x19: {  	[tilespmem:$0x5090] =	vst v1  }
0x1a: {  	[tilespmem:$0x50A0] =	vst v1  }
0x1b: {  	[tilespmem:$0x50B0] =	vst v1  }
0x1c: {  	[tilespmem:$0x50C0] =	vst v1  }
0x1d: {  	[tilespmem:$0x50D0] =	vst v1  }
0x1e: {  	[tilespmem:$0x50E0] =	vst v1  }
0x1f: {  	[tilespmem:$0x50F0] =	vst v1  }
0x20: {  	[tilespmem:$0x5100] =	vst v1  }
0x21: {  	[tilespmem:$0x5110] =	vst v1  }
0x22: {  	[tilespmem:$0x5120] =	vst v1  }
0x23: {  	[tilespmem:$0x5130] =	vst v1  }
0x24: {  	[tilespmem:$0x5140] =	vst v1  }
0x25: {  	[tilespmem:$0x5150] =	vst v1  }
0x26: {  	[tilespmem:$0x5160] =	vst v1  }
0x27: {  	[tilespmem:$0x5170] =	vst v1  }
0x28: {  	[tilespmem:$0x5180] =	vst v1  }
0x29: {  	[tilespmem:$0x5190] =	vst v1  }
0x2a: {  	[tilespmem:$0x51A0] =	vst v1  }
0x2b: {  	[tilespmem:$0x51B0] =	vst v1  }
0x2c: {  	[tilespmem:$0x51C0] =	vst v1  }
0x2d: {  	[tilespmem:$0x51D0] =	vst v1  }
0x2e: {  	[tilespmem:$0x51E0] =	vst v1  }
0x2f: {  	[tilespmem:$0x51F0] =	vst v1  }
0x30: {  	[tilespmem:$0x5200] =	vst v1  }
0x31: {  	[tilespmem:$0x5210] =	vst v1  }
0x32: {  	[tilespmem:$0x5220] =	vst v1  }
0x33: {  	[tilespmem:$0x5230] =	vst v1  }
0x34: {  	[tilespmem:$0x5240] =	vst v1  }
0x35: {  	[tilespmem:$0x5250] =	vst v1  }
0x36: {  	[tilespmem:$0x5260] =	vst v1  }
0x37: {  	[tilespmem:$0x5270] =	vst v1  }
0x38: {  	[tilespmem:$0x5280] =	vst v1  }
0x39: {  	[tilespmem:$0x5290] =	vst v1  }
0x3a: {  	[tilespmem:$0x52A0] =	vst v1  }
0x3b: {  	[tilespmem:$0x52B0] =	vst v1  }
0x3c: {  	[tilespmem:$0x52C0] =	vst v1  }
0x3d: {  	[tilespmem:$0x52D0] =	vst v1  }
0x3e: {  	[tilespmem:$0x52E0] =	vst v1  }
0x3f: {  	[tilespmem:$0x52F0] =	vst v1  }
0x40: {  	[spmem:s4] =	stream.linear.scatter [tilespmem:s8], [sflag:$0x9], $0x280, $0x38;
	[tilespmem:$0x5580] =	vst v63  }
0x41: {  	_ =	swait.ge [sflag:s9], $0x280  }
0x42: {  	[sflag:s9] =	ssyncset.done $0x0  }
0x43: {  	[sflag:s9] =	ssyncadd.s32 $0xFFFFFD80  }
0x44: {  	[tilespmem:s3], [sflag:$0x9] =	stream.linear.gather [hbm4b:s5+s3], $0x5000, $0x38;
	[tilespmem:$0x5580] =	vst v63  }
0x45: {  	p0 =	por $0x1, $0x1;
	_ =	swait.ge [sflag:s9], $0x5000  }
0x46: {  	p1 =	por p0, p0;
	[sflag:s9] =	ssyncset.done $0x0  }
0x47: {  	s25 =	sand.u32 @!p1 $0x7, s3;
	[sflag:s9] =	ssyncadd.s32 $0xFFFFB000  }
0x48: {  	s26 =	simm.s32 $0x1;
	s29 =	sadd.s32 @!p1 $0x1, s25;
	[bflag:$0x0] =	sbarrier.arrive $0xFFFF  }
0x49: {  	s28 =	simm.s32 $0x2;
	s25 =	smov.u32 @p1 s3;
	_ =	swait.ge @!p1 [sflag:s29], $0x80  }
0x4a: {  	p0 =	por $0x1, $0x1;
	s30 =	sadd.s32 $0x1, s25;
	[sflag:s29] =	ssyncset.done @!p1 $0x0  }
0x4b: {  	s25 =	simm.s32 $0x180;
	[sflag:s29] =	ssyncadd.s32 @!p1 $0xFFFFFF80;
	s29 =	simm.s32 $0x80  }
.LBB2_2:
0x4c: {  	[spmem:s2] =	stream.indirect.scatter.add.f32 [tilespmem:s11], [sflag:s30], $0x1, s29, s10, $0xb8;
	[tilespmem:$0x5580] =	vst v63  }
0x4d: {  	s30 =	smov.u32 s28  }
0x4e: {  	p1 =	por p0, p0;
	p0 =	slt.u32 s28, $0x8;
	s28 =	sadd.s32 $0x1, s28  }
0x4f: {  	s29 =	smov.u32 s25;
	p2 =	sne.s32 s28, $0x50  }
.Ltmp0:
0x50: {  	s31 =	sand.u32 @!p1 $0x7, s26;
	(pc) =	sbr.rel @p2 .LBB2_2-.Ltmp0, $4  }
0x51: {  	s1 =	sadd.s32 @!p1 $0x1, s31;
	s31 =	smov.u32 @p1 s26  }
0x52: {  	s26 =	smov.u32 s30;
	_ =	swait.ge @!p1 [sflag:s1], $0x80  }
0x53: {  	[sflag:s1] =	ssyncset.done @!p1 $0x0  }
0x54: {  	s25 =	sadd.s32 $0x100, s25;
	s30 =	sadd.s32 $0x1, s31;
	[sflag:s1] =	ssyncadd.s32 @!p1 $0xFFFFFF80  }
0x55: {  	[spmem:s2] =	stream.indirect.scatter.add.f32 [tilespmem:s11], [sflag:s30], $0x1, s29, s10, $0xb8;
	[tilespmem:$0x5580] =	vst v63  }
0x56: {  	p0 =	por p0, p0  }
0x57: {  	s1 =	sand.u32 @!p0 $0x7, s26  }
0x58: {  	s28 =	sadd.s32 @!p0 $0x1, s1  }
0x59: {  	_ =	swait.ge @!p0 [sflag:s28], $0x80  }
0x5a: {  	s1 =	smov.u32 @p0 s26;
	[sflag:s28] =	ssyncset.done @!p0 $0x0  }
0x5b: {  	s1 =	sadd.s32 $0x1, s1;
	[sflag:s28] =	ssyncadd.s32 @!p0 $0xFFFFFF80  }
0x5c: {  	[spmem:s2] =	stream.indirect.scatter.add.f32 [tilespmem:s11], [sflag:s1], $0x1, s25, s10, $0xb8;
	[tilespmem:$0x5580] =	vst v63  }
0x5d: {  	_ =	swait.ge [sflag:s12], $0x80  }
0x5e: {  	[sflag:s12] =	ssyncset.done $0x0  }
0x5f: {  	[sflag:s12] =	ssyncadd.s32 $0xFFFFFF80  }
0x60: {  	_ =	swait.ge [sflag:s13], $0x80  }
0x61: {  	[sflag:s13] =	ssyncset.done $0x0  }
0x62: {  	[sflag:s13] =	ssyncadd.s32 $0xFFFFFF80  }
0x63: {  	_ =	swait.ge [sflag:s14], $0x80  }
0x64: {  	[sflag:s14] =	ssyncset.done $0x0  }
0x65: {  	[sflag:s14] =	ssyncadd.s32 $0xFFFFFF80  }
0x66: {  	_ =	swait.ge [sflag:s15], $0x80  }
0x67: {  	[sflag:s15] =	ssyncset.done $0x0  }
0x68: {  	[sflag:s15] =	ssyncadd.s32 $0xFFFFFF80  }
0x69: {  	_ =	swait.ge [sflag:s16], $0x80  }
0x6a: {  	[sflag:s16] =	ssyncset.done $0x0  }
0x6b: {  	[sflag:s16] =	ssyncadd.s32 $0xFFFFFF80  }
0x6c: {  	_ =	swait.ge [sflag:s17], $0x80  }
0x6d: {  	[sflag:s17] =	ssyncset.done $0x0  }
0x6e: {  	[sflag:s17] =	ssyncadd.s32 $0xFFFFFF80  }
0x6f: {  	_ =	swait.ge [sflag:s18], $0x80  }
0x70: {  	[sflag:s18] =	ssyncset.done $0x0  }
0x71: {  	[sflag:s18] =	ssyncadd.s32 $0xFFFFFF80  }
0x72: {  	_ =	swait.ge [sflag:s19], $0x80  }
0x73: {  	s24 =	sadd.s32 $0x1, s24;
	[sflag:s19] =	ssyncset.done $0x0  }
0x74: {  	p0 =	sne.s32 s24, s7;
	[sflag:s19] =	ssyncadd.s32 $0xFFFFFF80  }
.Ltmp1:
0x75: {  	[bflag:$0x0] =	sbarrier.arrive $0xFFFF;
	(pc) =	sbr.rel @p0 .LBB2_1-.Ltmp1, $4  }
0x76: {  	[hbm:s6@s22], [sflag:s20] =	dma.strided [spmem:s21@s23], $0x50, s12, $0x10   }
0x77: {  	_ =	swait.ge [sflag:s9], $0x50  }
0x78: {  	[sflag:s9] =	ssyncset.done $0x0  }
0x79: {  	[sflag:s9] =	ssyncadd.s32 $0xFFFFFFB0  }
0x7a: {  	_ =	sfence.sel $0x180000  }
0x7b: {  	[bflag:$0x0] =	sbarrier.arrive $0xFFFF  }
0x7c: {  	_ =	strace $0x90000047  }
0x7d: {  	[bflag:$0x2] =	sbarrier.arrive $0xFFFF  }
0x7e: {  	p0 =	sne.s32 s0, $0x0;
	s0 =	rddreg [dreg:$0x2]  }
0x7f: {  	s0 =	sadd.s32 @!p0 $0x100000, s0  }
0x80: {  	[sflag:s0] =	ssyncadd.tile.s32 @!p0 $0x1;
	_ =	shalt  }
.Lfunc_end2:
_tile_overlayer_lowered:
.L_overlay_start_2:
0x81: {  	(tag) =	ssettag $0x2  }
0x82: {  	s0 =	rddreg [dreg:$0x0];
	s2 =	stileid.u32  }
0x83: {  	s1 =	rddreg [dreg:$0x1];
	p0 =	sne.s32 s2, $0x0  }
0x84: {  	s3 =	rddreg [dreg:$0x2];
	[bflag:$0x3] =	sbarrier.arrive $0xFFFF;
	s2 =	simm.s32 @!p0 $0x1C09  }
0x85: {  	[timem:s3], [sflag:s2] =	dma.local @!p0 [hbm:s0], s1  }
0x86: {  	s0 =	simm.s32 @!p0 $0x9  }
0x87: {  	_ =	swait.ge @!p0 [sflag:s0], s1  }
0x88: {  	s1 =	ssub.s32 @!p0 $0x0, s1;
	[sflag:s0] =	ssyncset.done @!p0 $0x0  }
0x89: {  	[sflag:s0] =	ssyncadd.s32 @!p0 s1  }
0x8a: {  	[bflag:$0x3] =	sbarrier.arrive $0xFFFF  }
0x8b: {  	_ =	shalt  }

</sc_bundles>
